<compile_context>
chip_gen: v7x
topology: tpu7x:2x2x1
jax: 0.10.2.dev20260603
libtpu: 0.0.44.dev20260713+nightly
codegen_flags: <defaults>
</compile_context>

<pallas_src>
import functools

import jax
import jax.numpy as jnp
from jax import lax
from jax.experimental import pallas as pl
from jax.experimental.pallas import tpu as pltpu
from jax.experimental.pallas import tpu_sc as plsc

_CH = 128
_CM = 1
_ZB = 40
_ZSPAN = 640


def _make_sc_agg(n_rows, d, e_pad, dt=jnp.float32):
    info = plsc.get_sparse_core_info()
    nc, ns = info.num_cores, info.num_subcores
    nw = nc * ns
    epw = e_pad // nw
    assert epw % _CH == 0 and epw * nw == e_pad
    nch = epw // _CH
    acc_rows = ns * _ZSPAN
    assert acc_rows >= n_rows + 1
    mesh = plsc.VectorSubcoreMesh(core_axis_name="c", subcore_axis_name="s")

    assert nch % _CM == 0
    nck = nch // _CM

    @functools.partial(
        pl.kernel,
        out_type=jax.ShapeDtypeStruct((nc, acc_rows, d), jnp.float32),
        mesh=mesh,
        scratch_types=[
            pltpu.VMEM((_CM * _CH,), jnp.int32),
            pltpu.VMEM((_CM * _CH,), jnp.int32),
            pltpu.VMEM((_CM * _CH, d), dt),
            pltpu.VMEM((_ZB, d), jnp.float32),
            pltpu.VMEM_SHARED((acc_rows, d), jnp.float32),
            pltpu.SemaphoreType.DMA,
        ],
    )
    def agg(h_hbm, src_hbm, dst_hbm, out_hbm, sidx, didx, rows, zbuf, acc, sem):
        cid = lax.axis_index("c")
        sid = lax.axis_index("s")
        wid = sid * nc + cid

        def zrow(r, carry):
            for c16 in range(d // 16):
                zbuf[r, pl.ds(c16 * 16, 16)] = jnp.zeros((16,), jnp.float32)
            return carry

        lax.fori_loop(0, _ZB, zrow, 0)
        for z in range(_ZSPAN // _ZB):
            pltpu.sync_copy(zbuf, acc.at[pl.ds(sid * _ZSPAN + z * _ZB, _ZB)])
        plsc.subcore_barrier()

        row_base = wid * nck

        def body(ch, carry):
            base = row_base + ch
            pltpu.sync_copy(src_hbm.at[base], sidx)
            g = pltpu.async_copy(h_hbm.at[sidx], rows, sem)
            pltpu.sync_copy(dst_hbm.at[base], didx)
            g.wait()
            pltpu.sync_copy(rows, acc.at[didx], add=True)
            return carry

        lax.fori_loop(0, nck, body, 0)
        plsc.subcore_barrier()
        pltpu.sync_copy(acc.at[pl.ds(sid * _ZSPAN, _ZSPAN)],
                        out_hbm.at[cid, pl.ds(sid * _ZSPAN, _ZSPAN)])

    return agg


_BN = 400


def _mm(x, w):
    n, k = x.shape
    m = w.shape[1]

    def body(x_ref, w_ref, o_ref):
        o_ref[...] = jnp.dot(x_ref[...], w_ref[...],
                             preferred_element_type=jnp.float32)

    return pl.pallas_call(
        body,
        grid=(n // _BN,),
        in_specs=[pl.BlockSpec((_BN, k), lambda i: (i, 0)),
                  pl.BlockSpec((k, m), lambda i: (0, 0))],
        out_specs=pl.BlockSpec((_BN, m), lambda i: (i, 0)),
        out_shape=jax.ShapeDtypeStruct((n, m), jnp.float32),
    )(x, w)


def _layer_mid(p, b, w, res, n):
    d = p.shape[2]
    m = w.shape[1]
    have_res = res is not None

    def body(p_ref, b_ref, w_ref, *rest):
        if have_res:
            r_ref, x_ref, h_ref = rest
        else:
            x_ref, h_ref = rest
        x = jnp.maximum(p_ref[0] + p_ref[1] + b_ref[...], 0.0)
        if have_res:
            x = x + r_ref[...]
        x_ref[...] = x
        h_ref[...] = jnp.dot(x, w_ref[...], preferred_element_type=jnp.float32)

    in_specs = [pl.BlockSpec((2, _BN, d), lambda i: (0, i, 0)),
                pl.BlockSpec((1, d), lambda i: (0, 0)),
                pl.BlockSpec((d, m), lambda i: (0, 0))]
    args = [p, b, w]
    if have_res:
        in_specs.append(pl.BlockSpec((_BN, d), lambda i: (i, 0)))
        args.append(res)
    return pl.pallas_call(
        body,
        grid=(n // _BN,),
        in_specs=in_specs,
        out_specs=[pl.BlockSpec((_BN, d), lambda i: (i, 0)),
                   pl.BlockSpec((_BN, m), lambda i: (i, 0))],
        out_shape=[jax.ShapeDtypeStruct((n, d), jnp.float32),
                   jax.ShapeDtypeStruct((n, m), jnp.float32)],
    )(*args)


def _epi_only(p, b, res, n):
    d = p.shape[2]

    def body(p_ref, b_ref, r_ref, x_ref):
        x_ref[...] = jnp.maximum(p_ref[0] + p_ref[1] + b_ref[...], 0.0) + r_ref[...]

    return pl.pallas_call(
        body,
        grid=(n // _BN,),
        in_specs=[pl.BlockSpec((2, _BN, d), lambda i: (0, i, 0)),
                  pl.BlockSpec((1, d), lambda i: (0, 0)),
                  pl.BlockSpec((_BN, d), lambda i: (i, 0))],
        out_specs=pl.BlockSpec((_BN, d), lambda i: (i, 0)),
        out_shape=jax.ShapeDtypeStruct((n, d), jnp.float32),
    )(p, b, res)


def _final(p, w, b, n):
    d = p.shape[2]
    m = w.shape[1]

    def body(p_ref, w_ref, b_ref, o_ref):
        o = jnp.dot(p_ref[0] + p_ref[1], w_ref[...],
                    preferred_element_type=jnp.float32) + b_ref[...]
        mx = jnp.max(o, axis=1, keepdims=True)
        e = jnp.exp(o - mx)
        lse = jnp.log(jnp.sum(e, axis=1, keepdims=True)) + mx
        o_ref[...] = o - lse

    return pl.pallas_call(
        body,
        grid=(n // _BN,),
        in_specs=[pl.BlockSpec((2, _BN, d), lambda i: (0, i, 0)),
                  pl.BlockSpec((d, m), lambda i: (0, 0)),
                  pl.BlockSpec((1, m), lambda i: (0, 0))],
        out_specs=pl.BlockSpec((_BN, m), lambda i: (i, 0)),
        out_shape=jax.ShapeDtypeStruct((n, m), jnp.float32),
    )(p, w, b)


def kernel(input, edge_index, W_in, b_in, W_h0, b_h0, W_h1, b_h1, W_out, b_out):
    n, nfeat = input.shape
    e = edge_index.shape[1]
    nhid = W_in.shape[1]
    nclass = W_out.shape[1]

    unit = 32 * _CH * _CM
    e_pad = ((e + unit - 1) // unit) * unit
    pad = e_pad - e
    src = edge_index[0]
    dst = edge_index[1]
    if pad:
        src = jnp.concatenate([src, jnp.zeros((pad,), jnp.int32)])
        dst = jnp.concatenate([dst, jnp.full((pad,), n, jnp.int32)])
    src = src.reshape(e_pad // (_CM * _CH), _CM * _CH)
    dst = dst.reshape(e_pad // (_CM * _CH), _CM * _CH)

    agg_h = _make_sc_agg(n, nhid, e_pad)

    b_in2 = b_in.reshape(1, nhid)
    b_h02 = b_h0.reshape(1, nhid)
    b_h12 = b_h1.reshape(1, nhid)
    b_out2 = b_out.reshape(1, nclass)

    h0 = _mm(input, W_in)
    p0 = agg_h(h0, src, dst)
    x1, h1 = _layer_mid(p0, b_in2, W_h0, None, n)
    p1 = agg_h(h1, src, dst)
    x2, h2 = _layer_mid(p1, b_h02, W_h1, x1, n)
    p2 = agg_h(h2, src, dst)
    x3 = _epi_only(p2, b_h12, x2, n)
    p3 = agg_h(x3, src, dst)
    return _final(p3, W_out, b_out2, n)

# --- scband reference (transcript-rebuilt; emitter-appended) ---
"""Pipeline reference for scband-gcnflat-res-11106785427653 (READ-ONLY COPY).

The authoritative reference and input builder live on the scoring server;
editing this copy changes nothing except your own understanding.
"""

import jax, jax.numpy as jnp
import numpy as np

N = 10000
E = 320000
NFEAT = 128
NHID = 128
NCLASS = 64


def _glorot(key, shape):
    s = float(np.sqrt(6.0 / (shape[0] + shape[1])))
    return jax.random.uniform(key, shape, dtype=jnp.float32, minval=-s, maxval=s)


def setup_inputs(seed: int = 0) -> dict:
    key = jax.random.key(seed)
    ks = jax.random.split(key, 12)
    inp = {}
    inp["input"] = jax.random.normal(ks[0], (N, NFEAT), dtype=jnp.float32)
    inp["edge_index"] = jax.random.randint(ks[1], (2, E), 0, N, dtype=jnp.int32)
    # GraphConvolution ingc: nfeat -> nhid
    inp["W_in"] = _glorot(ks[2], (NFEAT, NHID))
    inp["b_in"] = jnp.zeros((NHID,), dtype=jnp.float32)
    # GCFlatResBlock: nreslayer=2 hidden GCN layers with flat residual connections
    inp["W_h0"] = _glorot(ks[3], (NHID, NHID))
    inp["b_h0"] = jnp.zeros((NHID,), dtype=jnp.float32)
    inp["W_h1"] = _glorot(ks[4], (NHID, NHID))
    inp["b_h1"] = jnp.zeros((NHID,), dtype=jnp.float32)
    # output GCN layer: nhid -> nclass
    inp["W_out"] = _glorot(ks[5], (NHID, NCLASS))
    inp["b_out"] = jnp.zeros((NCLASS,), dtype=jnp.float32)
    return inp


def reference(input, edge_index, W_in, b_in, W_h0, b_h0, W_h1, b_h1, W_out, b_out):
    src = edge_index[0]
    dst = edge_index[1]

    def gc(x, W, b):
        # GraphConvolution: adj @ (x @ W) + b, with sparse adj given as edge_index
        h = x @ W
        msg = jnp.take(h, src, axis=0)
        agg = jax.ops.segment_sum(msg, dst, num_segments=N)
        return agg + b

    # ingc with ReLU activation
    x = jax.nn.relu(gc(input, W_in, b_in))
    # dropout skipped (inference / eval mode)
    # GCFlatResBlock: residual GCN layers
    x = jax.nn.relu(gc(x, W_h0, b_h0)) + x
    x = jax.nn.relu(gc(x, W_h1, b_h1)) + x
    # output projection layer (no activation)
    out = gc(x, W_out, b_out)
    return jax.nn.log_softmax(out, axis=1)

if __name__ == "__main__":
    import jax
    _d = setup_inputs()
    print(jax.jit(kernel)(*tuple(_d.values())))

</pallas_src>

<mosaic_0001>
#map = affine_map<(d0, d1) -> (0, 0)>
#map1 = affine_map<(d0, d1) -> (0, 0, 0)>
module attributes {stable_mosaic.version = 14 : i64} {
  func.func @agg(%arg0: i32, %arg1: i32, %arg2: memref<10000x128xf32, #tpu.memory_space<hbm>>, %arg3: memref<2528x128xi32, #tpu.memory_space<hbm>>, %arg4: memref<2528x128xi32, #tpu.memory_space<hbm>>, %arg5: memref<2x10240x128xf32, #tpu.memory_space<hbm>>, %arg6: memref<128xi32, #tpu.memory_space<vmem>>, %arg7: memref<128xi32, #tpu.memory_space<vmem>>, %arg8: memref<128x128xf32, #tpu.memory_space<vmem>>, %arg9: memref<40x128xf32, #tpu.memory_space<vmem>>, %arg10: memref<10240x128xf32, #tpu.memory_space<vmem_shared>>, %arg11: memref<!tpu.dma_semaphore, #tpu.memory_space<semaphore_mem>>) attributes {dimension_semantics = [#tpu.dimension_semantics<core_parallel>, #tpu.dimension_semantics<subcore_parallel>], iteration_bounds = array<i64: 2, 16>, scalar_prefetch = 0 : i64, scratch_operands = 6 : i64, tpu.core_type = #tpu.core_type<sc_vector_subcore>, window_params = [{transform_indices = #map}, {transform_indices = #map}, {transform_indices = #map}, {transform_indices = #map1}]} {
    %mul3A = arith.constant 2 : i32
    %mul3A_0 = arith.muli %arg1, %mul3A : i32
    %add3A = arith.addi %mul3A_0, %arg0 : i32
    %scan3A = arith.constant 0 : i32
    %scan3A_1 = arith.constant 0 : i32
    %scan3A_2 = arith.constant 40 : i32
    %scan3A_3 = arith.addi %scan3A_1, %scan3A_2 : i32
    %scan3A_4 = arith.constant 1 : i32
    scf.for %scan3A_83 = %scan3A_1 to %scan3A_3 step %scan3A_4  : i32 {
      %broadcast_in_dim3A = arith.constant 0.000000e+00 : f32
      %broadcast_in_dim3A_84 = vector.broadcast %broadcast_in_dim3A : f32 to vector<16xf32>
      %swap3A = arith.index_cast %scan3A_83 : i32 to index
      %swap3A_85 = arith.constant 0 : index
      %swap3A_86 = tpu.vector_load %arg9[%swap3A, %swap3A_85] {strides = array<i32>} : memref<40x128xf32, #tpu.memory_space<vmem>>, vector<1x16xf32>,
      %swap3A_87 = vector.shape_cast %swap3A_86 : vector<1x16xf32> to vector<16xf32>
      %swap3A_88 = vector.shape_cast %broadcast_in_dim3A_84 : vector<16xf32> to vector<1x16xf32>
      tpu.vector_store %arg9[%swap3A, %swap3A_85], %swap3A_88 {strides = array<i32>} : memref<40x128xf32, #tpu.memory_space<vmem>>, vector<1x16xf32>,
      %broadcast_in_dim3A_89 = arith.constant 0.000000e+00 : f32
      %broadcast_in_dim3A_90 = vector.broadcast %broadcast_in_dim3A_89 : f32 to vector<16xf32>
      %swap3A_91 = arith.index_cast %scan3A_83 : i32 to index
      %swap3A_92 = arith.constant 16 : index
      %swap3A_93 = tpu.vector_load %arg9[%swap3A_91, %swap3A_92] {strides = array<i32>} : memref<40x128xf32, #tpu.memory_space<vmem>>, vector<1x16xf32>,
      %swap3A_94 = vector.shape_cast %swap3A_93 : vector<1x16xf32> to vector<16xf32>
      %swap3A_95 = vector.shape_cast %broadcast_in_dim3A_90 : vector<16xf32> to vector<1x16xf32>
      tpu.vector_store %arg9[%swap3A_91, %swap3A_92], %swap3A_95 {strides = array<i32>} : memref<40x128xf32, #tpu.memory_space<vmem>>, vector<1x16xf32>,
      %broadcast_in_dim3A_96 = arith.constant 0.000000e+00 : f32
      %broadcast_in_dim3A_97 = vector.broadcast %broadcast_in_dim3A_96 : f32 to vector<16xf32>
      %swap3A_98 = arith.index_cast %scan3A_83 : i32 to index
      %swap3A_99 = arith.constant 32 : index
      %swap3A_100 = tpu.vector_load %arg9[%swap3A_98, %swap3A_99] {strides = array<i32>} : memref<40x128xf32, #tpu.memory_space<vmem>>, vector<1x16xf32>,
      %swap3A_101 = vector.shape_cast %swap3A_100 : vector<1x16xf32> to vector<16xf32>
      %swap3A_102 = vector.shape_cast %broadcast_in_dim3A_97 : vector<16xf32> to vector<1x16xf32>
      tpu.vector_store %arg9[%swap3A_98, %swap3A_99], %swap3A_102 {strides = array<i32>} : memref<40x128xf32, #tpu.memory_space<vmem>>, vector<1x16xf32>,
      %broadcast_in_dim3A_103 = arith.constant 0.000000e+00 : f32
      %broadcast_in_dim3A_104 = vector.broadcast %broadcast_in_dim3A_103 : f32 to vector<16xf32>
      %swap3A_105 = arith.index_cast %scan3A_83 : i32 to index
      %swap3A_106 = arith.constant 48 : index
      %swap3A_107 = tpu.vector_load %arg9[%swap3A_105, %swap3A_106] {strides = array<i32>} : memref<40x128xf32, #tpu.memory_space<vmem>>, vector<1x16xf32>,
      %swap3A_108 = vector.shape_cast %swap3A_107 : vector<1x16xf32> to vector<16xf32>
      %swap3A_109 = vector.shape_cast %broadcast_in_dim3A_104 : vector<16xf32> to vector<1x16xf32>
      tpu.vector_store %arg9[%swap3A_105, %swap3A_106], %swap3A_109 {strides = array<i32>} : memref<40x128xf32, #tpu.memory_space<vmem>>, vector<1x16xf32>,
      %broadcast_in_dim3A_110 = arith.constant 0.000000e+00 : f32
      %broadcast_in_dim3A_111 = vector.broadcast %broadcast_in_dim3A_110 : f32 to vector<16xf32>
      %swap3A_112 = arith.index_cast %scan3A_83 : i32 to index
      %swap3A_113 = arith.constant 64 : index
      %swap3A_114 = tpu.vector_load %arg9[%swap3A_112, %swap3A_113] {strides = array<i32>} : memref<40x128xf32, #tpu.memory_space<vmem>>, vector<1x16xf32>,
      %swap3A_115 = vector.shape_cast %swap3A_114 : vector<1x16xf32> to vector<16xf32>
      %swap3A_116 = vector.shape_cast %broadcast_in_dim3A_111 : vector<16xf32> to vector<1x16xf32>
      tpu.vector_store %arg9[%swap3A_112, %swap3A_113], %swap3A_116 {strides = array<i32>} : memref<40x128xf32, #tpu.memory_space<vmem>>, vector<1x16xf32>,
      %broadcast_in_dim3A_117 = arith.constant 0.000000e+00 : f32
      %broadcast_in_dim3A_118 = vector.broadcast %broadcast_in_dim3A_117 : f32 to vector<16xf32>
      %swap3A_119 = arith.index_cast %scan3A_83 : i32 to index
      %swap3A_120 = arith.constant 80 : index
      %swap3A_121 = tpu.vector_load %arg9[%swap3A_119, %swap3A_120] {strides = array<i32>} : memref<40x128xf32, #tpu.memory_space<vmem>>, vector<1x16xf32>,
      %swap3A_122 = vector.shape_cast %swap3A_121 : vector<1x16xf32> to vector<16xf32>
      %swap3A_123 = vector.shape_cast %broadcast_in_dim3A_118 : vector<16xf32> to vector<1x16xf32>
      tpu.vector_store %arg9[%swap3A_119, %swap3A_120], %swap3A_123 {strides = array<i32>} : memref<40x128xf32, #tpu.memory_space<vmem>>, vector<1x16xf32>,
      %broadcast_in_dim3A_124 = arith.constant 0.000000e+00 : f32
      %broadcast_in_dim3A_125 = vector.broadcast %broadcast_in_dim3A_124 : f32 to vector<16xf32>
      %swap3A_126 = arith.index_cast %scan3A_83 : i32 to index
      %swap3A_127 = arith.constant 96 : index
      %swap3A_128 = tpu.vector_load %arg9[%swap3A_126, %swap3A_127] {strides = array<i32>} : memref<40x128xf32, #tpu.memory_space<vmem>>, vector<1x16xf32>,
      %swap3A_129 = vector.shape_cast %swap3A_128 : vector<1x16xf32> to vector<16xf32>
      %swap3A_130 = vector.shape_cast %broadcast_in_dim3A_125 : vector<16xf32> to vector<1x16xf32>
      tpu.vector_store %arg9[%swap3A_126, %swap3A_127], %swap3A_130 {strides = array<i32>} : memref<40x128xf32, #tpu.memory_space<vmem>>, vector<1x16xf32>,
      %broadcast_in_dim3A_131 = arith.constant 0.000000e+00 : f32
      %broadcast_in_dim3A_132 = vector.broadcast %broadcast_in_dim3A_131 : f32 to vector<16xf32>
      %swap3A_133 = arith.index_cast %scan3A_83 : i32 to index
      %swap3A_134 = arith.constant 112 : index
      %swap3A_135 = tpu.vector_load %arg9[%swap3A_133, %swap3A_134] {strides = array<i32>} : memref<40x128xf32, #tpu.memory_space<vmem>>, vector<1x16xf32>,
      %swap3A_136 = vector.shape_cast %swap3A_135 : vector<1x16xf32> to vector<16xf32>
      %swap3A_137 = vector.shape_cast %broadcast_in_dim3A_132 : vector<16xf32> to vector<1x16xf32>
      tpu.vector_store %arg9[%swap3A_133, %swap3A_134], %swap3A_137 {strides = array<i32>} : memref<40x128xf32, #tpu.memory_space<vmem>>, vector<1x16xf32>,
    }
    %scan3A_5 = arith.constant 40 : i32
    %mul3A_6 = arith.constant 640 : i32
    %mul3A_7 = arith.muli %arg1, %mul3A_6 : i32
    %add3A_8 = arith.constant 0 : i32
    %add3A_9 = arith.addi %mul3A_7, %add3A_8 : i32
    "tpu.region"() ({
      %run_scoped3A = tpu.sem_alloc : memref<!tpu.dma_semaphore, #tpu.memory_space<semaphore_mem>>
      %dma_start3A = arith.constant 0 : i32
      %dma_start3A_83 = tpu.memref_slice %arg10[%add3A_9, %dma_start3A] : memref<10240x128xf32, #tpu.memory_space<vmem_shared>> -> memref<40x128xf32, #tpu.memory_space<vmem_shared>>
      %dma_start3A_84 = arith.constant 0 : i32
      %dma_start3A_85 = tpu.memref_slice %arg10[%add3A_9, %dma_start3A_84] : memref<10240x128xf32, #tpu.memory_space<vmem_shared>> -> memref<40x128xf32, #tpu.memory_space<vmem_shared>>
      tpu.enqueue_dma source(%arg9 : memref<40x128xf32, #tpu.memory_space<vmem>>) target(%dma_start3A_85 : memref<40x128xf32, #tpu.memory_space<vmem_shared>>) target_semaphore(%run_scoped3A : memref<!tpu.dma_semaphore, #tpu.memory_space<semaphore_mem>>)
      %dma_wait3A = arith.constant 0 : i32
      %dma_wait3A_86 = tpu.memref_slice %arg10[%add3A_9, %dma_wait3A] : memref<10240x128xf32, #tpu.memory_space<vmem_shared>> -> memref<40x128xf32, #tpu.memory_space<vmem_shared>>
      %dma_wait3A_87 = arith.constant 0 : i32
      %dma_wait3A_88 = tpu.memref_slice %arg10[%add3A_9, %dma_wait3A_87] : memref<10240x128xf32, #tpu.memory_space<vmem_shared>> -> memref<40x128xf32, #tpu.memory_space<vmem_shared>>
      tpu.wait_dma2 semaphore(%run_scoped3A : memref<!tpu.dma_semaphore, #tpu.memory_space<semaphore_mem>>) src(%arg9 : memref<40x128xf32, #tpu.memory_space<vmem>>) dst(%dma_wait3A_88 : memref<40x128xf32, #tpu.memory_space<vmem_shared>>)
      tpu.yield
    }) : () -> ()
    %mul3A_10 = arith.constant 640 : i32
    %mul3A_11 = arith.muli %arg1, %mul3A_10 : i32
    %add3A_12 = arith.constant 40 : i32
    %add3A_13 = arith.addi %mul3A_11, %add3A_12 : i32
    "tpu.region"() ({
      %run_scoped3A = tpu.sem_alloc : memref<!tpu.dma_semaphore, #tpu.memory_space<semaphore_mem>>
      %dma_start3A = arith.constant 0 : i32
      %dma_start3A_83 = tpu.memref_slice %arg10[%add3A_13, %dma_start3A] : memref<10240x128xf32, #tpu.memory_space<vmem_shared>> -> memref<40x128xf32, #tpu.memory_space<vmem_shared>>
      %dma_start3A_84 = arith.constant 0 : i32
      %dma_start3A_85 = tpu.memref_slice %arg10[%add3A_13, %dma_start3A_84] : memref<10240x128xf32, #tpu.memory_space<vmem_shared>> -> memref<40x128xf32, #tpu.memory_space<vmem_shared>>
      tpu.enqueue_dma source(%arg9 : memref<40x128xf32, #tpu.memory_space<vmem>>) target(%dma_start3A_85 : memref<40x128xf32, #tpu.memory_space<vmem_shared>>) target_semaphore(%run_scoped3A : memref<!tpu.dma_semaphore, #tpu.memory_space<semaphore_mem>>)
      %dma_wait3A = arith.constant 0 : i32
      %dma_wait3A_86 = tpu.memref_slice %arg10[%add3A_13, %dma_wait3A] : memref<10240x128xf32, #tpu.memory_space<vmem_shared>> -> memref<40x128xf32, #tpu.memory_space<vmem_shared>>
      %dma_wait3A_87 = arith.constant 0 : i32
      %dma_wait3A_88 = tpu.memref_slice %arg10[%add3A_13, %dma_wait3A_87] : memref<10240x128xf32, #tpu.memory_space<vmem_shared>> -> memref<40x128xf32, #tpu.memory_space<vmem_shared>>
      tpu.wait_dma2 semaphore(%run_scoped3A : memref<!tpu.dma_semaphore, #tpu.memory_space<semaphore_mem>>) src(%arg9 : memref<40x128xf32, #tpu.memory_space<vmem>>) dst(%dma_wait3A_88 : memref<40x128xf32, #tpu.memory_space<vmem_shared>>)
      tpu.yield
    }) : () -> ()
    %mul3A_14 = arith.constant 640 : i32
    %mul3A_15 = arith.muli %arg1, %mul3A_14 : i32
    %add3A_16 = arith.constant 80 : i32
    %add3A_17 = arith.addi %mul3A_15, %add3A_16 : i32
    "tpu.region"() ({
      %run_scoped3A = tpu.sem_alloc : memref<!tpu.dma_semaphore, #tpu.memory_space<semaphore_mem>>
      %dma_start3A = arith.constant 0 : i32
      %dma_start3A_83 = tpu.memref_slice %arg10[%add3A_17, %dma_start3A] : memref<10240x128xf32, #tpu.memory_space<vmem_shared>> -> memref<40x128xf32, #tpu.memory_space<vmem_shared>>
      %dma_start3A_84 = arith.constant 0 : i32
      %dma_start3A_85 = tpu.memref_slice %arg10[%add3A_17, %dma_start3A_84] : memref<10240x128xf32, #tpu.memory_space<vmem_shared>> -> memref<40x128xf32, #tpu.memory_space<vmem_shared>>
      tpu.enqueue_dma source(%arg9 : memref<40x128xf32, #tpu.memory_space<vmem>>) target(%dma_start3A_85 : memref<40x128xf32, #tpu.memory_space<vmem_shared>>) target_semaphore(%run_scoped3A : memref<!tpu.dma_semaphore, #tpu.memory_space<semaphore_mem>>)
      %dma_wait3A = arith.constant 0 : i32
      %dma_wait3A_86 = tpu.memref_slice %arg10[%add3A_17, %dma_wait3A] : memref<10240x128xf32, #tpu.memory_space<vmem_shared>> -> memref<40x128xf32, #tpu.memory_space<vmem_shared>>
      %dma_wait3A_87 = arith.constant 0 : i32
      %dma_wait3A_88 = tpu.memref_slice %arg10[%add3A_17, %dma_wait3A_87] : memref<10240x128xf32, #tpu.memory_space<vmem_shared>> -> memref<40x128xf32, #tpu.memory_space<vmem_shared>>
      tpu.wait_dma2 semaphore(%run_scoped3A : memref<!tpu.dma_semaphore, #tpu.memory_space<semaphore_mem>>) src(%arg9 : memref<40x128xf32, #tpu.memory_space<vmem>>) dst(%dma_wait3A_88 : memref<40x128xf32, #tpu.memory_space<vmem_shared>>)
      tpu.yield
    }) : () -> ()
    %mul3A_18 = arith.constant 640 : i32
    %mul3A_19 = arith.muli %arg1, %mul3A_18 : i32
    %add3A_20 = arith.constant 120 : i32
    %add3A_21 = arith.addi %mul3A_19, %add3A_20 : i32
    "tpu.region"() ({
      %run_scoped3A = tpu.sem_alloc : memref<!tpu.dma_semaphore, #tpu.memory_space<semaphore_mem>>
      %dma_start3A = arith.constant 0 : i32
      %dma_start3A_83 = tpu.memref_slice %arg10[%add3A_21, %dma_start3A] : memref<10240x128xf32, #tpu.memory_space<vmem_shared>> -> memref<40x128xf32, #tpu.memory_space<vmem_shared>>
      %dma_start3A_84 = arith.constant 0 : i32
      %dma_start3A_85 = tpu.memref_slice %arg10[%add3A_21, %dma_start3A_84] : memref<10240x128xf32, #tpu.memory_space<vmem_shared>> -> memref<40x128xf32, #tpu.memory_space<vmem_shared>>
      tpu.enqueue_dma source(%arg9 : memref<40x128xf32, #tpu.memory_space<vmem>>) target(%dma_start3A_85 : memref<40x128xf32, #tpu.memory_space<vmem_shared>>) target_semaphore(%run_scoped3A : memref<!tpu.dma_semaphore, #tpu.memory_space<semaphore_mem>>)
      %dma_wait3A = arith.constant 0 : i32
      %dma_wait3A_86 = tpu.memref_slice %arg10[%add3A_21, %dma_wait3A] : memref<10240x128xf32, #tpu.memory_space<vmem_shared>> -> memref<40x128xf32, #tpu.memory_space<vmem_shared>>
      %dma_wait3A_87 = arith.constant 0 : i32
      %dma_wait3A_88 = tpu.memref_slice %arg10[%add3A_21, %dma_wait3A_87] : memref<10240x128xf32, #tpu.memory_space<vmem_shared>> -> memref<40x128xf32, #tpu.memory_space<vmem_shared>>
      tpu.wait_dma2 semaphore(%run_scoped3A : memref<!tpu.dma_semaphore, #tpu.memory_space<semaphore_mem>>) src(%arg9 : memref<40x128xf32, #tpu.memory_space<vmem>>) dst(%dma_wait3A_88 : memref<40x128xf32, #tpu.memory_space<vmem_shared>>)
      tpu.yield
    }) : () -> ()
    %mul3A_22 = arith.constant 640 : i32
    %mul3A_23 = arith.muli %arg1, %mul3A_22 : i32
    %add3A_24 = arith.constant 160 : i32
    %add3A_25 = arith.addi %mul3A_23, %add3A_24 : i32
    "tpu.region"() ({
      %run_scoped3A = tpu.sem_alloc : memref<!tpu.dma_semaphore, #tpu.memory_space<semaphore_mem>>
      %dma_start3A = arith.constant 0 : i32
      %dma_start3A_83 = tpu.memref_slice %arg10[%add3A_25, %dma_start3A] : memref<10240x128xf32, #tpu.memory_space<vmem_shared>> -> memref<40x128xf32, #tpu.memory_space<vmem_shared>>
      %dma_start3A_84 = arith.constant 0 : i32
      %dma_start3A_85 = tpu.memref_slice %arg10[%add3A_25, %dma_start3A_84] : memref<10240x128xf32, #tpu.memory_space<vmem_shared>> -> memref<40x128xf32, #tpu.memory_space<vmem_shared>>
      tpu.enqueue_dma source(%arg9 : memref<40x128xf32, #tpu.memory_space<vmem>>) target(%dma_start3A_85 : memref<40x128xf32, #tpu.memory_space<vmem_shared>>) target_semaphore(%run_scoped3A : memref<!tpu.dma_semaphore, #tpu.memory_space<semaphore_mem>>)
      %dma_wait3A = arith.constant 0 : i32
      %dma_wait3A_86 = tpu.memref_slice %arg10[%add3A_25, %dma_wait3A] : memref<10240x128xf32, #tpu.memory_space<vmem_shared>> -> memref<40x128xf32, #tpu.memory_space<vmem_shared>>
      %dma_wait3A_87 = arith.constant 0 : i32
      %dma_wait3A_88 = tpu.memref_slice %arg10[%add3A_25, %dma_wait3A_87] : memref<10240x128xf32, #tpu.memory_space<vmem_shared>> -> memref<40x128xf32, #tpu.memory_space<vmem_shared>>
      tpu.wait_dma2 semaphore(%run_scoped3A : memref<!tpu.dma_semaphore, #tpu.memory_space<semaphore_mem>>) src(%arg9 : memref<40x128xf32, #tpu.memory_space<vmem>>) dst(%dma_wait3A_88 : memref<40x128xf32, #tpu.memory_space<vmem_shared>>)
      tpu.yield
    }) : () -> ()
    %mul3A_26 = arith.constant 640 : i32
    %mul3A_27 = arith.muli %arg1, %mul3A_26 : i32
    %add3A_28 = arith.constant 200 : i32
    %add3A_29 = arith.addi %mul3A_27, %add3A_28 : i32
    "tpu.region"() ({
      %run_scoped3A = tpu.sem_alloc : memref<!tpu.dma_semaphore, #tpu.memory_space<semaphore_mem>>
      %dma_start3A = arith.constant 0 : i32
      %dma_start3A_83 = tpu.memref_slice %arg10[%add3A_29, %dma_start3A] : memref<10240x128xf32, #tpu.memory_space<vmem_shared>> -> memref<40x128xf32, #tpu.memory_space<vmem_shared>>
      %dma_start3A_84 = arith.constant 0 : i32
      %dma_start3A_85 = tpu.memref_slice %arg10[%add3A_29, %dma_start3A_84] : memref<10240x128xf32, #tpu.memory_space<vmem_shared>> -> memref<40x128xf32, #tpu.memory_space<vmem_shared>>
      tpu.enqueue_dma source(%arg9 : memref<40x128xf32, #tpu.memory_space<vmem>>) target(%dma_start3A_85 : memref<40x128xf32, #tpu.memory_space<vmem_shared>>) target_semaphore(%run_scoped3A : memref<!tpu.dma_semaphore, #tpu.memory_space<semaphore_mem>>)
      %dma_wait3A = arith.constant 0 : i32
      %dma_wait3A_86 = tpu.memref_slice %arg10[%add3A_29, %dma_wait3A] : memref<10240x128xf32, #tpu.memory_space<vmem_shared>> -> memref<40x128xf32, #tpu.memory_space<vmem_shared>>
      %dma_wait3A_87 = arith.constant 0 : i32
      %dma_wait3A_88 = tpu.memref_slice %arg10[%add3A_29, %dma_wait3A_87] : memref<10240x128xf32, #tpu.memory_space<vmem_shared>> -> memref<40x128xf32, #tpu.memory_space<vmem_shared>>
      tpu.wait_dma2 semaphore(%run_scoped3A : memref<!tpu.dma_semaphore, #tpu.memory_space<semaphore_mem>>) src(%arg9 : memref<40x128xf32, #tpu.memory_space<vmem>>) dst(%dma_wait3A_88 : memref<40x128xf32, #tpu.memory_space<vmem_shared>>)
      tpu.yield
    }) : () -> ()
    %mul3A_30 = arith.constant 640 : i32
    %mul3A_31 = arith.muli %arg1, %mul3A_30 : i32
    %add3A_32 = arith.constant 240 : i32
    %add3A_33 = arith.addi %mul3A_31, %add3A_32 : i32
    "tpu.region"() ({
      %run_scoped3A = tpu.sem_alloc : memref<!tpu.dma_semaphore, #tpu.memory_space<semaphore_mem>>
      %dma_start3A = arith.constant 0 : i32
      %dma_start3A_83 = tpu.memref_slice %arg10[%add3A_33, %dma_start3A] : memref<10240x128xf32, #tpu.memory_space<vmem_shared>> -> memref<40x128xf32, #tpu.memory_space<vmem_shared>>
      %dma_start3A_84 = arith.constant 0 : i32
      %dma_start3A_85 = tpu.memref_slice %arg10[%add3A_33, %dma_start3A_84] : memref<10240x128xf32, #tpu.memory_space<vmem_shared>> -> memref<40x128xf32, #tpu.memory_space<vmem_shared>>
      tpu.enqueue_dma source(%arg9 : memref<40x128xf32, #tpu.memory_space<vmem>>) target(%dma_start3A_85 : memref<40x128xf32, #tpu.memory_space<vmem_shared>>) target_semaphore(%run_scoped3A : memref<!tpu.dma_semaphore, #tpu.memory_space<semaphore_mem>>)
      %dma_wait3A = arith.constant 0 : i32
      %dma_wait3A_86 = tpu.memref_slice %arg10[%add3A_33, %dma_wait3A] : memref<10240x128xf32, #tpu.memory_space<vmem_shared>> -> memref<40x128xf32, #tpu.memory_space<vmem_shared>>
      %dma_wait3A_87 = arith.constant 0 : i32
      %dma_wait3A_88 = tpu.memref_slice %arg10[%add3A_33, %dma_wait3A_87] : memref<10240x128xf32, #tpu.memory_space<vmem_shared>> -> memref<40x128xf32, #tpu.memory_space<vmem_shared>>
      tpu.wait_dma2 semaphore(%run_scoped3A : memref<!tpu.dma_semaphore, #tpu.memory_space<semaphore_mem>>) src(%arg9 : memref<40x128xf32, #tpu.memory_space<vmem>>) dst(%dma_wait3A_88 : memref<40x128xf32, #tpu.memory_space<vmem_shared>>)
      tpu.yield
    }) : () -> ()
    %mul3A_34 = arith.constant 640 : i32
    %mul3A_35 = arith.muli %arg1, %mul3A_34 : i32
    %add3A_36 = arith.constant 280 : i32
    %add3A_37 = arith.addi %mul3A_35, %add3A_36 : i32
    "tpu.region"() ({
      %run_scoped3A = tpu.sem_alloc : memref<!tpu.dma_semaphore, #tpu.memory_space<semaphore_mem>>
      %dma_start3A = arith.constant 0 : i32
      %dma_start3A_83 = tpu.memref_slice %arg10[%add3A_37, %dma_start3A] : memref<10240x128xf32, #tpu.memory_space<vmem_shared>> -> memref<40x128xf32, #tpu.memory_space<vmem_shared>>
      %dma_start3A_84 = arith.constant 0 : i32
      %dma_start3A_85 = tpu.memref_slice %arg10[%add3A_37, %dma_start3A_84] : memref<10240x128xf32, #tpu.memory_space<vmem_shared>> -> memref<40x128xf32, #tpu.memory_space<vmem_shared>>
      tpu.enqueue_dma source(%arg9 : memref<40x128xf32, #tpu.memory_space<vmem>>) target(%dma_start3A_85 : memref<40x128xf32, #tpu.memory_space<vmem_shared>>) target_semaphore(%run_scoped3A : memref<!tpu.dma_semaphore, #tpu.memory_space<semaphore_mem>>)
      %dma_wait3A = arith.constant 0 : i32
      %dma_wait3A_86 = tpu.memref_slice %arg10[%add3A_37, %dma_wait3A] : memref<10240x128xf32, #tpu.memory_space<vmem_shared>> -> memref<40x128xf32, #tpu.memory_space<vmem_shared>>
      %dma_wait3A_87 = arith.constant 0 : i32
      %dma_wait3A_88 = tpu.memref_slice %arg10[%add3A_37, %dma_wait3A_87] : memref<10240x128xf32, #tpu.memory_space<vmem_shared>> -> memref<40x128xf32, #tpu.memory_space<vmem_shared>>
      tpu.wait_dma2 semaphore(%run_scoped3A : memref<!tpu.dma_semaphore, #tpu.memory_space<semaphore_mem>>) src(%arg9 : memref<40x128xf32, #tpu.memory_space<vmem>>) dst(%dma_wait3A_88 : memref<40x128xf32, #tpu.memory_space<vmem_shared>>)
      tpu.yield
    }) : () -> ()
    %mul3A_38 = arith.constant 640 : i32
    %mul3A_39 = arith.muli %arg1, %mul3A_38 : i32
    %add3A_40 = arith.constant 320 : i32
    %add3A_41 = arith.addi %mul3A_39, %add3A_40 : i32
    "tpu.region"() ({
      %run_scoped3A = tpu.sem_alloc : memref<!tpu.dma_semaphore, #tpu.memory_space<semaphore_mem>>
      %dma_start3A = arith.constant 0 : i32
      %dma_start3A_83 = tpu.memref_slice %arg10[%add3A_41, %dma_start3A] : memref<10240x128xf32, #tpu.memory_space<vmem_shared>> -> memref<40x128xf32, #tpu.memory_space<vmem_shared>>
      %dma_start3A_84 = arith.constant 0 : i32
      %dma_start3A_85 = tpu.memref_slice %arg10[%add3A_41, %dma_start3A_84] : memref<10240x128xf32, #tpu.memory_space<vmem_shared>> -> memref<40x128xf32, #tpu.memory_space<vmem_shared>>
      tpu.enqueue_dma source(%arg9 : memref<40x128xf32, #tpu.memory_space<vmem>>) target(%dma_start3A_85 : memref<40x128xf32, #tpu.memory_space<vmem_shared>>) target_semaphore(%run_scoped3A : memref<!tpu.dma_semaphore, #tpu.memory_space<semaphore_mem>>)
      %dma_wait3A = arith.constant 0 : i32
      %dma_wait3A_86 = tpu.memref_slice %arg10[%add3A_41, %dma_wait3A] : memref<10240x128xf32, #tpu.memory_space<vmem_shared>> -> memref<40x128xf32, #tpu.memory_space<vmem_shared>>
      %dma_wait3A_87 = arith.constant 0 : i32
      %dma_wait3A_88 = tpu.memref_slice %arg10[%add3A_41, %dma_wait3A_87] : memref<10240x128xf32, #tpu.memory_space<vmem_shared>> -> memref<40x128xf32, #tpu.memory_space<vmem_shared>>
      tpu.wait_dma2 semaphore(%run_scoped3A : memref<!tpu.dma_semaphore, #tpu.memory_space<semaphore_mem>>) src(%arg9 : memref<40x128xf32, #tpu.memory_space<vmem>>) dst(%dma_wait3A_88 : memref<40x128xf32, #tpu.memory_space<vmem_shared>>)
      tpu.yield
    }) : () -> ()
    %mul3A_42 = arith.constant 640 : i32
    %mul3A_43 = arith.muli %arg1, %mul3A_42 : i32
    %add3A_44 = arith.constant 360 : i32
    %add3A_45 = arith.addi %mul3A_43, %add3A_44 : i32
    "tpu.region"() ({
      %run_scoped3A = tpu.sem_alloc : memref<!tpu.dma_semaphore, #tpu.memory_space<semaphore_mem>>
      %dma_start3A = arith.constant 0 : i32
      %dma_start3A_83 = tpu.memref_slice %arg10[%add3A_45, %dma_start3A] : memref<10240x128xf32, #tpu.memory_space<vmem_shared>> -> memref<40x128xf32, #tpu.memory_space<vmem_shared>>
      %dma_start3A_84 = arith.constant 0 : i32
      %dma_start3A_85 = tpu.memref_slice %arg10[%add3A_45, %dma_start3A_84] : memref<10240x128xf32, #tpu.memory_space<vmem_shared>> -> memref<40x128xf32, #tpu.memory_space<vmem_shared>>
      tpu.enqueue_dma source(%arg9 : memref<40x128xf32, #tpu.memory_space<vmem>>) target(%dma_start3A_85 : memref<40x128xf32, #tpu.memory_space<vmem_shared>>) target_semaphore(%run_scoped3A : memref<!tpu.dma_semaphore, #tpu.memory_space<semaphore_mem>>)
      %dma_wait3A = arith.constant 0 : i32
      %dma_wait3A_86 = tpu.memref_slice %arg10[%add3A_45, %dma_wait3A] : memref<10240x128xf32, #tpu.memory_space<vmem_shared>> -> memref<40x128xf32, #tpu.memory_space<vmem_shared>>
      %dma_wait3A_87 = arith.constant 0 : i32
      %dma_wait3A_88 = tpu.memref_slice %arg10[%add3A_45, %dma_wait3A_87] : memref<10240x128xf32, #tpu.memory_space<vmem_shared>> -> memref<40x128xf32, #tpu.memory_space<vmem_shared>>
      tpu.wait_dma2 semaphore(%run_scoped3A : memref<!tpu.dma_semaphore, #tpu.memory_space<semaphore_mem>>) src(%arg9 : memref<40x128xf32, #tpu.memory_space<vmem>>) dst(%dma_wait3A_88 : memref<40x128xf32, #tpu.memory_space<vmem_shared>>)
      tpu.yield
    }) : () -> ()
    %mul3A_46 = arith.constant 640 : i32
    %mul3A_47 = arith.muli %arg1, %mul3A_46 : i32
    %add3A_48 = arith.constant 400 : i32
    %add3A_49 = arith.addi %mul3A_47, %add3A_48 : i32
    "tpu.region"() ({
      %run_scoped3A = tpu.sem_alloc : memref<!tpu.dma_semaphore, #tpu.memory_space<semaphore_mem>>
      %dma_start3A = arith.constant 0 : i32
      %dma_start3A_83 = tpu.memref_slice %arg10[%add3A_49, %dma_start3A] : memref<10240x128xf32, #tpu.memory_space<vmem_shared>> -> memref<40x128xf32, #tpu.memory_space<vmem_shared>>
      %dma_start3A_84 = arith.constant 0 : i32
      %dma_start3A_85 = tpu.memref_slice %arg10[%add3A_49, %dma_start3A_84] : memref<10240x128xf32, #tpu.memory_space<vmem_shared>> -> memref<40x128xf32, #tpu.memory_space<vmem_shared>>
      tpu.enqueue_dma source(%arg9 : memref<40x128xf32, #tpu.memory_space<vmem>>) target(%dma_start3A_85 : memref<40x128xf32, #tpu.memory_space<vmem_shared>>) target_semaphore(%run_scoped3A : memref<!tpu.dma_semaphore, #tpu.memory_space<semaphore_mem>>)
      %dma_wait3A = arith.constant 0 : i32
      %dma_wait3A_86 = tpu.memref_slice %arg10[%add3A_49, %dma_wait3A] : memref<10240x128xf32, #tpu.memory_space<vmem_shared>> -> memref<40x128xf32, #tpu.memory_space<vmem_shared>>
      %dma_wait3A_87 = arith.constant 0 : i32
      %dma_wait3A_88 = tpu.memref_slice %arg10[%add3A_49, %dma_wait3A_87] : memref<10240x128xf32, #tpu.memory_space<vmem_shared>> -> memref<40x128xf32, #tpu.memory_space<vmem_shared>>
      tpu.wait_dma2 semaphore(%run_scoped3A : memref<!tpu.dma_semaphore, #tpu.memory_space<semaphore_mem>>) src(%arg9 : memref<40x128xf32, #tpu.memory_space<vmem>>) dst(%dma_wait3A_88 : memref<40x128xf32, #tpu.memory_space<vmem_shared>>)
      tpu.yield
    }) : () -> ()
    %mul3A_50 = arith.constant 640 : i32
    %mul3A_51 = arith.muli %arg1, %mul3A_50 : i32
    %add3A_52 = arith.constant 440 : i32
    %add3A_53 = arith.addi %mul3A_51, %add3A_52 : i32
    "tpu.region"() ({
      %run_scoped3A = tpu.sem_alloc : memref<!tpu.dma_semaphore, #tpu.memory_space<semaphore_mem>>
      %dma_start3A = arith.constant 0 : i32
      %dma_start3A_83 = tpu.memref_slice %arg10[%add3A_53, %dma_start3A] : memref<10240x128xf32, #tpu.memory_space<vmem_shared>> -> memref<40x128xf32, #tpu.memory_space<vmem_shared>>
      %dma_start3A_84 = arith.constant 0 : i32
      %dma_start3A_85 = tpu.memref_slice %arg10[%add3A_53, %dma_start3A_84] : memref<10240x128xf32, #tpu.memory_space<vmem_shared>> -> memref<40x128xf32, #tpu.memory_space<vmem_shared>>
      tpu.enqueue_dma source(%arg9 : memref<40x128xf32, #tpu.memory_space<vmem>>) target(%dma_start3A_85 : memref<40x128xf32, #tpu.memory_space<vmem_shared>>) target_semaphore(%run_scoped3A : memref<!tpu.dma_semaphore, #tpu.memory_space<semaphore_mem>>)
      %dma_wait3A = arith.constant 0 : i32
      %dma_wait3A_86 = tpu.memref_slice %arg10[%add3A_53, %dma_wait3A] : memref<10240x128xf32, #tpu.memory_space<vmem_shared>> -> memref<40x128xf32, #tpu.memory_space<vmem_shared>>
      %dma_wait3A_87 = arith.constant 0 : i32
      %dma_wait3A_88 = tpu.memref_slice %arg10[%add3A_53, %dma_wait3A_87] : memref<10240x128xf32, #tpu.memory_space<vmem_shared>> -> memref<40x128xf32, #tpu.memory_space<vmem_shared>>
      tpu.wait_dma2 semaphore(%run_scoped3A : memref<!tpu.dma_semaphore, #tpu.memory_space<semaphore_mem>>) src(%arg9 : memref<40x128xf32, #tpu.memory_space<vmem>>) dst(%dma_wait3A_88 : memref<40x128xf32, #tpu.memory_space<vmem_shared>>)
      tpu.yield
    }) : () -> ()
    %mul3A_54 = arith.constant 640 : i32
    %mul3A_55 = arith.muli %arg1, %mul3A_54 : i32
    %add3A_56 = arith.constant 480 : i32
    %add3A_57 = arith.addi %mul3A_55, %add3A_56 : i32
    "tpu.region"() ({
      %run_scoped3A = tpu.sem_alloc : memref<!tpu.dma_semaphore, #tpu.memory_space<semaphore_mem>>
      %dma_start3A = arith.constant 0 : i32
      %dma_start3A_83 = tpu.memref_slice %arg10[%add3A_57, %dma_start3A] : memref<10240x128xf32, #tpu.memory_space<vmem_shared>> -> memref<40x128xf32, #tpu.memory_space<vmem_shared>>
      %dma_start3A_84 = arith.constant 0 : i32
      %dma_start3A_85 = tpu.memref_slice %arg10[%add3A_57, %dma_start3A_84] : memref<10240x128xf32, #tpu.memory_space<vmem_shared>> -> memref<40x128xf32, #tpu.memory_space<vmem_shared>>
      tpu.enqueue_dma source(%arg9 : memref<40x128xf32, #tpu.memory_space<vmem>>) target(%dma_start3A_85 : memref<40x128xf32, #tpu.memory_space<vmem_shared>>) target_semaphore(%run_scoped3A : memref<!tpu.dma_semaphore, #tpu.memory_space<semaphore_mem>>)
      %dma_wait3A = arith.constant 0 : i32
      %dma_wait3A_86 = tpu.memref_slice %arg10[%add3A_57, %dma_wait3A] : memref<10240x128xf32, #tpu.memory_space<vmem_shared>> -> memref<40x128xf32, #tpu.memory_space<vmem_shared>>
      %dma_wait3A_87 = arith.constant 0 : i32
      %dma_wait3A_88 = tpu.memref_slice %arg10[%add3A_57, %dma_wait3A_87] : memref<10240x128xf32, #tpu.memory_space<vmem_shared>> -> memref<40x128xf32, #tpu.memory_space<vmem_shared>>
      tpu.wait_dma2 semaphore(%run_scoped3A : memref<!tpu.dma_semaphore, #tpu.memory_space<semaphore_mem>>) src(%arg9 : memref<40x128xf32, #tpu.memory_space<vmem>>) dst(%dma_wait3A_88 : memref<40x128xf32, #tpu.memory_space<vmem_shared>>)
      tpu.yield
    }) : () -> ()
    %mul3A_58 = arith.constant 640 : i32
    %mul3A_59 = arith.muli %arg1, %mul3A_58 : i32
    %add3A_60 = arith.constant 520 : i32
    %add3A_61 = arith.addi %mul3A_59, %add3A_60 : i32
    "tpu.region"() ({
      %run_scoped3A = tpu.sem_alloc : memref<!tpu.dma_semaphore, #tpu.memory_space<semaphore_mem>>
      %dma_start3A = arith.constant 0 : i32
      %dma_start3A_83 = tpu.memref_slice %arg10[%add3A_61, %dma_start3A] : memref<10240x128xf32, #tpu.memory_space<vmem_shared>> -> memref<40x128xf32, #tpu.memory_space<vmem_shared>>
      %dma_start3A_84 = arith.constant 0 : i32
      %dma_start3A_85 = tpu.memref_slice %arg10[%add3A_61, %dma_start3A_84] : memref<10240x128xf32, #tpu.memory_space<vmem_shared>> -> memref<40x128xf32, #tpu.memory_space<vmem_shared>>
      tpu.enqueue_dma source(%arg9 : memref<40x128xf32, #tpu.memory_space<vmem>>) target(%dma_start3A_85 : memref<40x128xf32, #tpu.memory_space<vmem_shared>>) target_semaphore(%run_scoped3A : memref<!tpu.dma_semaphore, #tpu.memory_space<semaphore_mem>>)
      %dma_wait3A = arith.constant 0 : i32
      %dma_wait3A_86 = tpu.memref_slice %arg10[%add3A_61, %dma_wait3A] : memref<10240x128xf32, #tpu.memory_space<vmem_shared>> -> memref<40x128xf32, #tpu.memory_space<vmem_shared>>
      %dma_wait3A_87 = arith.constant 0 : i32
      %dma_wait3A_88 = tpu.memref_slice %arg10[%add3A_61, %dma_wait3A_87] : memref<10240x128xf32, #tpu.memory_space<vmem_shared>> -> memref<40x128xf32, #tpu.memory_space<vmem_shared>>
      tpu.wait_dma2 semaphore(%run_scoped3A : memref<!tpu.dma_semaphore, #tpu.memory_space<semaphore_mem>>) src(%arg9 : memref<40x128xf32, #tpu.memory_space<vmem>>) dst(%dma_wait3A_88 : memref<40x128xf32, #tpu.memory_space<vmem_shared>>)
      tpu.yield
    }) : () -> ()
    %mul3A_62 = arith.constant 640 : i32
    %mul3A_63 = arith.muli %arg1, %mul3A_62 : i32
    %add3A_64 = arith.constant 560 : i32
    %add3A_65 = arith.addi %mul3A_63, %add3A_64 : i32
    "tpu.region"() ({
      %run_scoped3A = tpu.sem_alloc : memref<!tpu.dma_semaphore, #tpu.memory_space<semaphore_mem>>
      %dma_start3A = arith.constant 0 : i32
      %dma_start3A_83 = tpu.memref_slice %arg10[%add3A_65, %dma_start3A] : memref<10240x128xf32, #tpu.memory_space<vmem_shared>> -> memref<40x128xf32, #tpu.memory_space<vmem_shared>>
      %dma_start3A_84 = arith.constant 0 : i32
      %dma_start3A_85 = tpu.memref_slice %arg10[%add3A_65, %dma_start3A_84] : memref<10240x128xf32, #tpu.memory_space<vmem_shared>> -> memref<40x128xf32, #tpu.memory_space<vmem_shared>>
      tpu.enqueue_dma source(%arg9 : memref<40x128xf32, #tpu.memory_space<vmem>>) target(%dma_start3A_85 : memref<40x128xf32, #tpu.memory_space<vmem_shared>>) target_semaphore(%run_scoped3A : memref<!tpu.dma_semaphore, #tpu.memory_space<semaphore_mem>>)
      %dma_wait3A = arith.constant 0 : i32
      %dma_wait3A_86 = tpu.memref_slice %arg10[%add3A_65, %dma_wait3A] : memref<10240x128xf32, #tpu.memory_space<vmem_shared>> -> memref<40x128xf32, #tpu.memory_space<vmem_shared>>
      %dma_wait3A_87 = arith.constant 0 : i32
      %dma_wait3A_88 = tpu.memref_slice %arg10[%add3A_65, %dma_wait3A_87] : memref<10240x128xf32, #tpu.memory_space<vmem_shared>> -> memref<40x128xf32, #tpu.memory_space<vmem_shared>>
      tpu.wait_dma2 semaphore(%run_scoped3A : memref<!tpu.dma_semaphore, #tpu.memory_space<semaphore_mem>>) src(%arg9 : memref<40x128xf32, #tpu.memory_space<vmem>>) dst(%dma_wait3A_88 : memref<40x128xf32, #tpu.memory_space<vmem_shared>>)
      tpu.yield
    }) : () -> ()
    %mul3A_66 = arith.constant 640 : i32
    %mul3A_67 = arith.muli %arg1, %mul3A_66 : i32
    %add3A_68 = arith.constant 600 : i32
    %add3A_69 = arith.addi %mul3A_67, %add3A_68 : i32
    "tpu.region"() ({
      %run_scoped3A = tpu.sem_alloc : memref<!tpu.dma_semaphore, #tpu.memory_space<semaphore_mem>>
      %dma_start3A = arith.constant 0 : i32
      %dma_start3A_83 = tpu.memref_slice %arg10[%add3A_69, %dma_start3A] : memref<10240x128xf32, #tpu.memory_space<vmem_shared>> -> memref<40x128xf32, #tpu.memory_space<vmem_shared>>
      %dma_start3A_84 = arith.constant 0 : i32
      %dma_start3A_85 = tpu.memref_slice %arg10[%add3A_69, %dma_start3A_84] : memref<10240x128xf32, #tpu.memory_space<vmem_shared>> -> memref<40x128xf32, #tpu.memory_space<vmem_shared>>
      tpu.enqueue_dma source(%arg9 : memref<40x128xf32, #tpu.memory_space<vmem>>) target(%dma_start3A_85 : memref<40x128xf32, #tpu.memory_space<vmem_shared>>) target_semaphore(%run_scoped3A : memref<!tpu.dma_semaphore, #tpu.memory_space<semaphore_mem>>)
      %dma_wait3A = arith.constant 0 : i32
      %dma_wait3A_86 = tpu.memref_slice %arg10[%add3A_69, %dma_wait3A] : memref<10240x128xf32, #tpu.memory_space<vmem_shared>> -> memref<40x128xf32, #tpu.memory_space<vmem_shared>>
      %dma_wait3A_87 = arith.constant 0 : i32
      %dma_wait3A_88 = tpu.memref_slice %arg10[%add3A_69, %dma_wait3A_87] : memref<10240x128xf32, #tpu.memory_space<vmem_shared>> -> memref<40x128xf32, #tpu.memory_space<vmem_shared>>
      tpu.wait_dma2 semaphore(%run_scoped3A : memref<!tpu.dma_semaphore, #tpu.memory_space<semaphore_mem>>) src(%arg9 : memref<40x128xf32, #tpu.memory_space<vmem>>) dst(%dma_wait3A_88 : memref<40x128xf32, #tpu.memory_space<vmem_shared>>)
      tpu.yield
    }) : () -> ()
    %barrier3A = arith.constant 0 : index
    tpu.barrier barrier_id(%barrier3A)
    %mul3A_70 = arith.constant 79 : i32
    %mul3A_71 = arith.muli %add3A, %mul3A_70 : i32
    %scan3A_72 = arith.constant 0 : i32
    %scan3A_73 = arith.constant 0 : i32
    %scan3A_74 = arith.constant 79 : i32
    %scan3A_75 = arith.addi %scan3A_73, %scan3A_74 : i32
    %scan3A_76 = arith.constant 1 : i32
    scf.for %scan3A_83 = %scan3A_73 to %scan3A_75 step %scan3A_76  : i32 {
      %add3A_84 = arith.addi %mul3A_71, %scan3A_83 : i32
      "tpu.region"() ({
        %run_scoped3A = tpu.sem_alloc : memref<!tpu.dma_semaphore, #tpu.memory_space<semaphore_mem>>
        %dma_start3A_89 = arith.constant 0 : i32
        %dma_start3A_90 = tpu.memref_slice %arg3[%add3A_84, %dma_start3A_89] : memref<2528x128xi32, #tpu.memory_space<hbm>> -> memref<1x128xi32, #tpu.memory_space<hbm>>
        %dma_start3A_91 = tpu.memref_squeeze %dma_start3A_90 : memref<1x128xi32, #tpu.memory_space<hbm>> -> memref<128xi32, #tpu.memory_space<hbm>>
        %dma_start3A_92 = arith.constant 0 : i32
        %dma_start3A_93 = tpu.memref_slice %arg3[%add3A_84, %dma_start3A_92] : memref<2528x128xi32, #tpu.memory_space<hbm>> -> memref<1x128xi32, #tpu.memory_space<hbm>>
        %dma_start3A_94 = tpu.memref_squeeze %dma_start3A_93 : memref<1x128xi32, #tpu.memory_space<hbm>> -> memref<128xi32, #tpu.memory_space<hbm>>
        tpu.enqueue_dma source(%dma_start3A_94 : memref<128xi32, #tpu.memory_space<hbm>>) target(%arg6 : memref<128xi32, #tpu.memory_space<vmem>>) target_semaphore(%run_scoped3A : memref<!tpu.dma_semaphore, #tpu.memory_space<semaphore_mem>>)
        %dma_wait3A_95 = arith.constant 0 : i32
        %dma_wait3A_96 = tpu.memref_slice %arg3[%add3A_84, %dma_wait3A_95] : memref<2528x128xi32, #tpu.memory_space<hbm>> -> memref<1x128xi32, #tpu.memory_space<hbm>>
        %dma_wait3A_97 = tpu.memref_squeeze %dma_wait3A_96 : memref<1x128xi32, #tpu.memory_space<hbm>> -> memref<128xi32, #tpu.memory_space<hbm>>
        %dma_wait3A_98 = arith.constant 0 : i32
        %dma_wait3A_99 = tpu.memref_slice %arg3[%add3A_84, %dma_wait3A_98] : memref<2528x128xi32, #tpu.memory_space<hbm>> -> memref<1x128xi32, #tpu.memory_space<hbm>>
        %dma_wait3A_100 = tpu.memref_squeeze %dma_wait3A_99 : memref<1x128xi32, #tpu.memory_space<hbm>> -> memref<128xi32, #tpu.memory_space<hbm>>
        tpu.wait_dma2 semaphore(%run_scoped3A : memref<!tpu.dma_semaphore, #tpu.memory_space<semaphore_mem>>) src(%dma_wait3A_100 : memref<128xi32, #tpu.memory_space<hbm>>) dst(%arg6 : memref<128xi32, #tpu.memory_space<vmem>>)
        tpu.yield
      }) : () -> ()
      %dma_start3A = arith.constant 0 : i32
      %dma_start3A_85 = arith.constant 0 : i32
      %dma_start3A_86 = tpu.memref_slice %arg2[%dma_start3A, %dma_start3A_85] : memref<10000x128xf32, #tpu.memory_space<hbm>> -> memref<10000x128xf32, #tpu.memory_space<hbm>>
      tpu.enqueue_indirect_dma source(%dma_start3A_86 : memref<10000x128xf32, #tpu.memory_space<hbm>>) target(%arg8 : memref<128x128xf32, #tpu.memory_space<vmem>>) offsets(%arg6 : memref<128xi32, #tpu.memory_space<vmem>>) semaphore(%arg11 : memref<!tpu.dma_semaphore, #tpu.memory_space<semaphore_mem>>)
      "tpu.region"() ({
        %run_scoped3A = tpu.sem_alloc : memref<!tpu.dma_semaphore, #tpu.memory_space<semaphore_mem>>
        %dma_start3A_89 = arith.constant 0 : i32
        %dma_start3A_90 = tpu.memref_slice %arg4[%add3A_84, %dma_start3A_89] : memref<2528x128xi32, #tpu.memory_space<hbm>> -> memref<1x128xi32, #tpu.memory_space<hbm>>
        %dma_start3A_91 = tpu.memref_squeeze %dma_start3A_90 : memref<1x128xi32, #tpu.memory_space<hbm>> -> memref<128xi32, #tpu.memory_space<hbm>>
        %dma_start3A_92 = arith.constant 0 : i32
        %dma_start3A_93 = tpu.memref_slice %arg4[%add3A_84, %dma_start3A_92] : memref<2528x128xi32, #tpu.memory_space<hbm>> -> memref<1x128xi32, #tpu.memory_space<hbm>>
        %dma_start3A_94 = tpu.memref_squeeze %dma_start3A_93 : memref<1x128xi32, #tpu.memory_space<hbm>> -> memref<128xi32, #tpu.memory_space<hbm>>
        tpu.enqueue_dma source(%dma_start3A_94 : memref<128xi32, #tpu.memory_space<hbm>>) target(%arg7 : memref<128xi32, #tpu.memory_space<vmem>>) target_semaphore(%run_scoped3A : memref<!tpu.dma_semaphore, #tpu.memory_space<semaphore_mem>>)
        %dma_wait3A_95 = arith.constant 0 : i32
        %dma_wait3A_96 = tpu.memref_slice %arg4[%add3A_84, %dma_wait3A_95] : memref<2528x128xi32, #tpu.memory_space<hbm>> -> memref<1x128xi32, #tpu.memory_space<hbm>>
        %dma_wait3A_97 = tpu.memref_squeeze %dma_wait3A_96 : memref<1x128xi32, #tpu.memory_space<hbm>> -> memref<128xi32, #tpu.memory_space<hbm>>
        %dma_wait3A_98 = arith.constant 0 : i32
        %dma_wait3A_99 = tpu.memref_slice %arg4[%add3A_84, %dma_wait3A_98] : memref<2528x128xi32, #tpu.memory_space<hbm>> -> memref<1x128xi32, #tpu.memory_space<hbm>>
        %dma_wait3A_100 = tpu.memref_squeeze %dma_wait3A_99 : memref<1x128xi32, #tpu.memory_space<hbm>> -> memref<128xi32, #tpu.memory_space<hbm>>
        tpu.wait_dma2 semaphore(%run_scoped3A : memref<!tpu.dma_semaphore, #tpu.memory_space<semaphore_mem>>) src(%dma_wait3A_100 : memref<128xi32, #tpu.memory_space<hbm>>) dst(%arg7 : memref<128xi32, #tpu.memory_space<vmem>>)
        tpu.yield
      }) : () -> ()
      %dma_wait3A = arith.constant 0 : i32
      %dma_wait3A_87 = arith.constant 0 : i32
      %dma_wait3A_88 = tpu.memref_slice %arg2[%dma_wait3A, %dma_wait3A_87] : memref<10000x128xf32, #tpu.memory_space<hbm>> -> memref<10000x128xf32, #tpu.memory_space<hbm>>
      tpu.wait_indirect_dma semaphore(%arg11 : memref<!tpu.dma_semaphore, #tpu.memory_space<semaphore_mem>>) src(%dma_wait3A_88 : memref<10000x128xf32, #tpu.memory_space<hbm>>) dst(%arg8 : memref<128x128xf32, #tpu.memory_space<vmem>>)
      "tpu.region"() ({
        %run_scoped3A = tpu.sem_alloc : memref<!tpu.dma_semaphore, #tpu.memory_space<semaphore_mem>>
        %dma_start3A_89 = arith.constant 0 : i32
        %dma_start3A_90 = arith.constant 0 : i32
        %dma_start3A_91 = tpu.memref_slice %arg10[%dma_start3A_89, %dma_start3A_90] : memref<10240x128xf32, #tpu.memory_space<vmem_shared>> -> memref<10240x128xf32, #tpu.memory_space<vmem_shared>>
        tpu.enqueue_indirect_dma source(%arg8 : memref<128x128xf32, #tpu.memory_space<vmem>>) target(%dma_start3A_91 : memref<10240x128xf32, #tpu.memory_space<vmem_shared>>) offsets(%arg7 : memref<128xi32, #tpu.memory_space<vmem>>) semaphore(%run_scoped3A : memref<!tpu.dma_semaphore, #tpu.memory_space<semaphore_mem>>) {add = true}
        %dma_wait3A_92 = arith.constant 0 : i32
        %dma_wait3A_93 = arith.constant 0 : i32
        %dma_wait3A_94 = tpu.memref_slice %arg10[%dma_wait3A_92, %dma_wait3A_93] : memref<10240x128xf32, #tpu.memory_space<vmem_shared>> -> memref<10240x128xf32, #tpu.memory_space<vmem_shared>>
        tpu.wait_indirect_dma semaphore(%run_scoped3A : memref<!tpu.dma_semaphore, #tpu.memory_space<semaphore_mem>>) src(%arg8 : memref<128x128xf32, #tpu.memory_space<vmem>>) dst(%dma_wait3A_94 : memref<10240x128xf32, #tpu.memory_space<vmem_shared>>)
        tpu.yield
      }) : () -> ()
    }
    %scan3A_77 = arith.constant 79 : i32
    %barrier3A_78 = arith.constant 0 : index
    tpu.barrier barrier_id(%barrier3A_78)
    %mul3A_79 = arith.constant 640 : i32
    %mul3A_80 = arith.muli %arg1, %mul3A_79 : i32
    %mul3A_81 = arith.constant 640 : i32
    %mul3A_82 = arith.muli %arg1, %mul3A_81 : i32
    "tpu.region"() ({
      %run_scoped3A = tpu.sem_alloc : memref<!tpu.dma_semaphore, #tpu.memory_space<semaphore_mem>>
      %dma_start3A = arith.constant 0 : i32
      %dma_start3A_83 = tpu.memref_slice %arg5[%arg0, %mul3A_82, %dma_start3A] : memref<2x10240x128xf32, #tpu.memory_space<hbm>> -> memref<1x640x128xf32, #tpu.memory_space<hbm>>
      %dma_start3A_84 = tpu.memref_squeeze %dma_start3A_83 : memref<1x640x128xf32, #tpu.memory_space<hbm>> -> memref<640x128xf32, #tpu.memory_space<hbm>>
      %dma_start3A_85 = arith.constant 0 : i32
      %dma_start3A_86 = tpu.memref_slice %arg10[%mul3A_80, %dma_start3A_85] : memref<10240x128xf32, #tpu.memory_space<vmem_shared>> -> memref<640x128xf32, #tpu.memory_space<vmem_shared>>
      tpu.enqueue_dma source(%dma_start3A_86 : memref<640x128xf32, #tpu.memory_space<vmem_shared>>) target(%dma_start3A_84 : memref<640x128xf32, #tpu.memory_space<hbm>>) target_semaphore(%run_scoped3A : memref<!tpu.dma_semaphore, #tpu.memory_space<semaphore_mem>>)
      %dma_wait3A = arith.constant 0 : i32
      %dma_wait3A_87 = tpu.memref_slice %arg5[%arg0, %mul3A_82, %dma_wait3A] : memref<2x10240x128xf32, #tpu.memory_space<hbm>> -> memref<1x640x128xf32, #tpu.memory_space<hbm>>
      %dma_wait3A_88 = tpu.memref_squeeze %dma_wait3A_87 : memref<1x640x128xf32, #tpu.memory_space<hbm>> -> memref<640x128xf32, #tpu.memory_space<hbm>>
      %dma_wait3A_89 = arith.constant 0 : i32
      %dma_wait3A_90 = tpu.memref_slice %arg10[%mul3A_80, %dma_wait3A_89] : memref<10240x128xf32, #tpu.memory_space<vmem_shared>> -> memref<640x128xf32, #tpu.memory_space<vmem_shared>>
      tpu.wait_dma2 semaphore(%run_scoped3A : memref<!tpu.dma_semaphore, #tpu.memory_space<semaphore_mem>>) src(%dma_wait3A_90 : memref<640x128xf32, #tpu.memory_space<vmem_shared>>) dst(%dma_wait3A_88 : memref<640x128xf32, #tpu.memory_space<hbm>>)
      tpu.yield
    }) : () -> ()
    return
  }
}

#map = affine_map<(d0, d1) -> (0, 0)>
#map1 = affine_map<(d0, d1) -> (0, 0, 0)>
module attributes {stable_mosaic.version = 14 : i64} {
  func.func @agg(%arg0: i32, %arg1: i32, %arg2: memref<10000x128xf32, #tpu.memory_space<hbm>>, %arg3: memref<2528x128xi32, #tpu.memory_space<hbm>>, %arg4: memref<2528x128xi32, #tpu.memory_space<hbm>>, %arg5: memref<2x10240x128xf32, #tpu.memory_space<hbm>>, %arg6: memref<128xi32, #tpu.memory_space<vmem>>, %arg7: memref<128xi32, #tpu.memory_space<vmem>>, %arg8: memref<128x128xf32, #tpu.memory_space<vmem>>, %arg9: memref<40x128xf32, #tpu.memory_space<vmem>>, %arg10: memref<10240x128xf32, #tpu.memory_space<vmem_shared>>, %arg11: memref<!tpu.dma_semaphore, #tpu.memory_space<semaphore_mem>>) attributes {dimension_semantics = [#tpu.dimension_semantics<core_parallel>, #tpu.dimension_semantics<subcore_parallel>], iteration_bounds = array<i64: 2, 16>, scalar_prefetch = 0 : i64, scratch_operands = 6 : i64, tpu.core_type = #tpu.core_type<sc_vector_subcore>, window_params = [{transform_indices = #map}, {transform_indices = #map}, {transform_indices = #map}, {transform_indices = #map1}]} {
    %mul3A = arith.constant 2 : i32
    %mul3A_0 = arith.muli %arg1, %mul3A : i32
    %add3A = arith.addi %mul3A_0, %arg0 : i32
    %scan3A = arith.constant 0 : i32
    %scan3A_1 = arith.constant 0 : i32
    %scan3A_2 = arith.constant 40 : i32
    %scan3A_3 = arith.addi %scan3A_1, %scan3A_2 : i32
    %scan3A_4 = arith.constant 1 : i32
    scf.for %scan3A_83 = %scan3A_1 to %scan3A_3 step %scan3A_4  : i32 {
      %broadcast_in_dim3A = arith.constant 0.000000e+00 : f32
      %broadcast_in_dim3A_84 = vector.broadcast %broadcast_in_dim3A : f32 to vector<16xf32>
      %swap3A = arith.index_cast %scan3A_83 : i32 to index
      %swap3A_85 = arith.constant 0 : index
      %swap3A_86 = tpu.vector_load %arg9[%swap3A, %swap3A_85] {strides = array<i32>} : memref<40x128xf32, #tpu.memory_space<vmem>>, vector<1x16xf32>,
      %swap3A_87 = vector.shape_cast %swap3A_86 : vector<1x16xf32> to vector<16xf32>
      %swap3A_88 = vector.shape_cast %broadcast_in_dim3A_84 : vector<16xf32> to vector<1x16xf32>
      tpu.vector_store %arg9[%swap3A, %swap3A_85], %swap3A_88 {strides = array<i32>} : memref<40x128xf32, #tpu.memory_space<vmem>>, vector<1x16xf32>,
      %broadcast_in_dim3A_89 = arith.constant 0.000000e+00 : f32
      %broadcast_in_dim3A_90 = vector.broadcast %broadcast_in_dim3A_89 : f32 to vector<16xf32>
      %swap3A_91 = arith.index_cast %scan3A_83 : i32 to index
      %swap3A_92 = arith.constant 16 : index
      %swap3A_93 = tpu.vector_load %arg9[%swap3A_91, %swap3A_92] {strides = array<i32>} : memref<40x128xf32, #tpu.memory_space<vmem>>, vector<1x16xf32>,
      %swap3A_94 = vector.shape_cast %swap3A_93 : vector<1x16xf32> to vector<16xf32>
      %swap3A_95 = vector.shape_cast %broadcast_in_dim3A_90 : vector<16xf32> to vector<1x16xf32>
      tpu.vector_store %arg9[%swap3A_91, %swap3A_92], %swap3A_95 {strides = array<i32>} : memref<40x128xf32, #tpu.memory_space<vmem>>, vector<1x16xf32>,
      %broadcast_in_dim3A_96 = arith.constant 0.000000e+00 : f32
      %broadcast_in_dim3A_97 = vector.broadcast %broadcast_in_dim3A_96 : f32 to vector<16xf32>
      %swap3A_98 = arith.index_cast %scan3A_83 : i32 to index
      %swap3A_99 = arith.constant 32 : index
      %swap3A_100 = tpu.vector_load %arg9[%swap3A_98, %swap3A_99] {strides = array<i32>} : memref<40x128xf32, #tpu.memory_space<vmem>>, vector<1x16xf32>,
      %swap3A_101 = vector.shape_cast %swap3A_100 : vector<1x16xf32> to vector<16xf32>
      %swap3A_102 = vector.shape_cast %broadcast_in_dim3A_97 : vector<16xf32> to vector<1x16xf32>
      tpu.vector_store %arg9[%swap3A_98, %swap3A_99], %swap3A_102 {strides = array<i32>} : memref<40x128xf32, #tpu.memory_space<vmem>>, vector<1x16xf32>,
      %broadcast_in_dim3A_103 = arith.constant 0.000000e+00 : f32
      %broadcast_in_dim3A_104 = vector.broadcast %broadcast_in_dim3A_103 : f32 to vector<16xf32>
      %swap3A_105 = arith.index_cast %scan3A_83 : i32 to index
      %swap3A_106 = arith.constant 48 : index
      %swap3A_107 = tpu.vector_load %arg9[%swap3A_105, %swap3A_106] {strides = array<i32>} : memref<40x128xf32, #tpu.memory_space<vmem>>, vector<1x16xf32>,
      %swap3A_108 = vector.shape_cast %swap3A_107 : vector<1x16xf32> to vector<16xf32>
      %swap3A_109 = vector.shape_cast %broadcast_in_dim3A_104 : vector<16xf32> to vector<1x16xf32>
      tpu.vector_store %arg9[%swap3A_105, %swap3A_106], %swap3A_109 {strides = array<i32>} : memref<40x128xf32, #tpu.memory_space<vmem>>, vector<1x16xf32>,
      %broadcast_in_dim3A_110 = arith.constant 0.000000e+00 : f32
      %broadcast_in_dim3A_111 = vector.broadcast %broadcast_in_dim3A_110 : f32 to vector<16xf32>
      %swap3A_112 = arith.index_cast %scan3A_83 : i32 to index
      %swap3A_113 = arith.constant 64 : index
      %swap3A_114 = tpu.vector_load %arg9[%swap3A_112, %swap3A_113] {strides = array<i32>} : memref<40x128xf32, #tpu.memory_space<vmem>>, vector<1x16xf32>,
      %swap3A_115 = vector.shape_cast %swap3A_114 : vector<1x16xf32> to vector<16xf32>
      %swap3A_116 = vector.shape_cast %broadcast_in_dim3A_111 : vector<16xf32> to vector<1x16xf32>
      tpu.vector_store %arg9[%swap3A_112, %swap3A_113], %swap3A_116 {strides = array<i32>} : memref<40x128xf32, #tpu.memory_space<vmem>>, vector<1x16xf32>,
      %broadcast_in_dim3A_117 = arith.constant 0.000000e+00 : f32
      %broadcast_in_dim3A_118 = vector.broadcast %broadcast_in_dim3A_117 : f32 to vector<16xf32>
      %swap3A_119 = arith.index_cast %scan3A_83 : i32 to index
      %swap3A_120 = arith.constant 80 : index
      %swap3A_121 = tpu.vector_load %arg9[%swap3A_119, %swap3A_120] {strides = array<i32>} : memref<40x128xf32, #tpu.memory_space<vmem>>, vector<1x16xf32>,
      %swap3A_122 = vector.shape_cast %swap3A_121 : vector<1x16xf32> to vector<16xf32>
      %swap3A_123 = vector.shape_cast %broadcast_in_dim3A_118 : vector<16xf32> to vector<1x16xf32>
      tpu.vector_store %arg9[%swap3A_119, %swap3A_120], %swap3A_123 {strides = array<i32>} : memref<40x128xf32, #tpu.memory_space<vmem>>, vector<1x16xf32>,
      %broadcast_in_dim3A_124 = arith.constant 0.000000e+00 : f32
      %broadcast_in_dim3A_125 = vector.broadcast %broadcast_in_dim3A_124 : f32 to vector<16xf32>
      %swap3A_126 = arith.index_cast %scan3A_83 : i32 to index
      %swap3A_127 = arith.constant 96 : index
      %swap3A_128 = tpu.vector_load %arg9[%swap3A_126, %swap3A_127] {strides = array<i32>} : memref<40x128xf32, #tpu.memory_space<vmem>>, vector<1x16xf32>,
      %swap3A_129 = vector.shape_cast %swap3A_128 : vector<1x16xf32> to vector<16xf32>
      %swap3A_130 = vector.shape_cast %broadcast_in_dim3A_125 : vector<16xf32> to vector<1x16xf32>
      tpu.vector_store %arg9[%swap3A_126, %swap3A_127], %swap3A_130 {strides = array<i32>} : memref<40x128xf32, #tpu.memory_space<vmem>>, vector<1x16xf32>,
      %broadcast_in_dim3A_131 = arith.constant 0.000000e+00 : f32
      %broadcast_in_dim3A_132 = vector.broadcast %broadcast_in_dim3A_131 : f32 to vector<16xf32>
      %swap3A_133 = arith.index_cast %scan3A_83 : i32 to index
      %swap3A_134 = arith.constant 112 : index
      %swap3A_135 = tpu.vector_load %arg9[%swap3A_133, %swap3A_134] {strides = array<i32>} : memref<40x128xf32, #tpu.memory_space<vmem>>, vector<1x16xf32>,
      %swap3A_136 = vector.shape_cast %swap3A_135 : vector<1x16xf32> to vector<16xf32>
      %swap3A_137 = vector.shape_cast %broadcast_in_dim3A_132 : vector<16xf32> to vector<1x16xf32>
      tpu.vector_store %arg9[%swap3A_133, %swap3A_134], %swap3A_137 {strides = array<i32>} : memref<40x128xf32, #tpu.memory_space<vmem>>, vector<1x16xf32>,
    }
    %scan3A_5 = arith.constant 40 : i32
    %mul3A_6 = arith.constant 640 : i32
    %mul3A_7 = arith.muli %arg1, %mul3A_6 : i32
    %add3A_8 = arith.constant 0 : i32
    %add3A_9 = arith.addi %mul3A_7, %add3A_8 : i32
    "tpu.region"() ({
      %run_scoped3A = tpu.sem_alloc : memref<!tpu.dma_semaphore, #tpu.memory_space<semaphore_mem>>
      %dma_start3A = arith.constant 0 : i32
      %dma_start3A_83 = tpu.memref_slice %arg10[%add3A_9, %dma_start3A] : memref<10240x128xf32, #tpu.memory_space<vmem_shared>> -> memref<40x128xf32, #tpu.memory_space<vmem_shared>>
      %dma_start3A_84 = arith.constant 0 : i32
      %dma_start3A_85 = tpu.memref_slice %arg10[%add3A_9, %dma_start3A_84] : memref<10240x128xf32, #tpu.memory_space<vmem_shared>> -> memref<40x128xf32, #tpu.memory_space<vmem_shared>>
      tpu.enqueue_dma source(%arg9 : memref<40x128xf32, #tpu.memory_space<vmem>>) target(%dma_start3A_85 : memref<40x128xf32, #tpu.memory_space<vmem_shared>>) target_semaphore(%run_scoped3A : memref<!tpu.dma_semaphore, #tpu.memory_space<semaphore_mem>>)
      %dma_wait3A = arith.constant 0 : i32
      %dma_wait3A_86 = tpu.memref_slice %arg10[%add3A_9, %dma_wait3A] : memref<10240x128xf32, #tpu.memory_space<vmem_shared>> -> memref<40x128xf32, #tpu.memory_space<vmem_shared>>
      %dma_wait3A_87 = arith.constant 0 : i32
      %dma_wait3A_88 = tpu.memref_slice %arg10[%add3A_9, %dma_wait3A_87] : memref<10240x128xf32, #tpu.memory_space<vmem_shared>> -> memref<40x128xf32, #tpu.memory_space<vmem_shared>>
      tpu.wait_dma2 semaphore(%run_scoped3A : memref<!tpu.dma_semaphore, #tpu.memory_space<semaphore_mem>>) src(%arg9 : memref<40x128xf32, #tpu.memory_space<vmem>>) dst(%dma_wait3A_88 : memref<40x128xf32, #tpu.memory_space<vmem_shared>>)
      tpu.yield
    }) : () -> ()
    %mul3A_10 = arith.constant 640 : i32
    %mul3A_11 = arith.muli %arg1, %mul3A_10 : i32
    %add3A_12 = arith.constant 40 : i32
    %add3A_13 = arith.addi %mul3A_11, %add3A_12 : i32
    "tpu.region"() ({
      %run_scoped3A = tpu.sem_alloc : memref<!tpu.dma_semaphore, #tpu.memory_space<semaphore_mem>>
      %dma_start3A = arith.constant 0 : i32
      %dma_start3A_83 = tpu.memref_slice %arg10[%add3A_13, %dma_start3A] : memref<10240x128xf32, #tpu.memory_space<vmem_shared>> -> memref<40x128xf32, #tpu.memory_space<vmem_shared>>
      %dma_start3A_84 = arith.constant 0 : i32
      %dma_start3A_85 = tpu.memref_slice %arg10[%add3A_13, %dma_start3A_84] : memref<10240x128xf32, #tpu.memory_space<vmem_shared>> -> memref<40x128xf32, #tpu.memory_space<vmem_shared>>
      tpu.enqueue_dma source(%arg9 : memref<40x128xf32, #tpu.memory_space<vmem>>) target(%dma_start3A_85 : memref<40x128xf32, #tpu.memory_space<vmem_shared>>) target_semaphore(%run_scoped3A : memref<!tpu.dma_semaphore, #tpu.memory_space<semaphore_mem>>)
      %dma_wait3A = arith.constant 0 : i32
      %dma_wait3A_86 = tpu.memref_slice %arg10[%add3A_13, %dma_wait3A] : memref<10240x128xf32, #tpu.memory_space<vmem_shared>> -> memref<40x128xf32, #tpu.memory_space<vmem_shared>>
      %dma_wait3A_87 = arith.constant 0 : i32
      %dma_wait3A_88 = tpu.memref_slice %arg10[%add3A_13, %dma_wait3A_87] : memref<10240x128xf32, #tpu.memory_space<vmem_shared>> -> memref<40x128xf32, #tpu.memory_space<vmem_shared>>
      tpu.wait_dma2 semaphore(%run_scoped3A : memref<!tpu.dma_semaphore, #tpu.memory_space<semaphore_mem>>) src(%arg9 : memref<40x128xf32, #tpu.memory_space<vmem>>) dst(%dma_wait3A_88 : memref<40x128xf32, #tpu.memory_space<vmem_shared>>)
      tpu.yield
    }) : () -> ()
    %mul3A_14 = arith.constant 640 : i32
    %mul3A_15 = arith.muli %arg1, %mul3A_14 : i32
    %add3A_16 = arith.constant 80 : i32
    %add3A_17 = arith.addi %mul3A_15, %add3A_16 : i32
    "tpu.region"() ({
      %run_scoped3A = tpu.sem_alloc : memref<!tpu.dma_semaphore, #tpu.memory_space<semaphore_mem>>
      %dma_start3A = arith.constant 0 : i32
      %dma_start3A_83 = tpu.memref_slice %arg10[%add3A_17, %dma_start3A] : memref<10240x128xf32, #tpu.memory_space<vmem_shared>> -> memref<40x128xf32, #tpu.memory_space<vmem_shared>>
      %dma_start3A_84 = arith.constant 0 : i32
      %dma_start3A_85 = tpu.memref_slice %arg10[%add3A_17, %dma_start3A_84] : memref<10240x128xf32, #tpu.memory_space<vmem_shared>> -> memref<40x128xf32, #tpu.memory_space<vmem_shared>>
      tpu.enqueue_dma source(%arg9 : memref<40x128xf32, #tpu.memory_space<vmem>>) target(%dma_start3A_85 : memref<40x128xf32, #tpu.memory_space<vmem_shared>>) target_semaphore(%run_scoped3A : memref<!tpu.dma_semaphore, #tpu.memory_space<semaphore_mem>>)
      %dma_wait3A = arith.constant 0 : i32
      %dma_wait3A_86 = tpu.memref_slice %arg10[%add3A_17, %dma_wait3A] : memref<10240x128xf32, #tpu.memory_space<vmem_shared>> -> memref<40x128xf32, #tpu.memory_space<vmem_shared>>
      %dma_wait3A_87 = arith.constant 0 : i32
      %dma_wait3A_88 = tpu.memref_slice %arg10[%add3A_17, %dma_wait3A_87] : memref<10240x128xf32, #tpu.memory_space<vmem_shared>> -> memref<40x128xf32, #tpu.memory_space<vmem_shared>>
      tpu.wait_dma2 semaphore(%run_scoped3A : memref<!tpu.dma_semaphore, #tpu.memory_space<semaphore_mem>>) src(%arg9 : memref<40x128xf32, #tpu.memory_space<vmem>>) dst(%dma_wait3A_88 : memref<40x128xf32, #tpu.memory_space<vmem_shared>>)
      tpu.yield
    }) : () -> ()
    %mul3A_18 = arith.constant 640 : i32
    %mul3A_19 = arith.muli %arg1, %mul3A_18 : i32
    %add3A_20 = arith.constant 120 : i32
    %add3A_21 = arith.addi %mul3A_19, %add3A_20 : i32
    "tpu.region"() ({
      %run_scoped3A = tpu.sem_alloc : memref<!tpu.dma_semaphore, #tpu.memory_space<semaphore_mem>>
      %dma_start3A = arith.constant 0 : i32
      %dma_start3A_83 = tpu.memref_slice %arg10[%add3A_21, %dma_start3A] : memref<10240x128xf32, #tpu.memory_space<vmem_shared>> -> memref<40x128xf32, #tpu.memory_space<vmem_shared>>
      %dma_start3A_84 = arith.constant 0 : i32
      %dma_start3A_85 = tpu.memref_slice %arg10[%add3A_21, %dma_start3A_84] : memref<10240x128xf32, #tpu.memory_space<vmem_shared>> -> memref<40x128xf32, #tpu.memory_space<vmem_shared>>
      tpu.enqueue_dma source(%arg9 : memref<40x128xf32, #tpu.memory_space<vmem>>) target(%dma_start3A_85 : memref<40x128xf32, #tpu.memory_space<vmem_shared>>) target_semaphore(%run_scoped3A : memref<!tpu.dma_semaphore, #tpu.memory_space<semaphore_mem>>)
      %dma_wait3A = arith.constant 0 : i32
      %dma_wait3A_86 = tpu.memref_slice %arg10[%add3A_21, %dma_wait3A] : memref<10240x128xf32, #tpu.memory_space<vmem_shared>> -> memref<40x128xf32, #tpu.memory_space<vmem_shared>>
      %dma_wait3A_87 = arith.constant 0 : i32
      %dma_wait3A_88 = tpu.memref_slice %arg10[%add3A_21, %dma_wait3A_87] : memref<10240x128xf32, #tpu.memory_space<vmem_shared>> -> memref<40x128xf32, #tpu.memory_space<vmem_shared>>
      tpu.wait_dma2 semaphore(%run_scoped3A : memref<!tpu.dma_semaphore, #tpu.memory_space<semaphore_mem>>) src(%arg9 : memref<40x128xf32, #tpu.memory_space<vmem>>) dst(%dma_wait3A_88 : memref<40x128xf32, #tpu.memory_space<vmem_shared>>)
      tpu.yield
    }) : () -> ()
    %mul3A_22 = arith.constant 640 : i32
    %mul3A_23 = arith.muli %arg1, %mul3A_22 : i32
    %add3A_24 = arith.constant 160 : i32
    %add3A_25 = arith.addi %mul3A_23, %add3A_24 : i32
    "tpu.region"() ({
      %run_scoped3A = tpu.sem_alloc : memref<!tpu.dma_semaphore, #tpu.memory_space<semaphore_mem>>
      %dma_start3A = arith.constant 0 : i32
      %dma_start3A_83 = tpu.memref_slice %arg10[%add3A_25, %dma_start3A] : memref<10240x128xf32, #tpu.memory_space<vmem_shared>> -> memref<40x128xf32, #tpu.memory_space<vmem_shared>>
      %dma_start3A_84 = arith.constant 0 : i32
      %dma_start3A_85 = tpu.memref_slice %arg10[%add3A_25, %dma_start3A_84] : memref<10240x128xf32, #tpu.memory_space<vmem_shared>> -> memref<40x128xf32, #tpu.memory_space<vmem_shared>>
      tpu.enqueue_dma source(%arg9 : memref<40x128xf32, #tpu.memory_space<vmem>>) target(%dma_start3A_85 : memref<40x128xf32, #tpu.memory_space<vmem_shared>>) target_semaphore(%run_scoped3A : memref<!tpu.dma_semaphore, #tpu.memory_space<semaphore_mem>>)
      %dma_wait3A = arith.constant 0 : i32
      %dma_wait3A_86 = tpu.memref_slice %arg10[%add3A_25, %dma_wait3A] : memref<10240x128xf32, #tpu.memory_space<vmem_shared>> -> memref<40x128xf32, #tpu.memory_space<vmem_shared>>
      %dma_wait3A_87 = arith.constant 0 : i32
      %dma_wait3A_88 = tpu.memref_slice %arg10[%add3A_25, %dma_wait3A_87] : memref<10240x128xf32, #tpu.memory_space<vmem_shared>> -> memref<40x128xf32, #tpu.memory_space<vmem_shared>>
      tpu.wait_dma2 semaphore(%run_scoped3A : memref<!tpu.dma_semaphore, #tpu.memory_space<semaphore_mem>>) src(%arg9 : memref<40x128xf32, #tpu.memory_space<vmem>>) dst(%dma_wait3A_88 : memref<40x128xf32, #tpu.memory_space<vmem_shared>>)
      tpu.yield
    }) : () -> ()
    %mul3A_26 = arith.constant 640 : i32
    %mul3A_27 = arith.muli %arg1, %mul3A_26 : i32
    %add3A_28 = arith.constant 200 : i32
    %add3A_29 = arith.addi %mul3A_27, %add3A_28 : i32
    "tpu.region"() ({
      %run_scoped3A = tpu.sem_alloc : memref<!tpu.dma_semaphore, #tpu.memory_space<semaphore_mem>>
      %dma_start3A = arith.constant 0 : i32
      %dma_start3A_83 = tpu.memref_slice %arg10[%add3A_29, %dma_start3A] : memref<10240x128xf32, #tpu.memory_space<vmem_shared>> -> memref<40x128xf32, #tpu.memory_space<vmem_shared>>
      %dma_start3A_84 = arith.constant 0 : i32
      %dma_start3A_85 = tpu.memref_slice %arg10[%add3A_29, %dma_start3A_84] : memref<10240x128xf32, #tpu.memory_space<vmem_shared>> -> memref<40x128xf32, #tpu.memory_space<vmem_shared>>
      tpu.enqueue_dma source(%arg9 : memref<40x128xf32, #tpu.memory_space<vmem>>) target(%dma_start3A_85 : memref<40x128xf32, #tpu.memory_space<vmem_shared>>) target_semaphore(%run_scoped3A : memref<!tpu.dma_semaphore, #tpu.memory_space<semaphore_mem>>)
      %dma_wait3A = arith.constant 0 : i32
      %dma_wait3A_86 = tpu.memref_slice %arg10[%add3A_29, %dma_wait3A] : memref<10240x128xf32, #tpu.memory_space<vmem_shared>> -> memref<40x128xf32, #tpu.memory_space<vmem_shared>>
      %dma_wait3A_87 = arith.constant 0 : i32
      %dma_wait3A_88 = tpu.memref_slice %arg10[%add3A_29, %dma_wait3A_87] : memref<10240x128xf32, #tpu.memory_space<vmem_shared>> -> memref<40x128xf32, #tpu.memory_space<vmem_shared>>
      tpu.wait_dma2 semaphore(%run_scoped3A : memref<!tpu.dma_semaphore, #tpu.memory_space<semaphore_mem>>) src(%arg9 : memref<40x128xf32, #tpu.memory_space<vmem>>) dst(%dma_wait3A_88 : memref<40x128xf32, #tpu.memory_space<vmem_shared>>)
      tpu.yield
    }) : () -> ()
    %mul3A_30 = arith.constant 640 : i32
    %mul3A_31 = arith.muli %arg1, %mul3A_30 : i32
    %add3A_32 = arith.constant 240 : i32
    %add3A_33 = arith.addi %mul3A_31, %add3A_32 : i32
    "tpu.region"() ({
      %run_scoped3A = tpu.sem_alloc : memref<!tpu.dma_semaphore, #tpu.memory_space<semaphore_mem>>
      %dma_start3A = arith.constant 0 : i32
      %dma_start3A_83 = tpu.memref_slice %arg10[%add3A_33, %dma_start3A] : memref<10240x128xf32, #tpu.memory_space<vmem_shared>> -> memref<40x128xf32, #tpu.memory_space<vmem_shared>>
      %dma_start3A_84 = arith.constant 0 : i32
      %dma_start3A_85 = tpu.memref_slice %arg10[%add3A_33, %dma_start3A_84] : memref<10240x128xf32, #tpu.memory_space<vmem_shared>> -> memref<40x128xf32, #tpu.memory_space<vmem_shared>>
      tpu.enqueue_dma source(%arg9 : memref<40x128xf32, #tpu.memory_space<vmem>>) target(%dma_start3A_85 : memref<40x128xf32, #tpu.memory_space<vmem_shared>>) target_semaphore(%run_scoped3A : memref<!tpu.dma_semaphore, #tpu.memory_space<semaphore_mem>>)
      %dma_wait3A = arith.constant 0 : i32
      %dma_wait3A_86 = tpu.memref_slice %arg10[%add3A_33, %dma_wait3A] : memref<10240x128xf32, #tpu.memory_space<vmem_shared>> -> memref<40x128xf32, #tpu.memory_space<vmem_shared>>
      %dma_wait3A_87 = arith.constant 0 : i32
      %dma_wait3A_88 = tpu.memref_slice %arg10[%add3A_33, %dma_wait3A_87] : memref<10240x128xf32, #tpu.memory_space<vmem_shared>> -> memref<40x128xf32, #tpu.memory_space<vmem_shared>>
      tpu.wait_dma2 semaphore(%run_scoped3A : memref<!tpu.dma_semaphore, #tpu.memory_space<semaphore_mem>>) src(%arg9 : memref<40x128xf32, #tpu.memory_space<vmem>>) dst(%dma_wait3A_88 : memref<40x128xf32, #tpu.memory_space<vmem_shared>>)
      tpu.yield
    }) : () -> ()
    %mul3A_34 = arith.constant 640 : i32
    %mul3A_35 = arith.muli %arg1, %mul3A_34 : i32
    %add3A_36 = arith.constant 280 : i32
    %add3A_37 = arith.addi %mul3A_35, %add3A_36 : i32
    "tpu.region"() ({
      %run_scoped3A = tpu.sem_alloc : memref<!tpu.dma_semaphore, #tpu.memory_space<semaphore_mem>>
      %dma_start3A = arith.constant 0 : i32
      %dma_start3A_83 = tpu.memref_slice %arg10[%add3A_37, %dma_start3A] : memref<10240x128xf32, #tpu.memory_space<vmem_shared>> -> memref<40x128xf32, #tpu.memory_space<vmem_shared>>
      %dma_start3A_84 = arith.constant 0 : i32
      %dma_start3A_85 = tpu.memref_slice %arg10[%add3A_37, %dma_start3A_84] : memref<10240x128xf32, #tpu.memory_space<vmem_shared>> -> memref<40x128xf32, #tpu.memory_space<vmem_shared>>
      tpu.enqueue_dma source(%arg9 : memref<40x128xf32, #tpu.memory_space<vmem>>) target(%dma_start3A_85 : memref<40x128xf32, #tpu.memory_space<vmem_shared>>) target_semaphore(%run_scoped3A : memref<!tpu.dma_semaphore, #tpu.memory_space<semaphore_mem>>)
      %dma_wait3A = arith.constant 0 : i32
      %dma_wait3A_86 = tpu.memref_slice %arg10[%add3A_37, %dma_wait3A] : memref<10240x128xf32, #tpu.memory_space<vmem_shared>> -> memref<40x128xf32, #tpu.memory_space<vmem_shared>>
      %dma_wait3A_87 = arith.constant 0 : i32
      %dma_wait3A_88 = tpu.memref_slice %arg10[%add3A_37, %dma_wait3A_87] : memref<10240x128xf32, #tpu.memory_space<vmem_shared>> -> memref<40x128xf32, #tpu.memory_space<vmem_shared>>
      tpu.wait_dma2 semaphore(%run_scoped3A : memref<!tpu.dma_semaphore, #tpu.memory_space<semaphore_mem>>) src(%arg9 : memref<40x128xf32, #tpu.memory_space<vmem>>) dst(%dma_wait3A_88 : memref<40x128xf32, #tpu.memory_space<vmem_shared>>)
      tpu.yield
    }) : () -> ()
    %mul3A_38 = arith.constant 640 : i32
    %mul3A_39 = arith.muli %arg1, %mul3A_38 : i32
    %add3A_40 = arith.constant 320 : i32
    %add3A_41 = arith.addi %mul3A_39, %add3A_40 : i32
    "tpu.region"() ({
      %run_scoped3A = tpu.sem_alloc : memref<!tpu.dma_semaphore, #tpu.memory_space<semaphore_mem>>
      %dma_start3A = arith.constant 0 : i32
      %dma_start3A_83 = tpu.memref_slice %arg10[%add3A_41, %dma_start3A] : memref<10240x128xf32, #tpu.memory_space<vmem_shared>> -> memref<40x128xf32, #tpu.memory_space<vmem_shared>>
      %dma_start3A_84 = arith.constant 0 : i32
      %dma_start3A_85 = tpu.memref_slice %arg10[%add3A_41, %dma_start3A_84] : memref<10240x128xf32, #tpu.memory_space<vmem_shared>> -> memref<40x128xf32, #tpu.memory_space<vmem_shared>>
      tpu.enqueue_dma source(%arg9 : memref<40x128xf32, #tpu.memory_space<vmem>>) target(%dma_start3A_85 : memref<40x128xf32, #tpu.memory_space<vmem_shared>>) target_semaphore(%run_scoped3A : memref<!tpu.dma_semaphore, #tpu.memory_space<semaphore_mem>>)
      %dma_wait3A = arith.constant 0 : i32
      %dma_wait3A_86 = tpu.memref_slice %arg10[%add3A_41, %dma_wait3A] : memref<10240x128xf32, #tpu.memory_space<vmem_shared>> -> memref<40x128xf32, #tpu.memory_space<vmem_shared>>
      %dma_wait3A_87 = arith.constant 0 : i32
      %dma_wait3A_88 = tpu.memref_slice %arg10[%add3A_41, %dma_wait3A_87] : memref<10240x128xf32, #tpu.memory_space<vmem_shared>> -> memref<40x128xf32, #tpu.memory_space<vmem_shared>>
      tpu.wait_dma2 semaphore(%run_scoped3A : memref<!tpu.dma_semaphore, #tpu.memory_space<semaphore_mem>>) src(%arg9 : memref<40x128xf32, #tpu.memory_space<vmem>>) dst(%dma_wait3A_88 : memref<40x128xf32, #tpu.memory_space<vmem_shared>>)
      tpu.yield
    }) : () -> ()
    %mul3A_42 = arith.constant 640 : i32
    %mul3A_43 = arith.muli %arg1, %mul3A_42 : i32
    %add3A_44 = arith.constant 360 : i32
    %add3A_45 = arith.addi %mul3A_43, %add3A_44 : i32
    "tpu.region"() ({
      %run_scoped3A = tpu.sem_alloc : memref<!tpu.dma_semaphore, #tpu.memory_space<semaphore_mem>>
      %dma_start3A = arith.constant 0 : i32
      %dma_start3A_83 = tpu.memref_slice %arg10[%add3A_45, %dma_start3A] : memref<10240x128xf32, #tpu.memory_space<vmem_shared>> -> memref<40x128xf32, #tpu.memory_space<vmem_shared>>
      %dma_start3A_84 = arith.constant 0 : i32
      %dma_start3A_85 = tpu.memref_slice %arg10[%add3A_45, %dma_start3A_84] : memref<10240x128xf32, #tpu.memory_space<vmem_shared>> -> memref<40x128xf32, #tpu.memory_space<vmem_shared>>
      tpu.enqueue_dma source(%arg9 : memref<40x128xf32, #tpu.memory_space<vmem>>) target(%dma_start3A_85 : memref<40x128xf32, #tpu.memory_space<vmem_shared>>) target_semaphore(%run_scoped3A : memref<!tpu.dma_semaphore, #tpu.memory_space<semaphore_mem>>)
      %dma_wait3A = arith.constant 0 : i32
      %dma_wait3A_86 = tpu.memref_slice %arg10[%add3A_45, %dma_wait3A] : memref<10240x128xf32, #tpu.memory_space<vmem_shared>> -> memref<40x128xf32, #tpu.memory_space<vmem_shared>>
      %dma_wait3A_87 = arith.constant 0 : i32
      %dma_wait3A_88 = tpu.memref_slice %arg10[%add3A_45, %dma_wait3A_87] : memref<10240x128xf32, #tpu.memory_space<vmem_shared>> -> memref<40x128xf32, #tpu.memory_space<vmem_shared>>
      tpu.wait_dma2 semaphore(%run_scoped3A : memref<!tpu.dma_semaphore, #tpu.memory_space<semaphore_mem>>) src(%arg9 : memref<40x128xf32, #tpu.memory_space<vmem>>) dst(%dma_wait3A_88 : memref<40x128xf32, #tpu.memory_space<vmem_shared>>)
      tpu.yield
    }) : () -> ()
    %mul3A_46 = arith.constant 640 : i32
    %mul3A_47 = arith.muli %arg1, %mul3A_46 : i32
    %add3A_48 = arith.constant 400 : i32
    %add3A_49 = arith.addi %mul3A_47, %add3A_48 : i32
    "tpu.region"() ({
      %run_scoped3A = tpu.sem_alloc : memref<!tpu.dma_semaphore, #tpu.memory_space<semaphore_mem>>
      %dma_start3A = arith.constant 0 : i32
      %dma_start3A_83 = tpu.memref_slice %arg10[%add3A_49, %dma_start3A] : memref<10240x128xf32, #tpu.memory_space<vmem_shared>> -> memref<40x128xf32, #tpu.memory_space<vmem_shared>>
      %dma_start3A_84 = arith.constant 0 : i32
      %dma_start3A_85 = tpu.memref_slice %arg10[%add3A_49, %dma_start3A_84] : memref<10240x128xf32, #tpu.memory_space<vmem_shared>> -> memref<40x128xf32, #tpu.memory_space<vmem_shared>>
      tpu.enqueue_dma source(%arg9 : memref<40x128xf32, #tpu.memory_space<vmem>>) target(%dma_start3A_85 : memref<40x128xf32, #tpu.memory_space<vmem_shared>>) target_semaphore(%run_scoped3A : memref<!tpu.dma_semaphore, #tpu.memory_space<semaphore_mem>>)
      %dma_wait3A = arith.constant 0 : i32
      %dma_wait3A_86 = tpu.memref_slice %arg10[%add3A_49, %dma_wait3A] : memref<10240x128xf32, #tpu.memory_space<vmem_shared>> -> memref<40x128xf32, #tpu.memory_space<vmem_shared>>
      %dma_wait3A_87 = arith.constant 0 : i32
      %dma_wait3A_88 = tpu.memref_slice %arg10[%add3A_49, %dma_wait3A_87] : memref<10240x128xf32, #tpu.memory_space<vmem_shared>> -> memref<40x128xf32, #tpu.memory_space<vmem_shared>>
      tpu.wait_dma2 semaphore(%run_scoped3A : memref<!tpu.dma_semaphore, #tpu.memory_space<semaphore_mem>>) src(%arg9 : memref<40x128xf32, #tpu.memory_space<vmem>>) dst(%dma_wait3A_88 : memref<40x128xf32, #tpu.memory_space<vmem_shared>>)
      tpu.yield
    }) : () -> ()
    %mul3A_50 = arith.constant 640 : i32
    %mul3A_51 = arith.muli %arg1, %mul3A_50 : i32
    %add3A_52 = arith.constant 440 : i32
    %add3A_53 = arith.addi %mul3A_51, %add3A_52 : i32
    "tpu.region"() ({
      %run_scoped3A = tpu.sem_alloc : memref<!tpu.dma_semaphore, #tpu.memory_space<semaphore_mem>>
      %dma_start3A = arith.constant 0 : i32
      %dma_start3A_83 = tpu.memref_slice %arg10[%add3A_53, %dma_start3A] : memref<10240x128xf32, #tpu.memory_space<vmem_shared>> -> memref<40x128xf32, #tpu.memory_space<vmem_shared>>
      %dma_start3A_84 = arith.constant 0 : i32
      %dma_start3A_85 = tpu.memref_slice %arg10[%add3A_53, %dma_start3A_84] : memref<10240x128xf32, #tpu.memory_space<vmem_shared>> -> memref<40x128xf32, #tpu.memory_space<vmem_shared>>
      tpu.enqueue_dma source(%arg9 : memref<40x128xf32, #tpu.memory_space<vmem>>) target(%dma_start3A_85 : memref<40x128xf32, #tpu.memory_space<vmem_shared>>) target_semaphore(%run_scoped3A : memref<!tpu.dma_semaphore, #tpu.memory_space<semaphore_mem>>)
      %dma_wait3A = arith.constant 0 : i32
      %dma_wait3A_86 = tpu.memref_slice %arg10[%add3A_53, %dma_wait3A] : memref<10240x128xf32, #tpu.memory_space<vmem_shared>> -> memref<40x128xf32, #tpu.memory_space<vmem_shared>>
      %dma_wait3A_87 = arith.constant 0 : i32
      %dma_wait3A_88 = tpu.memref_slice %arg10[%add3A_53, %dma_wait3A_87] : memref<10240x128xf32, #tpu.memory_space<vmem_shared>> -> memref<40x128xf32, #tpu.memory_space<vmem_shared>>
      tpu.wait_dma2 semaphore(%run_scoped3A : memref<!tpu.dma_semaphore, #tpu.memory_space<semaphore_mem>>) src(%arg9 : memref<40x128xf32, #tpu.memory_space<vmem>>) dst(%dma_wait3A_88 : memref<40x128xf32, #tpu.memory_space<vmem_shared>>)
      tpu.yield
    }) : () -> ()
    %mul3A_54 = arith.constant 640 : i32
    %mul3A_55 = arith.muli %arg1, %mul3A_54 : i32
    %add3A_56 = arith.constant 480 : i32
    %add3A_57 = arith.addi %mul3A_55, %add3A_56 : i32
    "tpu.region"() ({
      %run_scoped3A = tpu.sem_alloc : memref<!tpu.dma_semaphore, #tpu.memory_space<semaphore_mem>>
      %dma_start3A = arith.constant 0 : i32
      %dma_start3A_83 = tpu.memref_slice %arg10[%add3A_57, %dma_start3A] : memref<10240x128xf32, #tpu.memory_space<vmem_shared>> -> memref<40x128xf32, #tpu.memory_space<vmem_shared>>
      %dma_start3A_84 = arith.constant 0 : i32
      %dma_start3A_85 = tpu.memref_slice %arg10[%add3A_57, %dma_start3A_84] : memref<10240x128xf32, #tpu.memory_space<vmem_shared>> -> memref<40x128xf32, #tpu.memory_space<vmem_shared>>
      tpu.enqueue_dma source(%arg9 : memref<40x128xf32, #tpu.memory_space<vmem>>) target(%dma_start3A_85 : memref<40x128xf32, #tpu.memory_space<vmem_shared>>) target_semaphore(%run_scoped3A : memref<!tpu.dma_semaphore, #tpu.memory_space<semaphore_mem>>)
      %dma_wait3A = arith.constant 0 : i32
      %dma_wait3A_86 = tpu.memref_slice %arg10[%add3A_57, %dma_wait3A] : memref<10240x128xf32, #tpu.memory_space<vmem_shared>> -> memref<40x128xf32, #tpu.memory_space<vmem_shared>>
      %dma_wait3A_87 = arith.constant 0 : i32
      %dma_wait3A_88 = tpu.memref_slice %arg10[%add3A_57, %dma_wait3A_87] : memref<10240x128xf32, #tpu.memory_space<vmem_shared>> -> memref<40x128xf32, #tpu.memory_space<vmem_shared>>
      tpu.wait_dma2 semaphore(%run_scoped3A : memref<!tpu.dma_semaphore, #tpu.memory_space<semaphore_mem>>) src(%arg9 : memref<40x128xf32, #tpu.memory_space<vmem>>) dst(%dma_wait3A_88 : memref<40x128xf32, #tpu.memory_space<vmem_shared>>)
      tpu.yield
    }) : () -> ()
    %mul3A_58 = arith.constant 640 : i32
    %mul3A_59 = arith.muli %arg1, %mul3A_58 : i32
    %add3A_60 = arith.constant 520 : i32
    %add3A_61 = arith.addi %mul3A_59, %add3A_60 : i32
    "tpu.region"() ({
      %run_scoped3A = tpu.sem_alloc : memref<!tpu.dma_semaphore, #tpu.memory_space<semaphore_mem>>
      %dma_start3A = arith.constant 0 : i32
      %dma_start3A_83 = tpu.memref_slice %arg10[%add3A_61, %dma_start3A] : memref<10240x128xf32, #tpu.memory_space<vmem_shared>> -> memref<40x128xf32, #tpu.memory_space<vmem_shared>>
      %dma_start3A_84 = arith.constant 0 : i32
      %dma_start3A_85 = tpu.memref_slice %arg10[%add3A_61, %dma_start3A_84] : memref<10240x128xf32, #tpu.memory_space<vmem_shared>> -> memref<40x128xf32, #tpu.memory_space<vmem_shared>>
      tpu.enqueue_dma source(%arg9 : memref<40x128xf32, #tpu.memory_space<vmem>>) target(%dma_start3A_85 : memref<40x128xf32, #tpu.memory_space<vmem_shared>>) target_semaphore(%run_scoped3A : memref<!tpu.dma_semaphore, #tpu.memory_space<semaphore_mem>>)
      %dma_wait3A = arith.constant 0 : i32
      %dma_wait3A_86 = tpu.memref_slice %arg10[%add3A_61, %dma_wait3A] : memref<10240x128xf32, #tpu.memory_space<vmem_shared>> -> memref<40x128xf32, #tpu.memory_space<vmem_shared>>
      %dma_wait3A_87 = arith.constant 0 : i32
      %dma_wait3A_88 = tpu.memref_slice %arg10[%add3A_61, %dma_wait3A_87] : memref<10240x128xf32, #tpu.memory_space<vmem_shared>> -> memref<40x128xf32, #tpu.memory_space<vmem_shared>>
      tpu.wait_dma2 semaphore(%run_scoped3A : memref<!tpu.dma_semaphore, #tpu.memory_space<semaphore_mem>>) src(%arg9 : memref<40x128xf32, #tpu.memory_space<vmem>>) dst(%dma_wait3A_88 : memref<40x128xf32, #tpu.memory_space<vmem_shared>>)
      tpu.yield
    }) : () -> ()
    %mul3A_62 = arith.constant 640 : i32
    %mul3A_63 = arith.muli %arg1, %mul3A_62 : i32
    %add3A_64 = arith.constant 560 : i32
    %add3A_65 = arith.addi %mul3A_63, %add3A_64 : i32
    "tpu.region"() ({
      %run_scoped3A = tpu.sem_alloc : memref<!tpu.dma_semaphore, #tpu.memory_space<semaphore_mem>>
      %dma_start3A = arith.constant 0 : i32
      %dma_start3A_83 = tpu.memref_slice %arg10[%add3A_65, %dma_start3A] : memref<10240x128xf32, #tpu.memory_space<vmem_shared>> -> memref<40x128xf32, #tpu.memory_space<vmem_shared>>
      %dma_start3A_84 = arith.constant 0 : i32
      %dma_start3A_85 = tpu.memref_slice %arg10[%add3A_65, %dma_start3A_84] : memref<10240x128xf32, #tpu.memory_space<vmem_shared>> -> memref<40x128xf32, #tpu.memory_space<vmem_shared>>
      tpu.enqueue_dma source(%arg9 : memref<40x128xf32, #tpu.memory_space<vmem>>) target(%dma_start3A_85 : memref<40x128xf32, #tpu.memory_space<vmem_shared>>) target_semaphore(%run_scoped3A : memref<!tpu.dma_semaphore, #tpu.memory_space<semaphore_mem>>)
      %dma_wait3A = arith.constant 0 : i32
      %dma_wait3A_86 = tpu.memref_slice %arg10[%add3A_65, %dma_wait3A] : memref<10240x128xf32, #tpu.memory_space<vmem_shared>> -> memref<40x128xf32, #tpu.memory_space<vmem_shared>>
      %dma_wait3A_87 = arith.constant 0 : i32
      %dma_wait3A_88 = tpu.memref_slice %arg10[%add3A_65, %dma_wait3A_87] : memref<10240x128xf32, #tpu.memory_space<vmem_shared>> -> memref<40x128xf32, #tpu.memory_space<vmem_shared>>
      tpu.wait_dma2 semaphore(%run_scoped3A : memref<!tpu.dma_semaphore, #tpu.memory_space<semaphore_mem>>) src(%arg9 : memref<40x128xf32, #tpu.memory_space<vmem>>) dst(%dma_wait3A_88 : memref<40x128xf32, #tpu.memory_space<vmem_shared>>)
      tpu.yield
    }) : () -> ()
    %mul3A_66 = arith.constant 640 : i32
    %mul3A_67 = arith.muli %arg1, %mul3A_66 : i32
    %add3A_68 = arith.constant 600 : i32
    %add3A_69 = arith.addi %mul3A_67, %add3A_68 : i32
    "tpu.region"() ({
      %run_scoped3A = tpu.sem_alloc : memref<!tpu.dma_semaphore, #tpu.memory_space<semaphore_mem>>
      %dma_start3A = arith.constant 0 : i32
      %dma_start3A_83 = tpu.memref_slice %arg10[%add3A_69, %dma_start3A] : memref<10240x128xf32, #tpu.memory_space<vmem_shared>> -> memref<40x128xf32, #tpu.memory_space<vmem_shared>>
      %dma_start3A_84 = arith.constant 0 : i32
      %dma_start3A_85 = tpu.memref_slice %arg10[%add3A_69, %dma_start3A_84] : memref<10240x128xf32, #tpu.memory_space<vmem_shared>> -> memref<40x128xf32, #tpu.memory_space<vmem_shared>>
      tpu.enqueue_dma source(%arg9 : memref<40x128xf32, #tpu.memory_space<vmem>>) target(%dma_start3A_85 : memref<40x128xf32, #tpu.memory_space<vmem_shared>>) target_semaphore(%run_scoped3A : memref<!tpu.dma_semaphore, #tpu.memory_space<semaphore_mem>>)
      %dma_wait3A = arith.constant 0 : i32
      %dma_wait3A_86 = tpu.memref_slice %arg10[%add3A_69, %dma_wait3A] : memref<10240x128xf32, #tpu.memory_space<vmem_shared>> -> memref<40x128xf32, #tpu.memory_space<vmem_shared>>
      %dma_wait3A_87 = arith.constant 0 : i32
      %dma_wait3A_88 = tpu.memref_slice %arg10[%add3A_69, %dma_wait3A_87] : memref<10240x128xf32, #tpu.memory_space<vmem_shared>> -> memref<40x128xf32, #tpu.memory_space<vmem_shared>>
      tpu.wait_dma2 semaphore(%run_scoped3A : memref<!tpu.dma_semaphore, #tpu.memory_space<semaphore_mem>>) src(%arg9 : memref<40x128xf32, #tpu.memory_space<vmem>>) dst(%dma_wait3A_88 : memref<40x128xf32, #tpu.memory_space<vmem_shared>>)
      tpu.yield
    }) : () -> ()
    %barrier3A = arith.constant 0 : index
    tpu.barrier barrier_id(%barrier3A)
    %mul3A_70 = arith.constant 79 : i32
    %mul3A_71 = arith.muli %add3A, %mul3A_70 : i32
    %scan3A_72 = arith.constant 0 : i32
    %scan3A_73 = arith.constant 0 : i32
    %scan3A_74 = arith.constant 79 : i32
    %scan3A_75 = arith.addi %scan3A_73, %scan3A_74 : i32
    %scan3A_76 = arith.constant 1 : i32
    scf.for %scan3A_83 = %scan3A_73 to %scan3A_75 step %scan3A_76  : i32 {
      %add3A_84 = arith.addi %mul3A_71, %scan3A_83 : i32
      "tpu.region"() ({
        %run_scoped3A = tpu.sem_alloc : memref<!tpu.dma_semaphore, #tpu.memory_space<semaphore_mem>>
        %dma_start3A_89 = arith.constant 0 : i32
        %dma_start3A_90 = tpu.memref_slice %arg3[%add3A_84, %dma_start3A_89] : memref<2528x128xi32, #tpu.memory_space<hbm>> -> memref<1x128xi32, #tpu.memory_space<hbm>>
        %dma_start3A_91 = tpu.memref_squeeze %dma_start3A_90 : memref<1x128xi32, #tpu.memory_space<hbm>> -> memref<128xi32, #tpu.memory_space<hbm>>
        %dma_start3A_92 = arith.constant 0 : i32
        %dma_start3A_93 = tpu.memref_slice %arg3[%add3A_84, %dma_start3A_92] : memref<2528x128xi32, #tpu.memory_space<hbm>> -> memref<1x128xi32, #tpu.memory_space<hbm>>
        %dma_start3A_94 = tpu.memref_squeeze %dma_start3A_93 : memref<1x128xi32, #tpu.memory_space<hbm>> -> memref<128xi32, #tpu.memory_space<hbm>>
        tpu.enqueue_dma source(%dma_start3A_94 : memref<128xi32, #tpu.memory_space<hbm>>) target(%arg6 : memref<128xi32, #tpu.memory_space<vmem>>) target_semaphore(%run_scoped3A : memref<!tpu.dma_semaphore, #tpu.memory_space<semaphore_mem>>)
        %dma_wait3A_95 = arith.constant 0 : i32
        %dma_wait3A_96 = tpu.memref_slice %arg3[%add3A_84, %dma_wait3A_95] : memref<2528x128xi32, #tpu.memory_space<hbm>> -> memref<1x128xi32, #tpu.memory_space<hbm>>
        %dma_wait3A_97 = tpu.memref_squeeze %dma_wait3A_96 : memref<1x128xi32, #tpu.memory_space<hbm>> -> memref<128xi32, #tpu.memory_space<hbm>>
        %dma_wait3A_98 = arith.constant 0 : i32
        %dma_wait3A_99 = tpu.memref_slice %arg3[%add3A_84, %dma_wait3A_98] : memref<2528x128xi32, #tpu.memory_space<hbm>> -> memref<1x128xi32, #tpu.memory_space<hbm>>
        %dma_wait3A_100 = tpu.memref_squeeze %dma_wait3A_99 : memref<1x128xi32, #tpu.memory_space<hbm>> -> memref<128xi32, #tpu.memory_space<hbm>>
        tpu.wait_dma2 semaphore(%run_scoped3A : memref<!tpu.dma_semaphore, #tpu.memory_space<semaphore_mem>>) src(%dma_wait3A_100 : memref<128xi32, #tpu.memory_space<hbm>>) dst(%arg6 : memref<128xi32, #tpu.memory_space<vmem>>)
        tpu.yield
      }) : () -> ()
      %dma_start3A = arith.constant 0 : i32
      %dma_start3A_85 = arith.constant 0 : i32
      %dma_start3A_86 = tpu.memref_slice %arg2[%dma_start3A, %dma_start3A_85] : memref<10000x128xf32, #tpu.memory_space<hbm>> -> memref<10000x128xf32, #tpu.memory_space<hbm>>
      tpu.enqueue_indirect_dma source(%dma_start3A_86 : memref<10000x128xf32, #tpu.memory_space<hbm>>) target(%arg8 : memref<128x128xf32, #tpu.memory_space<vmem>>) offsets(%arg6 : memref<128xi32, #tpu.memory_space<vmem>>) semaphore(%arg11 : memref<!tpu.dma_semaphore, #tpu.memory_space<semaphore_mem>>)
      "tpu.region"() ({
        %run_scoped3A = tpu.sem_alloc : memref<!tpu.dma_semaphore, #tpu.memory_space<semaphore_mem>>
        %dma_start3A_89 = arith.constant 0 : i32
        %dma_start3A_90 = tpu.memref_slice %arg4[%add3A_84, %dma_start3A_89] : memref<2528x128xi32, #tpu.memory_space<hbm>> -> memref<1x128xi32, #tpu.memory_space<hbm>>
        %dma_start3A_91 = tpu.memref_squeeze %dma_start3A_90 : memref<1x128xi32, #tpu.memory_space<hbm>> -> memref<128xi32, #tpu.memory_space<hbm>>
        %dma_start3A_92 = arith.constant 0 : i32
        %dma_start3A_93 = tpu.memref_slice %arg4[%add3A_84, %dma_start3A_92] : memref<2528x128xi32, #tpu.memory_space<hbm>> -> memref<1x128xi32, #tpu.memory_space<hbm>>
        %dma_start3A_94 = tpu.memref_squeeze %dma_start3A_93 : memref<1x128xi32, #tpu.memory_space<hbm>> -> memref<128xi32, #tpu.memory_space<hbm>>
        tpu.enqueue_dma source(%dma_start3A_94 : memref<128xi32, #tpu.memory_space<hbm>>) target(%arg7 : memref<128xi32, #tpu.memory_space<vmem>>) target_semaphore(%run_scoped3A : memref<!tpu.dma_semaphore, #tpu.memory_space<semaphore_mem>>)
        %dma_wait3A_95 = arith.constant 0 : i32
        %dma_wait3A_96 = tpu.memref_slice %arg4[%add3A_84, %dma_wait3A_95] : memref<2528x128xi32, #tpu.memory_space<hbm>> -> memref<1x128xi32, #tpu.memory_space<hbm>>
        %dma_wait3A_97 = tpu.memref_squeeze %dma_wait3A_96 : memref<1x128xi32, #tpu.memory_space<hbm>> -> memref<128xi32, #tpu.memory_space<hbm>>
        %dma_wait3A_98 = arith.constant 0 : i32
        %dma_wait3A_99 = tpu.memref_slice %arg4[%add3A_84, %dma_wait3A_98] : memref<2528x128xi32, #tpu.memory_space<hbm>> -> memref<1x128xi32, #tpu.memory_space<hbm>>
        %dma_wait3A_100 = tpu.memref_squeeze %dma_wait3A_99 : memref<1x128xi32, #tpu.memory_space<hbm>> -> memref<128xi32, #tpu.memory_space<hbm>>
        tpu.wait_dma2 semaphore(%run_scoped3A : memref<!tpu.dma_semaphore, #tpu.memory_space<semaphore_mem>>) src(%dma_wait3A_100 : memref<128xi32, #tpu.memory_space<hbm>>) dst(%arg7 : memref<128xi32, #tpu.memory_space<vmem>>)
        tpu.yield
      }) : () -> ()
      %dma_wait3A = arith.constant 0 : i32
      %dma_wait3A_87 = arith.constant 0 : i32
      %dma_wait3A_88 = tpu.memref_slice %arg2[%dma_wait3A, %dma_wait3A_87] : memref<10000x128xf32, #tpu.memory_space<hbm>> -> memref<10000x128xf32, #tpu.memory_space<hbm>>
      tpu.wait_indirect_dma semaphore(%arg11 : memref<!tpu.dma_semaphore, #tpu.memory_space<semaphore_mem>>) src(%dma_wait3A_88 : memref<10000x128xf32, #tpu.memory_space<hbm>>) dst(%arg8 : memref<128x128xf32, #tpu.memory_space<vmem>>)
      "tpu.region"() ({
        %run_scoped3A = tpu.sem_alloc : memref<!tpu.dma_semaphore, #tpu.memory_space<semaphore_mem>>
        %dma_start3A_89 = arith.constant 0 : i32
        %dma_start3A_90 = arith.constant 0 : i32
        %dma_start3A_91 = tpu.memref_slice %arg10[%dma_start3A_89, %dma_start3A_90] : memref<10240x128xf32, #tpu.memory_space<vmem_shared>> -> memref<10240x128xf32, #tpu.memory_space<vmem_shared>>
        tpu.enqueue_indirect_dma source(%arg8 : memref<128x128xf32, #tpu.memory_space<vmem>>) target(%dma_start3A_91 : memref<10240x128xf32, #tpu.memory_space<vmem_shared>>) offsets(%arg7 : memref<128xi32, #tpu.memory_space<vmem>>) semaphore(%run_scoped3A : memref<!tpu.dma_semaphore, #tpu.memory_space<semaphore_mem>>) {add = true}
        %dma_wait3A_92 = arith.constant 0 : i32
        %dma_wait3A_93 = arith.constant 0 : i32
        %dma_wait3A_94 = tpu.memref_slice %arg10[%dma_wait3A_92, %dma_wait3A_93] : memref<10240x128xf32, #tpu.memory_space<vmem_shared>> -> memref<10240x128xf32, #tpu.memory_space<vmem_shared>>
        tpu.wait_indirect_dma semaphore(%run_scoped3A : memref<!tpu.dma_semaphore, #tpu.memory_space<semaphore_mem>>) src(%arg8 : memref<128x128xf32, #tpu.memory_space<vmem>>) dst(%dma_wait3A_94 : memref<10240x128xf32, #tpu.memory_space<vmem_shared>>)
        tpu.yield
      }) : () -> ()
    }
    %scan3A_77 = arith.constant 79 : i32
    %barrier3A_78 = arith.constant 0 : index
    tpu.barrier barrier_id(%barrier3A_78)
    %mul3A_79 = arith.constant 640 : i32
    %mul3A_80 = arith.muli %arg1, %mul3A_79 : i32
    %mul3A_81 = arith.constant 640 : i32
    %mul3A_82 = arith.muli %arg1, %mul3A_81 : i32
    "tpu.region"() ({
      %run_scoped3A = tpu.sem_alloc : memref<!tpu.dma_semaphore, #tpu.memory_space<semaphore_mem>>
      %dma_start3A = arith.constant 0 : i32
      %dma_start3A_83 = tpu.memref_slice %arg5[%arg0, %mul3A_82, %dma_start3A] : memref<2x10240x128xf32, #tpu.memory_space<hbm>> -> memref<1x640x128xf32, #tpu.memory_space<hbm>>
      %dma_start3A_84 = tpu.memref_squeeze %dma_start3A_83 : memref<1x640x128xf32, #tpu.memory_space<hbm>> -> memref<640x128xf32, #tpu.memory_space<hbm>>
      %dma_start3A_85 = arith.constant 0 : i32
      %dma_start3A_86 = tpu.memref_slice %arg10[%mul3A_80, %dma_start3A_85] : memref<10240x128xf32, #tpu.memory_space<vmem_shared>> -> memref<640x128xf32, #tpu.memory_space<vmem_shared>>
      tpu.enqueue_dma source(%dma_start3A_86 : memref<640x128xf32, #tpu.memory_space<vmem_shared>>) target(%dma_start3A_84 : memref<640x128xf32, #tpu.memory_space<hbm>>) target_semaphore(%run_scoped3A : memref<!tpu.dma_semaphore, #tpu.memory_space<semaphore_mem>>)
      %dma_wait3A = arith.constant 0 : i32
      %dma_wait3A_87 = tpu.memref_slice %arg5[%arg0, %mul3A_82, %dma_wait3A] : memref<2x10240x128xf32, #tpu.memory_space<hbm>> -> memref<1x640x128xf32, #tpu.memory_space<hbm>>
      %dma_wait3A_88 = tpu.memref_squeeze %dma_wait3A_87 : memref<1x640x128xf32, #tpu.memory_space<hbm>> -> memref<640x128xf32, #tpu.memory_space<hbm>>
      %dma_wait3A_89 = arith.constant 0 : i32
      %dma_wait3A_90 = tpu.memref_slice %arg10[%mul3A_80, %dma_wait3A_89] : memref<10240x128xf32, #tpu.memory_space<vmem_shared>> -> memref<640x128xf32, #tpu.memory_space<vmem_shared>>
      tpu.wait_dma2 semaphore(%run_scoped3A : memref<!tpu.dma_semaphore, #tpu.memory_space<semaphore_mem>>) src(%dma_wait3A_90 : memref<640x128xf32, #tpu.memory_space<vmem_shared>>) dst(%dma_wait3A_88 : memref<640x128xf32, #tpu.memory_space<hbm>>)
      tpu.yield
    }) : () -> ()
    return
  }
}

#map = affine_map<(d0, d1) -> (0, 0)>
#map1 = affine_map<(d0, d1) -> (0, 0, 0)>
module attributes {stable_mosaic.version = 14 : i64} {
  func.func @agg(%arg0: i32, %arg1: i32, %arg2: memref<10000x128xf32, #tpu.memory_space<hbm>>, %arg3: memref<2528x128xi32, #tpu.memory_space<hbm>>, %arg4: memref<2528x128xi32, #tpu.memory_space<hbm>>, %arg5: memref<2x10240x128xf32, #tpu.memory_space<hbm>>, %arg6: memref<128xi32, #tpu.memory_space<vmem>>, %arg7: memref<128xi32, #tpu.memory_space<vmem>>, %arg8: memref<128x128xf32, #tpu.memory_space<vmem>>, %arg9: memref<40x128xf32, #tpu.memory_space<vmem>>, %arg10: memref<10240x128xf32, #tpu.memory_space<vmem_shared>>, %arg11: memref<!tpu.dma_semaphore, #tpu.memory_space<semaphore_mem>>) attributes {dimension_semantics = [#tpu.dimension_semantics<core_parallel>, #tpu.dimension_semantics<subcore_parallel>], iteration_bounds = array<i64: 2, 16>, scalar_prefetch = 0 : i64, scratch_operands = 6 : i64, tpu.core_type = #tpu.core_type<sc_vector_subcore>, window_params = [{transform_indices = #map}, {transform_indices = #map}, {transform_indices = #map}, {transform_indices = #map1}]} {
    %mul3A = arith.constant 2 : i32
    %mul3A_0 = arith.muli %arg1, %mul3A : i32
    %add3A = arith.addi %mul3A_0, %arg0 : i32
    %scan3A = arith.constant 0 : i32
    %scan3A_1 = arith.constant 0 : i32
    %scan3A_2 = arith.constant 40 : i32
    %scan3A_3 = arith.addi %scan3A_1, %scan3A_2 : i32
    %scan3A_4 = arith.constant 1 : i32
    scf.for %scan3A_83 = %scan3A_1 to %scan3A_3 step %scan3A_4  : i32 {
      %broadcast_in_dim3A = arith.constant 0.000000e+00 : f32
      %broadcast_in_dim3A_84 = vector.broadcast %broadcast_in_dim3A : f32 to vector<16xf32>
      %swap3A = arith.index_cast %scan3A_83 : i32 to index
      %swap3A_85 = arith.constant 0 : index
      %swap3A_86 = tpu.vector_load %arg9[%swap3A, %swap3A_85] {strides = array<i32>} : memref<40x128xf32, #tpu.memory_space<vmem>>, vector<1x16xf32>,
      %swap3A_87 = vector.shape_cast %swap3A_86 : vector<1x16xf32> to vector<16xf32>
      %swap3A_88 = vector.shape_cast %broadcast_in_dim3A_84 : vector<16xf32> to vector<1x16xf32>
      tpu.vector_store %arg9[%swap3A, %swap3A_85], %swap3A_88 {strides = array<i32>} : memref<40x128xf32, #tpu.memory_space<vmem>>, vector<1x16xf32>,
      %broadcast_in_dim3A_89 = arith.constant 0.000000e+00 : f32
      %broadcast_in_dim3A_90 = vector.broadcast %broadcast_in_dim3A_89 : f32 to vector<16xf32>
      %swap3A_91 = arith.index_cast %scan3A_83 : i32 to index
      %swap3A_92 = arith.constant 16 : index
      %swap3A_93 = tpu.vector_load %arg9[%swap3A_91, %swap3A_92] {strides = array<i32>} : memref<40x128xf32, #tpu.memory_space<vmem>>, vector<1x16xf32>,
      %swap3A_94 = vector.shape_cast %swap3A_93 : vector<1x16xf32> to vector<16xf32>
      %swap3A_95 = vector.shape_cast %broadcast_in_dim3A_90 : vector<16xf32> to vector<1x16xf32>
      tpu.vector_store %arg9[%swap3A_91, %swap3A_92], %swap3A_95 {strides = array<i32>} : memref<40x128xf32, #tpu.memory_space<vmem>>, vector<1x16xf32>,
      %broadcast_in_dim3A_96 = arith.constant 0.000000e+00 : f32
      %broadcast_in_dim3A_97 = vector.broadcast %broadcast_in_dim3A_96 : f32 to vector<16xf32>
      %swap3A_98 = arith.index_cast %scan3A_83 : i32 to index
      %swap3A_99 = arith.constant 32 : index
      %swap3A_100 = tpu.vector_load %arg9[%swap3A_98, %swap3A_99] {strides = array<i32>} : memref<40x128xf32, #tpu.memory_space<vmem>>, vector<1x16xf32>,
      %swap3A_101 = vector.shape_cast %swap3A_100 : vector<1x16xf32> to vector<16xf32>
      %swap3A_102 = vector.shape_cast %broadcast_in_dim3A_97 : vector<16xf32> to vector<1x16xf32>
      tpu.vector_store %arg9[%swap3A_98, %swap3A_99], %swap3A_102 {strides = array<i32>} : memref<40x128xf32, #tpu.memory_space<vmem>>, vector<1x16xf32>,
      %broadcast_in_dim3A_103 = arith.constant 0.000000e+00 : f32
      %broadcast_in_dim3A_104 = vector.broadcast %broadcast_in_dim3A_103 : f32 to vector<16xf32>
      %swap3A_105 = arith.index_cast %scan3A_83 : i32 to index
      %swap3A_106 = arith.constant 48 : index
      %swap3A_107 = tpu.vector_load %arg9[%swap3A_105, %swap3A_106] {strides = array<i32>} : memref<40x128xf32, #tpu.memory_space<vmem>>, vector<1x16xf32>,
      %swap3A_108 = vector.shape_cast %swap3A_107 : vector<1x16xf32> to vector<16xf32>
      %swap3A_109 = vector.shape_cast %broadcast_in_dim3A_104 : vector<16xf32> to vector<1x16xf32>
      tpu.vector_store %arg9[%swap3A_105, %swap3A_106], %swap3A_109 {strides = array<i32>} : memref<40x128xf32, #tpu.memory_space<vmem>>, vector<1x16xf32>,
      %broadcast_in_dim3A_110 = arith.constant 0.000000e+00 : f32
      %broadcast_in_dim3A_111 = vector.broadcast %broadcast_in_dim3A_110 : f32 to vector<16xf32>
      %swap3A_112 = arith.index_cast %scan3A_83 : i32 to index
      %swap3A_113 = arith.constant 64 : index
      %swap3A_114 = tpu.vector_load %arg9[%swap3A_112, %swap3A_113] {strides = array<i32>} : memref<40x128xf32, #tpu.memory_space<vmem>>, vector<1x16xf32>,
      %swap3A_115 = vector.shape_cast %swap3A_114 : vector<1x16xf32> to vector<16xf32>
      %swap3A_116 = vector.shape_cast %broadcast_in_dim3A_111 : vector<16xf32> to vector<1x16xf32>
      tpu.vector_store %arg9[%swap3A_112, %swap3A_113], %swap3A_116 {strides = array<i32>} : memref<40x128xf32, #tpu.memory_space<vmem>>, vector<1x16xf32>,
      %broadcast_in_dim3A_117 = arith.constant 0.000000e+00 : f32
      %broadcast_in_dim3A_118 = vector.broadcast %broadcast_in_dim3A_117 : f32 to vector<16xf32>
      %swap3A_119 = arith.index_cast %scan3A_83 : i32 to index
      %swap3A_120 = arith.constant 80 : index
      %swap3A_121 = tpu.vector_load %arg9[%swap3A_119, %swap3A_120] {strides = array<i32>} : memref<40x128xf32, #tpu.memory_space<vmem>>, vector<1x16xf32>,
      %swap3A_122 = vector.shape_cast %swap3A_121 : vector<1x16xf32> to vector<16xf32>
      %swap3A_123 = vector.shape_cast %broadcast_in_dim3A_118 : vector<16xf32> to vector<1x16xf32>
      tpu.vector_store %arg9[%swap3A_119, %swap3A_120], %swap3A_123 {strides = array<i32>} : memref<40x128xf32, #tpu.memory_space<vmem>>, vector<1x16xf32>,
      %broadcast_in_dim3A_124 = arith.constant 0.000000e+00 : f32
      %broadcast_in_dim3A_125 = vector.broadcast %broadcast_in_dim3A_124 : f32 to vector<16xf32>
      %swap3A_126 = arith.index_cast %scan3A_83 : i32 to index
      %swap3A_127 = arith.constant 96 : index
      %swap3A_128 = tpu.vector_load %arg9[%swap3A_126, %swap3A_127] {strides = array<i32>} : memref<40x128xf32, #tpu.memory_space<vmem>>, vector<1x16xf32>,
      %swap3A_129 = vector.shape_cast %swap3A_128 : vector<1x16xf32> to vector<16xf32>
      %swap3A_130 = vector.shape_cast %broadcast_in_dim3A_125 : vector<16xf32> to vector<1x16xf32>
      tpu.vector_store %arg9[%swap3A_126, %swap3A_127], %swap3A_130 {strides = array<i32>} : memref<40x128xf32, #tpu.memory_space<vmem>>, vector<1x16xf32>,
      %broadcast_in_dim3A_131 = arith.constant 0.000000e+00 : f32
      %broadcast_in_dim3A_132 = vector.broadcast %broadcast_in_dim3A_131 : f32 to vector<16xf32>
      %swap3A_133 = arith.index_cast %scan3A_83 : i32 to index
      %swap3A_134 = arith.constant 112 : index
      %swap3A_135 = tpu.vector_load %arg9[%swap3A_133, %swap3A_134] {strides = array<i32>} : memref<40x128xf32, #tpu.memory_space<vmem>>, vector<1x16xf32>,
      %swap3A_136 = vector.shape_cast %swap3A_135 : vector<1x16xf32> to vector<16xf32>
      %swap3A_137 = vector.shape_cast %broadcast_in_dim3A_132 : vector<16xf32> to vector<1x16xf32>
      tpu.vector_store %arg9[%swap3A_133, %swap3A_134], %swap3A_137 {strides = array<i32>} : memref<40x128xf32, #tpu.memory_space<vmem>>, vector<1x16xf32>,
    }
    %scan3A_5 = arith.constant 40 : i32
    %mul3A_6 = arith.constant 640 : i32
    %mul3A_7 = arith.muli %arg1, %mul3A_6 : i32
    %add3A_8 = arith.constant 0 : i32
    %add3A_9 = arith.addi %mul3A_7, %add3A_8 : i32
    "tpu.region"() ({
      %run_scoped3A = tpu.sem_alloc : memref<!tpu.dma_semaphore, #tpu.memory_space<semaphore_mem>>
      %dma_start3A = arith.constant 0 : i32
      %dma_start3A_83 = tpu.memref_slice %arg10[%add3A_9, %dma_start3A] : memref<10240x128xf32, #tpu.memory_space<vmem_shared>> -> memref<40x128xf32, #tpu.memory_space<vmem_shared>>
      %dma_start3A_84 = arith.constant 0 : i32
      %dma_start3A_85 = tpu.memref_slice %arg10[%add3A_9, %dma_start3A_84] : memref<10240x128xf32, #tpu.memory_space<vmem_shared>> -> memref<40x128xf32, #tpu.memory_space<vmem_shared>>
      tpu.enqueue_dma source(%arg9 : memref<40x128xf32, #tpu.memory_space<vmem>>) target(%dma_start3A_85 : memref<40x128xf32, #tpu.memory_space<vmem_shared>>) target_semaphore(%run_scoped3A : memref<!tpu.dma_semaphore, #tpu.memory_space<semaphore_mem>>)
      %dma_wait3A = arith.constant 0 : i32
      %dma_wait3A_86 = tpu.memref_slice %arg10[%add3A_9, %dma_wait3A] : memref<10240x128xf32, #tpu.memory_space<vmem_shared>> -> memref<40x128xf32, #tpu.memory_space<vmem_shared>>
      %dma_wait3A_87 = arith.constant 0 : i32
      %dma_wait3A_88 = tpu.memref_slice %arg10[%add3A_9, %dma_wait3A_87] : memref<10240x128xf32, #tpu.memory_space<vmem_shared>> -> memref<40x128xf32, #tpu.memory_space<vmem_shared>>
      tpu.wait_dma2 semaphore(%run_scoped3A : memref<!tpu.dma_semaphore, #tpu.memory_space<semaphore_mem>>) src(%arg9 : memref<40x128xf32, #tpu.memory_space<vmem>>) dst(%dma_wait3A_88 : memref<40x128xf32, #tpu.memory_space<vmem_shared>>)
      tpu.yield
    }) : () -> ()
    %mul3A_10 = arith.constant 640 : i32
    %mul3A_11 = arith.muli %arg1, %mul3A_10 : i32
    %add3A_12 = arith.constant 40 : i32
    %add3A_13 = arith.addi %mul3A_11, %add3A_12 : i32
    "tpu.region"() ({
      %run_scoped3A = tpu.sem_alloc : memref<!tpu.dma_semaphore, #tpu.memory_space<semaphore_mem>>
      %dma_start3A = arith.constant 0 : i32
      %dma_start3A_83 = tpu.memref_slice %arg10[%add3A_13, %dma_start3A] : memref<10240x128xf32, #tpu.memory_space<vmem_shared>> -> memref<40x128xf32, #tpu.memory_space<vmem_shared>>
      %dma_start3A_84 = arith.constant 0 : i32
      %dma_start3A_85 = tpu.memref_slice %arg10[%add3A_13, %dma_start3A_84] : memref<10240x128xf32, #tpu.memory_space<vmem_shared>> -> memref<40x128xf32, #tpu.memory_space<vmem_shared>>
      tpu.enqueue_dma source(%arg9 : memref<40x128xf32, #tpu.memory_space<vmem>>) target(%dma_start3A_85 : memref<40x128xf32, #tpu.memory_space<vmem_shared>>) target_semaphore(%run_scoped3A : memref<!tpu.dma_semaphore, #tpu.memory_space<semaphore_mem>>)
      %dma_wait3A = arith.constant 0 : i32
      %dma_wait3A_86 = tpu.memref_slice %arg10[%add3A_13, %dma_wait3A] : memref<10240x128xf32, #tpu.memory_space<vmem_shared>> -> memref<40x128xf32, #tpu.memory_space<vmem_shared>>
      %dma_wait3A_87 = arith.constant 0 : i32
      %dma_wait3A_88 = tpu.memref_slice %arg10[%add3A_13, %dma_wait3A_87] : memref<10240x128xf32, #tpu.memory_space<vmem_shared>> -> memref<40x128xf32, #tpu.memory_space<vmem_shared>>
      tpu.wait_dma2 semaphore(%run_scoped3A : memref<!tpu.dma_semaphore, #tpu.memory_space<semaphore_mem>>) src(%arg9 : memref<40x128xf32, #tpu.memory_space<vmem>>) dst(%dma_wait3A_88 : memref<40x128xf32, #tpu.memory_space<vmem_shared>>)
      tpu.yield
    }) : () -> ()
    %mul3A_14 = arith.constant 640 : i32
    %mul3A_15 = arith.muli %arg1, %mul3A_14 : i32
    %add3A_16 = arith.constant 80 : i32
    %add3A_17 = arith.addi %mul3A_15, %add3A_16 : i32
    "tpu.region"() ({
      %run_scoped3A = tpu.sem_alloc : memref<!tpu.dma_semaphore, #tpu.memory_space<semaphore_mem>>
      %dma_start3A = arith.constant 0 : i32
      %dma_start3A_83 = tpu.memref_slice %arg10[%add3A_17, %dma_start3A] : memref<10240x128xf32, #tpu.memory_space<vmem_shared>> -> memref<40x128xf32, #tpu.memory_space<vmem_shared>>
      %dma_start3A_84 = arith.constant 0 : i32
      %dma_start3A_85 = tpu.memref_slice %arg10[%add3A_17, %dma_start3A_84] : memref<10240x128xf32, #tpu.memory_space<vmem_shared>> -> memref<40x128xf32, #tpu.memory_space<vmem_shared>>
      tpu.enqueue_dma source(%arg9 : memref<40x128xf32, #tpu.memory_space<vmem>>) target(%dma_start3A_85 : memref<40x128xf32, #tpu.memory_space<vmem_shared>>) target_semaphore(%run_scoped3A : memref<!tpu.dma_semaphore, #tpu.memory_space<semaphore_mem>>)
      %dma_wait3A = arith.constant 0 : i32
      %dma_wait3A_86 = tpu.memref_slice %arg10[%add3A_17, %dma_wait3A] : memref<10240x128xf32, #tpu.memory_space<vmem_shared>> -> memref<40x128xf32, #tpu.memory_space<vmem_shared>>
      %dma_wait3A_87 = arith.constant 0 : i32
      %dma_wait3A_88 = tpu.memref_slice %arg10[%add3A_17, %dma_wait3A_87] : memref<10240x128xf32, #tpu.memory_space<vmem_shared>> -> memref<40x128xf32, #tpu.memory_space<vmem_shared>>
      tpu.wait_dma2 semaphore(%run_scoped3A : memref<!tpu.dma_semaphore, #tpu.memory_space<semaphore_mem>>) src(%arg9 : memref<40x128xf32, #tpu.memory_space<vmem>>) dst(%dma_wait3A_88 : memref<40x128xf32, #tpu.memory_space<vmem_shared>>)
      tpu.yield
    }) : () -> ()
    %mul3A_18 = arith.constant 640 : i32
    %mul3A_19 = arith.muli %arg1, %mul3A_18 : i32
    %add3A_20 = arith.constant 120 : i32
    %add3A_21 = arith.addi %mul3A_19, %add3A_20 : i32
    "tpu.region"() ({
      %run_scoped3A = tpu.sem_alloc : memref<!tpu.dma_semaphore, #tpu.memory_space<semaphore_mem>>
      %dma_start3A = arith.constant 0 : i32
      %dma_start3A_83 = tpu.memref_slice %arg10[%add3A_21, %dma_start3A] : memref<10240x128xf32, #tpu.memory_space<vmem_shared>> -> memref<40x128xf32, #tpu.memory_space<vmem_shared>>
      %dma_start3A_84 = arith.constant 0 : i32
      %dma_start3A_85 = tpu.memref_slice %arg10[%add3A_21, %dma_start3A_84] : memref<10240x128xf32, #tpu.memory_space<vmem_shared>> -> memref<40x128xf32, #tpu.memory_space<vmem_shared>>
      tpu.enqueue_dma source(%arg9 : memref<40x128xf32, #tpu.memory_space<vmem>>) target(%dma_start3A_85 : memref<40x128xf32, #tpu.memory_space<vmem_shared>>) target_semaphore(%run_scoped3A : memref<!tpu.dma_semaphore, #tpu.memory_space<semaphore_mem>>)
      %dma_wait3A = arith.constant 0 : i32
      %dma_wait3A_86 = tpu.memref_slice %arg10[%add3A_21, %dma_wait3A] : memref<10240x128xf32, #tpu.memory_space<vmem_shared>> -> memref<40x128xf32, #tpu.memory_space<vmem_shared>>
      %dma_wait3A_87 = arith.constant 0 : i32
      %dma_wait3A_88 = tpu.memref_slice %arg10[%add3A_21, %dma_wait3A_87] : memref<10240x128xf32, #tpu.memory_space<vmem_shared>> -> memref<40x128xf32, #tpu.memory_space<vmem_shared>>
      tpu.wait_dma2 semaphore(%run_scoped3A : memref<!tpu.dma_semaphore, #tpu.memory_space<semaphore_mem>>) src(%arg9 : memref<40x128xf32, #tpu.memory_space<vmem>>) dst(%dma_wait3A_88 : memref<40x128xf32, #tpu.memory_space<vmem_shared>>)
      tpu.yield
    }) : () -> ()
    %mul3A_22 = arith.constant 640 : i32
    %mul3A_23 = arith.muli %arg1, %mul3A_22 : i32
    %add3A_24 = arith.constant 160 : i32
    %add3A_25 = arith.addi %mul3A_23, %add3A_24 : i32
    "tpu.region"() ({
      %run_scoped3A = tpu.sem_alloc : memref<!tpu.dma_semaphore, #tpu.memory_space<semaphore_mem>>
      %dma_start3A = arith.constant 0 : i32
      %dma_start3A_83 = tpu.memref_slice %arg10[%add3A_25, %dma_start3A] : memref<10240x128xf32, #tpu.memory_space<vmem_shared>> -> memref<40x128xf32, #tpu.memory_space<vmem_shared>>
      %dma_start3A_84 = arith.constant 0 : i32
      %dma_start3A_85 = tpu.memref_slice %arg10[%add3A_25, %dma_start3A_84] : memref<10240x128xf32, #tpu.memory_space<vmem_shared>> -> memref<40x128xf32, #tpu.memory_space<vmem_shared>>
      tpu.enqueue_dma source(%arg9 : memref<40x128xf32, #tpu.memory_space<vmem>>) target(%dma_start3A_85 : memref<40x128xf32, #tpu.memory_space<vmem_shared>>) target_semaphore(%run_scoped3A : memref<!tpu.dma_semaphore, #tpu.memory_space<semaphore_mem>>)
      %dma_wait3A = arith.constant 0 : i32
      %dma_wait3A_86 = tpu.memref_slice %arg10[%add3A_25, %dma_wait3A] : memref<10240x128xf32, #tpu.memory_space<vmem_shared>> -> memref<40x128xf32, #tpu.memory_space<vmem_shared>>
      %dma_wait3A_87 = arith.constant 0 : i32
      %dma_wait3A_88 = tpu.memref_slice %arg10[%add3A_25, %dma_wait3A_87] : memref<10240x128xf32, #tpu.memory_space<vmem_shared>> -> memref<40x128xf32, #tpu.memory_space<vmem_shared>>
      tpu.wait_dma2 semaphore(%run_scoped3A : memref<!tpu.dma_semaphore, #tpu.memory_space<semaphore_mem>>) src(%arg9 : memref<40x128xf32, #tpu.memory_space<vmem>>) dst(%dma_wait3A_88 : memref<40x128xf32, #tpu.memory_space<vmem_shared>>)
      tpu.yield
    }) : () -> ()
    %mul3A_26 = arith.constant 640 : i32
    %mul3A_27 = arith.muli %arg1, %mul3A_26 : i32
    %add3A_28 = arith.constant 200 : i32
    %add3A_29 = arith.addi %mul3A_27, %add3A_28 : i32
    "tpu.region"() ({
      %run_scoped3A = tpu.sem_alloc : memref<!tpu.dma_semaphore, #tpu.memory_space<semaphore_mem>>
      %dma_start3A = arith.constant 0 : i32
      %dma_start3A_83 = tpu.memref_slice %arg10[%add3A_29, %dma_start3A] : memref<10240x128xf32, #tpu.memory_space<vmem_shared>> -> memref<40x128xf32, #tpu.memory_space<vmem_shared>>
      %dma_start3A_84 = arith.constant 0 : i32
      %dma_start3A_85 = tpu.memref_slice %arg10[%add3A_29, %dma_start3A_84] : memref<10240x128xf32, #tpu.memory_space<vmem_shared>> -> memref<40x128xf32, #tpu.memory_space<vmem_shared>>
      tpu.enqueue_dma source(%arg9 : memref<40x128xf32, #tpu.memory_space<vmem>>) target(%dma_start3A_85 : memref<40x128xf32, #tpu.memory_space<vmem_shared>>) target_semaphore(%run_scoped3A : memref<!tpu.dma_semaphore, #tpu.memory_space<semaphore_mem>>)
      %dma_wait3A = arith.constant 0 : i32
      %dma_wait3A_86 = tpu.memref_slice %arg10[%add3A_29, %dma_wait3A] : memref<10240x128xf32, #tpu.memory_space<vmem_shared>> -> memref<40x128xf32, #tpu.memory_space<vmem_shared>>
      %dma_wait3A_87 = arith.constant 0 : i32
      %dma_wait3A_88 = tpu.memref_slice %arg10[%add3A_29, %dma_wait3A_87] : memref<10240x128xf32, #tpu.memory_space<vmem_shared>> -> memref<40x128xf32, #tpu.memory_space<vmem_shared>>
      tpu.wait_dma2 semaphore(%run_scoped3A : memref<!tpu.dma_semaphore, #tpu.memory_space<semaphore_mem>>) src(%arg9 : memref<40x128xf32, #tpu.memory_space<vmem>>) dst(%dma_wait3A_88 : memref<40x128xf32, #tpu.memory_space<vmem_shared>>)
      tpu.yield
    }) : () -> ()
    %mul3A_30 = arith.constant 640 : i32
    %mul3A_31 = arith.muli %arg1, %mul3A_30 : i32
    %add3A_32 = arith.constant 240 : i32
    %add3A_33 = arith.addi %mul3A_31, %add3A_32 : i32
    "tpu.region"() ({
      %run_scoped3A = tpu.sem_alloc : memref<!tpu.dma_semaphore, #tpu.memory_space<semaphore_mem>>
      %dma_start3A = arith.constant 0 : i32
      %dma_start3A_83 = tpu.memref_slice %arg10[%add3A_33, %dma_start3A] : memref<10240x128xf32, #tpu.memory_space<vmem_shared>> -> memref<40x128xf32, #tpu.memory_space<vmem_shared>>
      %dma_start3A_84 = arith.constant 0 : i32
      %dma_start3A_85 = tpu.memref_slice %arg10[%add3A_33, %dma_start3A_84] : memref<10240x128xf32, #tpu.memory_space<vmem_shared>> -> memref<40x128xf32, #tpu.memory_space<vmem_shared>>
      tpu.enqueue_dma source(%arg9 : memref<40x128xf32, #tpu.memory_space<vmem>>) target(%dma_start3A_85 : memref<40x128xf32, #tpu.memory_space<vmem_shared>>) target_semaphore(%run_scoped3A : memref<!tpu.dma_semaphore, #tpu.memory_space<semaphore_mem>>)
      %dma_wait3A = arith.constant 0 : i32
      %dma_wait3A_86 = tpu.memref_slice %arg10[%add3A_33, %dma_wait3A] : memref<10240x128xf32, #tpu.memory_space<vmem_shared>> -> memref<40x128xf32, #tpu.memory_space<vmem_shared>>
      %dma_wait3A_87 = arith.constant 0 : i32
      %dma_wait3A_88 = tpu.memref_slice %arg10[%add3A_33, %dma_wait3A_87] : memref<10240x128xf32, #tpu.memory_space<vmem_shared>> -> memref<40x128xf32, #tpu.memory_space<vmem_shared>>
      tpu.wait_dma2 semaphore(%run_scoped3A : memref<!tpu.dma_semaphore, #tpu.memory_space<semaphore_mem>>) src(%arg9 : memref<40x128xf32, #tpu.memory_space<vmem>>) dst(%dma_wait3A_88 : memref<40x128xf32, #tpu.memory_space<vmem_shared>>)
      tpu.yield
    }) : () -> ()
    %mul3A_34 = arith.constant 640 : i32
    %mul3A_35 = arith.muli %arg1, %mul3A_34 : i32
    %add3A_36 = arith.constant 280 : i32
    %add3A_37 = arith.addi %mul3A_35, %add3A_36 : i32
    "tpu.region"() ({
      %run_scoped3A = tpu.sem_alloc : memref<!tpu.dma_semaphore, #tpu.memory_space<semaphore_mem>>
      %dma_start3A = arith.constant 0 : i32
      %dma_start3A_83 = tpu.memref_slice %arg10[%add3A_37, %dma_start3A] : memref<10240x128xf32, #tpu.memory_space<vmem_shared>> -> memref<40x128xf32, #tpu.memory_space<vmem_shared>>
      %dma_start3A_84 = arith.constant 0 : i32
      %dma_start3A_85 = tpu.memref_slice %arg10[%add3A_37, %dma_start3A_84] : memref<10240x128xf32, #tpu.memory_space<vmem_shared>> -> memref<40x128xf32, #tpu.memory_space<vmem_shared>>
      tpu.enqueue_dma source(%arg9 : memref<40x128xf32, #tpu.memory_space<vmem>>) target(%dma_start3A_85 : memref<40x128xf32, #tpu.memory_space<vmem_shared>>) target_semaphore(%run_scoped3A : memref<!tpu.dma_semaphore, #tpu.memory_space<semaphore_mem>>)
      %dma_wait3A = arith.constant 0 : i32
      %dma_wait3A_86 = tpu.memref_slice %arg10[%add3A_37, %dma_wait3A] : memref<10240x128xf32, #tpu.memory_space<vmem_shared>> -> memref<40x128xf32, #tpu.memory_space<vmem_shared>>
      %dma_wait3A_87 = arith.constant 0 : i32
      %dma_wait3A_88 = tpu.memref_slice %arg10[%add3A_37, %dma_wait3A_87] : memref<10240x128xf32, #tpu.memory_space<vmem_shared>> -> memref<40x128xf32, #tpu.memory_space<vmem_shared>>
      tpu.wait_dma2 semaphore(%run_scoped3A : memref<!tpu.dma_semaphore, #tpu.memory_space<semaphore_mem>>) src(%arg9 : memref<40x128xf32, #tpu.memory_space<vmem>>) dst(%dma_wait3A_88 : memref<40x128xf32, #tpu.memory_space<vmem_shared>>)
      tpu.yield
    }) : () -> ()
    %mul3A_38 = arith.constant 640 : i32
    %mul3A_39 = arith.muli %arg1, %mul3A_38 : i32
    %add3A_40 = arith.constant 320 : i32
    %add3A_41 = arith.addi %mul3A_39, %add3A_40 : i32
    "tpu.region"() ({
      %run_scoped3A = tpu.sem_alloc : memref<!tpu.dma_semaphore, #tpu.memory_space<semaphore_mem>>
      %dma_start3A = arith.constant 0 : i32
      %dma_start3A_83 = tpu.memref_slice %arg10[%add3A_41, %dma_start3A] : memref<10240x128xf32, #tpu.memory_space<vmem_shared>> -> memref<40x128xf32, #tpu.memory_space<vmem_shared>>
      %dma_start3A_84 = arith.constant 0 : i32
      %dma_start3A_85 = tpu.memref_slice %arg10[%add3A_41, %dma_start3A_84] : memref<10240x128xf32, #tpu.memory_space<vmem_shared>> -> memref<40x128xf32, #tpu.memory_space<vmem_shared>>
      tpu.enqueue_dma source(%arg9 : memref<40x128xf32, #tpu.memory_space<vmem>>) target(%dma_start3A_85 : memref<40x128xf32, #tpu.memory_space<vmem_shared>>) target_semaphore(%run_scoped3A : memref<!tpu.dma_semaphore, #tpu.memory_space<semaphore_mem>>)
      %dma_wait3A = arith.constant 0 : i32
      %dma_wait3A_86 = tpu.memref_slice %arg10[%add3A_41, %dma_wait3A] : memref<10240x128xf32, #tpu.memory_space<vmem_shared>> -> memref<40x128xf32, #tpu.memory_space<vmem_shared>>
      %dma_wait3A_87 = arith.constant 0 : i32
      %dma_wait3A_88 = tpu.memref_slice %arg10[%add3A_41, %dma_wait3A_87] : memref<10240x128xf32, #tpu.memory_space<vmem_shared>> -> memref<40x128xf32, #tpu.memory_space<vmem_shared>>
      tpu.wait_dma2 semaphore(%run_scoped3A : memref<!tpu.dma_semaphore, #tpu.memory_space<semaphore_mem>>) src(%arg9 : memref<40x128xf32, #tpu.memory_space<vmem>>) dst(%dma_wait3A_88 : memref<40x128xf32, #tpu.memory_space<vmem_shared>>)
      tpu.yield
    }) : () -> ()
    %mul3A_42 = arith.constant 640 : i32
    %mul3A_43 = arith.muli %arg1, %mul3A_42 : i32
    %add3A_44 = arith.constant 360 : i32
    %add3A_45 = arith.addi %mul3A_43, %add3A_44 : i32
    "tpu.region"() ({
      %run_scoped3A = tpu.sem_alloc : memref<!tpu.dma_semaphore, #tpu.memory_space<semaphore_mem>>
      %dma_start3A = arith.constant 0 : i32
      %dma_start3A_83 = tpu.memref_slice %arg10[%add3A_45, %dma_start3A] : memref<10240x128xf32, #tpu.memory_space<vmem_shared>> -> memref<40x128xf32, #tpu.memory_space<vmem_shared>>
      %dma_start3A_84 = arith.constant 0 : i32
      %dma_start3A_85 = tpu.memref_slice %arg10[%add3A_45, %dma_start3A_84] : memref<10240x128xf32, #tpu.memory_space<vmem_shared>> -> memref<40x128xf32, #tpu.memory_space<vmem_shared>>
      tpu.enqueue_dma source(%arg9 : memref<40x128xf32, #tpu.memory_space<vmem>>) target(%dma_start3A_85 : memref<40x128xf32, #tpu.memory_space<vmem_shared>>) target_semaphore(%run_scoped3A : memref<!tpu.dma_semaphore, #tpu.memory_space<semaphore_mem>>)
      %dma_wait3A = arith.constant 0 : i32
      %dma_wait3A_86 = tpu.memref_slice %arg10[%add3A_45, %dma_wait3A] : memref<10240x128xf32, #tpu.memory_space<vmem_shared>> -> memref<40x128xf32, #tpu.memory_space<vmem_shared>>
      %dma_wait3A_87 = arith.constant 0 : i32
      %dma_wait3A_88 = tpu.memref_slice %arg10[%add3A_45, %dma_wait3A_87] : memref<10240x128xf32, #tpu.memory_space<vmem_shared>> -> memref<40x128xf32, #tpu.memory_space<vmem_shared>>
      tpu.wait_dma2 semaphore(%run_scoped3A : memref<!tpu.dma_semaphore, #tpu.memory_space<semaphore_mem>>) src(%arg9 : memref<40x128xf32, #tpu.memory_space<vmem>>) dst(%dma_wait3A_88 : memref<40x128xf32, #tpu.memory_space<vmem_shared>>)
      tpu.yield
    }) : () -> ()
    %mul3A_46 = arith.constant 640 : i32
    %mul3A_47 = arith.muli %arg1, %mul3A_46 : i32
    %add3A_48 = arith.constant 400 : i32
    %add3A_49 = arith.addi %mul3A_47, %add3A_48 : i32
    "tpu.region"() ({
      %run_scoped3A = tpu.sem_alloc : memref<!tpu.dma_semaphore, #tpu.memory_space<semaphore_mem>>
      %dma_start3A = arith.constant 0 : i32
      %dma_start3A_83 = tpu.memref_slice %arg10[%add3A_49, %dma_start3A] : memref<10240x128xf32, #tpu.memory_space<vmem_shared>> -> memref<40x128xf32, #tpu.memory_space<vmem_shared>>
      %dma_start3A_84 = arith.constant 0 : i32
      %dma_start3A_85 = tpu.memref_slice %arg10[%add3A_49, %dma_start3A_84] : memref<10240x128xf32, #tpu.memory_space<vmem_shared>> -> memref<40x128xf32, #tpu.memory_space<vmem_shared>>
      tpu.enqueue_dma source(%arg9 : memref<40x128xf32, #tpu.memory_space<vmem>>) target(%dma_start3A_85 : memref<40x128xf32, #tpu.memory_space<vmem_shared>>) target_semaphore(%run_scoped3A : memref<!tpu.dma_semaphore, #tpu.memory_space<semaphore_mem>>)
      %dma_wait3A = arith.constant 0 : i32
      %dma_wait3A_86 = tpu.memref_slice %arg10[%add3A_49, %dma_wait3A] : memref<10240x128xf32, #tpu.memory_space<vmem_shared>> -> memref<40x128xf32, #tpu.memory_space<vmem_shared>>
      %dma_wait3A_87 = arith.constant 0 : i32
      %dma_wait3A_88 = tpu.memref_slice %arg10[%add3A_49, %dma_wait3A_87] : memref<10240x128xf32, #tpu.memory_space<vmem_shared>> -> memref<40x128xf32, #tpu.memory_space<vmem_shared>>
      tpu.wait_dma2 semaphore(%run_scoped3A : memref<!tpu.dma_semaphore, #tpu.memory_space<semaphore_mem>>) src(%arg9 : memref<40x128xf32, #tpu.memory_space<vmem>>) dst(%dma_wait3A_88 : memref<40x128xf32, #tpu.memory_space<vmem_shared>>)
      tpu.yield
    }) : () -> ()
    %mul3A_50 = arith.constant 640 : i32
    %mul3A_51 = arith.muli %arg1, %mul3A_50 : i32
    %add3A_52 = arith.constant 440 : i32
    %add3A_53 = arith.addi %mul3A_51, %add3A_52 : i32
    "tpu.region"() ({
      %run_scoped3A = tpu.sem_alloc : memref<!tpu.dma_semaphore, #tpu.memory_space<semaphore_mem>>
      %dma_start3A = arith.constant 0 : i32
      %dma_start3A_83 = tpu.memref_slice %arg10[%add3A_53, %dma_start3A] : memref<10240x128xf32, #tpu.memory_space<vmem_shared>> -> memref<40x128xf32, #tpu.memory_space<vmem_shared>>
      %dma_start3A_84 = arith.constant 0 : i32
      %dma_start3A_85 = tpu.memref_slice %arg10[%add3A_53, %dma_start3A_84] : memref<10240x128xf32, #tpu.memory_space<vmem_shared>> -> memref<40x128xf32, #tpu.memory_space<vmem_shared>>
      tpu.enqueue_dma source(%arg9 : memref<40x128xf32, #tpu.memory_space<vmem>>) target(%dma_start3A_85 : memref<40x128xf32, #tpu.memory_space<vmem_shared>>) target_semaphore(%run_scoped3A : memref<!tpu.dma_semaphore, #tpu.memory_space<semaphore_mem>>)
      %dma_wait3A = arith.constant 0 : i32
      %dma_wait3A_86 = tpu.memref_slice %arg10[%add3A_53, %dma_wait3A] : memref<10240x128xf32, #tpu.memory_space<vmem_shared>> -> memref<40x128xf32, #tpu.memory_space<vmem_shared>>
      %dma_wait3A_87 = arith.constant 0 : i32
      %dma_wait3A_88 = tpu.memref_slice %arg10[%add3A_53, %dma_wait3A_87] : memref<10240x128xf32, #tpu.memory_space<vmem_shared>> -> memref<40x128xf32, #tpu.memory_space<vmem_shared>>
      tpu.wait_dma2 semaphore(%run_scoped3A : memref<!tpu.dma_semaphore, #tpu.memory_space<semaphore_mem>>) src(%arg9 : memref<40x128xf32, #tpu.memory_space<vmem>>) dst(%dma_wait3A_88 : memref<40x128xf32, #tpu.memory_space<vmem_shared>>)
      tpu.yield
    }) : () -> ()
    %mul3A_54 = arith.constant 640 : i32
    %mul3A_55 = arith.muli %arg1, %mul3A_54 : i32
    %add3A_56 = arith.constant 480 : i32
    %add3A_57 = arith.addi %mul3A_55, %add3A_56 : i32
    "tpu.region"() ({
      %run_scoped3A = tpu.sem_alloc : memref<!tpu.dma_semaphore, #tpu.memory_space<semaphore_mem>>
      %dma_start3A = arith.constant 0 : i32
      %dma_start3A_83 = tpu.memref_slice %arg10[%add3A_57, %dma_start3A] : memref<10240x128xf32, #tpu.memory_space<vmem_shared>> -> memref<40x128xf32, #tpu.memory_space<vmem_shared>>
      %dma_start3A_84 = arith.constant 0 : i32
      %dma_start3A_85 = tpu.memref_slice %arg10[%add3A_57, %dma_start3A_84] : memref<10240x128xf32, #tpu.memory_space<vmem_shared>> -> memref<40x128xf32, #tpu.memory_space<vmem_shared>>
      tpu.enqueue_dma source(%arg9 : memref<40x128xf32, #tpu.memory_space<vmem>>) target(%dma_start3A_85 : memref<40x128xf32, #tpu.memory_space<vmem_shared>>) target_semaphore(%run_scoped3A : memref<!tpu.dma_semaphore, #tpu.memory_space<semaphore_mem>>)
      %dma_wait3A = arith.constant 0 : i32
      %dma_wait3A_86 = tpu.memref_slice %arg10[%add3A_57, %dma_wait3A] : memref<10240x128xf32, #tpu.memory_space<vmem_shared>> -> memref<40x128xf32, #tpu.memory_space<vmem_shared>>
      %dma_wait3A_87 = arith.constant 0 : i32
      %dma_wait3A_88 = tpu.memref_slice %arg10[%add3A_57, %dma_wait3A_87] : memref<10240x128xf32, #tpu.memory_space<vmem_shared>> -> memref<40x128xf32, #tpu.memory_space<vmem_shared>>
      tpu.wait_dma2 semaphore(%run_scoped3A : memref<!tpu.dma_semaphore, #tpu.memory_space<semaphore_mem>>) src(%arg9 : memref<40x128xf32, #tpu.memory_space<vmem>>) dst(%dma_wait3A_88 : memref<40x128xf32, #tpu.memory_space<vmem_shared>>)
      tpu.yield
    }) : () -> ()
    %mul3A_58 = arith.constant 640 : i32
    %mul3A_59 = arith.muli %arg1, %mul3A_58 : i32
    %add3A_60 = arith.constant 520 : i32
    %add3A_61 = arith.addi %mul3A_59, %add3A_60 : i32
    "tpu.region"() ({
      %run_scoped3A = tpu.sem_alloc : memref<!tpu.dma_semaphore, #tpu.memory_space<semaphore_mem>>
      %dma_start3A = arith.constant 0 : i32
      %dma_start3A_83 = tpu.memref_slice %arg10[%add3A_61, %dma_start3A] : memref<10240x128xf32, #tpu.memory_space<vmem_shared>> -> memref<40x128xf32, #tpu.memory_space<vmem_shared>>
      %dma_start3A_84 = arith.constant 0 : i32
      %dma_start3A_85 = tpu.memref_slice %arg10[%add3A_61, %dma_start3A_84] : memref<10240x128xf32, #tpu.memory_space<vmem_shared>> -> memref<40x128xf32, #tpu.memory_space<vmem_shared>>
      tpu.enqueue_dma source(%arg9 : memref<40x128xf32, #tpu.memory_space<vmem>>) target(%dma_start3A_85 : memref<40x128xf32, #tpu.memory_space<vmem_shared>>) target_semaphore(%run_scoped3A : memref<!tpu.dma_semaphore, #tpu.memory_space<semaphore_mem>>)
      %dma_wait3A = arith.constant 0 : i32
      %dma_wait3A_86 = tpu.memref_slice %arg10[%add3A_61, %dma_wait3A] : memref<10240x128xf32, #tpu.memory_space<vmem_shared>> -> memref<40x128xf32, #tpu.memory_space<vmem_shared>>
      %dma_wait3A_87 = arith.constant 0 : i32
      %dma_wait3A_88 = tpu.memref_slice %arg10[%add3A_61, %dma_wait3A_87] : memref<10240x128xf32, #tpu.memory_space<vmem_shared>> -> memref<40x128xf32, #tpu.memory_space<vmem_shared>>
      tpu.wait_dma2 semaphore(%run_scoped3A : memref<!tpu.dma_semaphore, #tpu.memory_space<semaphore_mem>>) src(%arg9 : memref<40x128xf32, #tpu.memory_space<vmem>>) dst(%dma_wait3A_88 : memref<40x128xf32, #tpu.memory_space<vmem_shared>>)
      tpu.yield
    }) : () -> ()
    %mul3A_62 = arith.constant 640 : i32
    %mul3A_63 = arith.muli %arg1, %mul3A_62 : i32
    %add3A_64 = arith.constant 560 : i32
    %add3A_65 = arith.addi %mul3A_63, %add3A_64 : i32
    "tpu.region"() ({
      %run_scoped3A = tpu.sem_alloc : memref<!tpu.dma_semaphore, #tpu.memory_space<semaphore_mem>>
      %dma_start3A = arith.constant 0 : i32
      %dma_start3A_83 = tpu.memref_slice %arg10[%add3A_65, %dma_start3A] : memref<10240x128xf32, #tpu.memory_space<vmem_shared>> -> memref<40x128xf32, #tpu.memory_space<vmem_shared>>
      %dma_start3A_84 = arith.constant 0 : i32
      %dma_start3A_85 = tpu.memref_slice %arg10[%add3A_65, %dma_start3A_84] : memref<10240x128xf32, #tpu.memory_space<vmem_shared>> -> memref<40x128xf32, #tpu.memory_space<vmem_shared>>
      tpu.enqueue_dma source(%arg9 : memref<40x128xf32, #tpu.memory_space<vmem>>) target(%dma_start3A_85 : memref<40x128xf32, #tpu.memory_space<vmem_shared>>) target_semaphore(%run_scoped3A : memref<!tpu.dma_semaphore, #tpu.memory_space<semaphore_mem>>)
      %dma_wait3A = arith.constant 0 : i32
      %dma_wait3A_86 = tpu.memref_slice %arg10[%add3A_65, %dma_wait3A] : memref<10240x128xf32, #tpu.memory_space<vmem_shared>> -> memref<40x128xf32, #tpu.memory_space<vmem_shared>>
      %dma_wait3A_87 = arith.constant 0 : i32
      %dma_wait3A_88 = tpu.memref_slice %arg10[%add3A_65, %dma_wait3A_87] : memref<10240x128xf32, #tpu.memory_space<vmem_shared>> -> memref<40x128xf32, #tpu.memory_space<vmem_shared>>
      tpu.wait_dma2 semaphore(%run_scoped3A : memref<!tpu.dma_semaphore, #tpu.memory_space<semaphore_mem>>) src(%arg9 : memref<40x128xf32, #tpu.memory_space<vmem>>) dst(%dma_wait3A_88 : memref<40x128xf32, #tpu.memory_space<vmem_shared>>)
      tpu.yield
    }) : () -> ()
    %mul3A_66 = arith.constant 640 : i32
    %mul3A_67 = arith.muli %arg1, %mul3A_66 : i32
    %add3A_68 = arith.constant 600 : i32
    %add3A_69 = arith.addi %mul3A_67, %add3A_68 : i32
    "tpu.region"() ({
      %run_scoped3A = tpu.sem_alloc : memref<!tpu.dma_semaphore, #tpu.memory_space<semaphore_mem>>
      %dma_start3A = arith.constant 0 : i32
      %dma_start3A_83 = tpu.memref_slice %arg10[%add3A_69, %dma_start3A] : memref<10240x128xf32, #tpu.memory_space<vmem_shared>> -> memref<40x128xf32, #tpu.memory_space<vmem_shared>>
      %dma_start3A_84 = arith.constant 0 : i32
      %dma_start3A_85 = tpu.memref_slice %arg10[%add3A_69, %dma_start3A_84] : memref<10240x128xf32, #tpu.memory_space<vmem_shared>> -> memref<40x128xf32, #tpu.memory_space<vmem_shared>>
      tpu.enqueue_dma source(%arg9 : memref<40x128xf32, #tpu.memory_space<vmem>>) target(%dma_start3A_85 : memref<40x128xf32, #tpu.memory_space<vmem_shared>>) target_semaphore(%run_scoped3A : memref<!tpu.dma_semaphore, #tpu.memory_space<semaphore_mem>>)
      %dma_wait3A = arith.constant 0 : i32
      %dma_wait3A_86 = tpu.memref_slice %arg10[%add3A_69, %dma_wait3A] : memref<10240x128xf32, #tpu.memory_space<vmem_shared>> -> memref<40x128xf32, #tpu.memory_space<vmem_shared>>
      %dma_wait3A_87 = arith.constant 0 : i32
      %dma_wait3A_88 = tpu.memref_slice %arg10[%add3A_69, %dma_wait3A_87] : memref<10240x128xf32, #tpu.memory_space<vmem_shared>> -> memref<40x128xf32, #tpu.memory_space<vmem_shared>>
      tpu.wait_dma2 semaphore(%run_scoped3A : memref<!tpu.dma_semaphore, #tpu.memory_space<semaphore_mem>>) src(%arg9 : memref<40x128xf32, #tpu.memory_space<vmem>>) dst(%dma_wait3A_88 : memref<40x128xf32, #tpu.memory_space<vmem_shared>>)
      tpu.yield
    }) : () -> ()
    %barrier3A = arith.constant 0 : index
    tpu.barrier barrier_id(%barrier3A)
    %mul3A_70 = arith.constant 79 : i32
    %mul3A_71 = arith.muli %add3A, %mul3A_70 : i32
    %scan3A_72 = arith.constant 0 : i32
    %scan3A_73 = arith.constant 0 : i32
    %scan3A_74 = arith.constant 79 : i32
    %scan3A_75 = arith.addi %scan3A_73, %scan3A_74 : i32
    %scan3A_76 = arith.constant 1 : i32
    scf.for %scan3A_83 = %scan3A_73 to %scan3A_75 step %scan3A_76  : i32 {
      %add3A_84 = arith.addi %mul3A_71, %scan3A_83 : i32
      "tpu.region"() ({
        %run_scoped3A = tpu.sem_alloc : memref<!tpu.dma_semaphore, #tpu.memory_space<semaphore_mem>>
        %dma_start3A_89 = arith.constant 0 : i32
        %dma_start3A_90 = tpu.memref_slice %arg3[%add3A_84, %dma_start3A_89] : memref<2528x128xi32, #tpu.memory_space<hbm>> -> memref<1x128xi32, #tpu.memory_space<hbm>>
        %dma_start3A_91 = tpu.memref_squeeze %dma_start3A_90 : memref<1x128xi32, #tpu.memory_space<hbm>> -> memref<128xi32, #tpu.memory_space<hbm>>
        %dma_start3A_92 = arith.constant 0 : i32
        %dma_start3A_93 = tpu.memref_slice %arg3[%add3A_84, %dma_start3A_92] : memref<2528x128xi32, #tpu.memory_space<hbm>> -> memref<1x128xi32, #tpu.memory_space<hbm>>
        %dma_start3A_94 = tpu.memref_squeeze %dma_start3A_93 : memref<1x128xi32, #tpu.memory_space<hbm>> -> memref<128xi32, #tpu.memory_space<hbm>>
        tpu.enqueue_dma source(%dma_start3A_94 : memref<128xi32, #tpu.memory_space<hbm>>) target(%arg6 : memref<128xi32, #tpu.memory_space<vmem>>) target_semaphore(%run_scoped3A : memref<!tpu.dma_semaphore, #tpu.memory_space<semaphore_mem>>)
        %dma_wait3A_95 = arith.constant 0 : i32
        %dma_wait3A_96 = tpu.memref_slice %arg3[%add3A_84, %dma_wait3A_95] : memref<2528x128xi32, #tpu.memory_space<hbm>> -> memref<1x128xi32, #tpu.memory_space<hbm>>
        %dma_wait3A_97 = tpu.memref_squeeze %dma_wait3A_96 : memref<1x128xi32, #tpu.memory_space<hbm>> -> memref<128xi32, #tpu.memory_space<hbm>>
        %dma_wait3A_98 = arith.constant 0 : i32
        %dma_wait3A_99 = tpu.memref_slice %arg3[%add3A_84, %dma_wait3A_98] : memref<2528x128xi32, #tpu.memory_space<hbm>> -> memref<1x128xi32, #tpu.memory_space<hbm>>
        %dma_wait3A_100 = tpu.memref_squeeze %dma_wait3A_99 : memref<1x128xi32, #tpu.memory_space<hbm>> -> memref<128xi32, #tpu.memory_space<hbm>>
        tpu.wait_dma2 semaphore(%run_scoped3A : memref<!tpu.dma_semaphore, #tpu.memory_space<semaphore_mem>>) src(%dma_wait3A_100 : memref<128xi32, #tpu.memory_space<hbm>>) dst(%arg6 : memref<128xi32, #tpu.memory_space<vmem>>)
        tpu.yield
      }) : () -> ()
      %dma_start3A = arith.constant 0 : i32
      %dma_start3A_85 = arith.constant 0 : i32
      %dma_start3A_86 = tpu.memref_slice %arg2[%dma_start3A, %dma_start3A_85] : memref<10000x128xf32, #tpu.memory_space<hbm>> -> memref<10000x128xf32, #tpu.memory_space<hbm>>
      tpu.enqueue_indirect_dma source(%dma_start3A_86 : memref<10000x128xf32, #tpu.memory_space<hbm>>) target(%arg8 : memref<128x128xf32, #tpu.memory_space<vmem>>) offsets(%arg6 : memref<128xi32, #tpu.memory_space<vmem>>) semaphore(%arg11 : memref<!tpu.dma_semaphore, #tpu.memory_space<semaphore_mem>>)
      "tpu.region"() ({
        %run_scoped3A = tpu.sem_alloc : memref<!tpu.dma_semaphore, #tpu.memory_space<semaphore_mem>>
        %dma_start3A_89 = arith.constant 0 : i32
        %dma_start3A_90 = tpu.memref_slice %arg4[%add3A_84, %dma_start3A_89] : memref<2528x128xi32, #tpu.memory_space<hbm>> -> memref<1x128xi32, #tpu.memory_space<hbm>>
        %dma_start3A_91 = tpu.memref_squeeze %dma_start3A_90 : memref<1x128xi32, #tpu.memory_space<hbm>> -> memref<128xi32, #tpu.memory_space<hbm>>
        %dma_start3A_92 = arith.constant 0 : i32
        %dma_start3A_93 = tpu.memref_slice %arg4[%add3A_84, %dma_start3A_92] : memref<2528x128xi32, #tpu.memory_space<hbm>> -> memref<1x128xi32, #tpu.memory_space<hbm>>
        %dma_start3A_94 = tpu.memref_squeeze %dma_start3A_93 : memref<1x128xi32, #tpu.memory_space<hbm>> -> memref<128xi32, #tpu.memory_space<hbm>>
        tpu.enqueue_dma source(%dma_start3A_94 : memref<128xi32, #tpu.memory_space<hbm>>) target(%arg7 : memref<128xi32, #tpu.memory_space<vmem>>) target_semaphore(%run_scoped3A : memref<!tpu.dma_semaphore, #tpu.memory_space<semaphore_mem>>)
        %dma_wait3A_95 = arith.constant 0 : i32
        %dma_wait3A_96 = tpu.memref_slice %arg4[%add3A_84, %dma_wait3A_95] : memref<2528x128xi32, #tpu.memory_space<hbm>> -> memref<1x128xi32, #tpu.memory_space<hbm>>
        %dma_wait3A_97 = tpu.memref_squeeze %dma_wait3A_96 : memref<1x128xi32, #tpu.memory_space<hbm>> -> memref<128xi32, #tpu.memory_space<hbm>>
        %dma_wait3A_98 = arith.constant 0 : i32
        %dma_wait3A_99 = tpu.memref_slice %arg4[%add3A_84, %dma_wait3A_98] : memref<2528x128xi32, #tpu.memory_space<hbm>> -> memref<1x128xi32, #tpu.memory_space<hbm>>
        %dma_wait3A_100 = tpu.memref_squeeze %dma_wait3A_99 : memref<1x128xi32, #tpu.memory_space<hbm>> -> memref<128xi32, #tpu.memory_space<hbm>>
        tpu.wait_dma2 semaphore(%run_scoped3A : memref<!tpu.dma_semaphore, #tpu.memory_space<semaphore_mem>>) src(%dma_wait3A_100 : memref<128xi32, #tpu.memory_space<hbm>>) dst(%arg7 : memref<128xi32, #tpu.memory_space<vmem>>)
        tpu.yield
      }) : () -> ()
      %dma_wait3A = arith.constant 0 : i32
      %dma_wait3A_87 = arith.constant 0 : i32
      %dma_wait3A_88 = tpu.memref_slice %arg2[%dma_wait3A, %dma_wait3A_87] : memref<10000x128xf32, #tpu.memory_space<hbm>> -> memref<10000x128xf32, #tpu.memory_space<hbm>>
      tpu.wait_indirect_dma semaphore(%arg11 : memref<!tpu.dma_semaphore, #tpu.memory_space<semaphore_mem>>) src(%dma_wait3A_88 : memref<10000x128xf32, #tpu.memory_space<hbm>>) dst(%arg8 : memref<128x128xf32, #tpu.memory_space<vmem>>)
      "tpu.region"() ({
        %run_scoped3A = tpu.sem_alloc : memref<!tpu.dma_semaphore, #tpu.memory_space<semaphore_mem>>
        %dma_start3A_89 = arith.constant 0 : i32
        %dma_start3A_90 = arith.constant 0 : i32
        %dma_start3A_91 = tpu.memref_slice %arg10[%dma_start3A_89, %dma_start3A_90] : memref<10240x128xf32, #tpu.memory_space<vmem_shared>> -> memref<10240x128xf32, #tpu.memory_space<vmem_shared>>
        tpu.enqueue_indirect_dma source(%arg8 : memref<128x128xf32, #tpu.memory_space<vmem>>) target(%dma_start3A_91 : memref<10240x128xf32, #tpu.memory_space<vmem_shared>>) offsets(%arg7 : memref<128xi32, #tpu.memory_space<vmem>>) semaphore(%run_scoped3A : memref<!tpu.dma_semaphore, #tpu.memory_space<semaphore_mem>>) {add = true}
        %dma_wait3A_92 = arith.constant 0 : i32
        %dma_wait3A_93 = arith.constant 0 : i32
        %dma_wait3A_94 = tpu.memref_slice %arg10[%dma_wait3A_92, %dma_wait3A_93] : memref<10240x128xf32, #tpu.memory_space<vmem_shared>> -> memref<10240x128xf32, #tpu.memory_space<vmem_shared>>
        tpu.wait_indirect_dma semaphore(%run_scoped3A : memref<!tpu.dma_semaphore, #tpu.memory_space<semaphore_mem>>) src(%arg8 : memref<128x128xf32, #tpu.memory_space<vmem>>) dst(%dma_wait3A_94 : memref<10240x128xf32, #tpu.memory_space<vmem_shared>>)
        tpu.yield
      }) : () -> ()
    }
    %scan3A_77 = arith.constant 79 : i32
    %barrier3A_78 = arith.constant 0 : index
    tpu.barrier barrier_id(%barrier3A_78)
    %mul3A_79 = arith.constant 640 : i32
    %mul3A_80 = arith.muli %arg1, %mul3A_79 : i32
    %mul3A_81 = arith.constant 640 : i32
    %mul3A_82 = arith.muli %arg1, %mul3A_81 : i32
    "tpu.region"() ({
      %run_scoped3A = tpu.sem_alloc : memref<!tpu.dma_semaphore, #tpu.memory_space<semaphore_mem>>
      %dma_start3A = arith.constant 0 : i32
      %dma_start3A_83 = tpu.memref_slice %arg5[%arg0, %mul3A_82, %dma_start3A] : memref<2x10240x128xf32, #tpu.memory_space<hbm>> -> memref<1x640x128xf32, #tpu.memory_space<hbm>>
      %dma_start3A_84 = tpu.memref_squeeze %dma_start3A_83 : memref<1x640x128xf32, #tpu.memory_space<hbm>> -> memref<640x128xf32, #tpu.memory_space<hbm>>
      %dma_start3A_85 = arith.constant 0 : i32
      %dma_start3A_86 = tpu.memref_slice %arg10[%mul3A_80, %dma_start3A_85] : memref<10240x128xf32, #tpu.memory_space<vmem_shared>> -> memref<640x128xf32, #tpu.memory_space<vmem_shared>>
      tpu.enqueue_dma source(%dma_start3A_86 : memref<640x128xf32, #tpu.memory_space<vmem_shared>>) target(%dma_start3A_84 : memref<640x128xf32, #tpu.memory_space<hbm>>) target_semaphore(%run_scoped3A : memref<!tpu.dma_semaphore, #tpu.memory_space<semaphore_mem>>)
      %dma_wait3A = arith.constant 0 : i32
      %dma_wait3A_87 = tpu.memref_slice %arg5[%arg0, %mul3A_82, %dma_wait3A] : memref<2x10240x128xf32, #tpu.memory_space<hbm>> -> memref<1x640x128xf32, #tpu.memory_space<hbm>>
      %dma_wait3A_88 = tpu.memref_squeeze %dma_wait3A_87 : memref<1x640x128xf32, #tpu.memory_space<hbm>> -> memref<640x128xf32, #tpu.memory_space<hbm>>
      %dma_wait3A_89 = arith.constant 0 : i32
      %dma_wait3A_90 = tpu.memref_slice %arg10[%mul3A_80, %dma_wait3A_89] : memref<10240x128xf32, #tpu.memory_space<vmem_shared>> -> memref<640x128xf32, #tpu.memory_space<vmem_shared>>
      tpu.wait_dma2 semaphore(%run_scoped3A : memref<!tpu.dma_semaphore, #tpu.memory_space<semaphore_mem>>) src(%dma_wait3A_90 : memref<640x128xf32, #tpu.memory_space<vmem_shared>>) dst(%dma_wait3A_88 : memref<640x128xf32, #tpu.memory_space<hbm>>)
      tpu.yield
    }) : () -> ()
    return
  }
}

#map = affine_map<(d0, d1) -> (0, 0)>
#map1 = affine_map<(d0, d1) -> (0, 0, 0)>
module attributes {stable_mosaic.version = 14 : i64} {
  func.func @agg(%arg0: i32, %arg1: i32, %arg2: memref<10000x128xf32, #tpu.memory_space<hbm>>, %arg3: memref<2528x128xi32, #tpu.memory_space<hbm>>, %arg4: memref<2528x128xi32, #tpu.memory_space<hbm>>, %arg5: memref<2x10240x128xf32, #tpu.memory_space<hbm>>, %arg6: memref<128xi32, #tpu.memory_space<vmem>>, %arg7: memref<128xi32, #tpu.memory_space<vmem>>, %arg8: memref<128x128xf32, #tpu.memory_space<vmem>>, %arg9: memref<40x128xf32, #tpu.memory_space<vmem>>, %arg10: memref<10240x128xf32, #tpu.memory_space<vmem_shared>>, %arg11: memref<!tpu.dma_semaphore, #tpu.memory_space<semaphore_mem>>) attributes {dimension_semantics = [#tpu.dimension_semantics<core_parallel>, #tpu.dimension_semantics<subcore_parallel>], iteration_bounds = array<i64: 2, 16>, scalar_prefetch = 0 : i64, scratch_operands = 6 : i64, tpu.core_type = #tpu.core_type<sc_vector_subcore>, window_params = [{transform_indices = #map}, {transform_indices = #map}, {transform_indices = #map}, {transform_indices = #map1}]} {
    %mul3A = arith.constant 2 : i32
    %mul3A_0 = arith.muli %arg1, %mul3A : i32
    %add3A = arith.addi %mul3A_0, %arg0 : i32
    %scan3A = arith.constant 0 : i32
    %scan3A_1 = arith.constant 0 : i32
    %scan3A_2 = arith.constant 40 : i32
    %scan3A_3 = arith.addi %scan3A_1, %scan3A_2 : i32
    %scan3A_4 = arith.constant 1 : i32
    scf.for %scan3A_83 = %scan3A_1 to %scan3A_3 step %scan3A_4  : i32 {
      %broadcast_in_dim3A = arith.constant 0.000000e+00 : f32
      %broadcast_in_dim3A_84 = vector.broadcast %broadcast_in_dim3A : f32 to vector<16xf32>
      %swap3A = arith.index_cast %scan3A_83 : i32 to index
      %swap3A_85 = arith.constant 0 : index
      %swap3A_86 = tpu.vector_load %arg9[%swap3A, %swap3A_85] {strides = array<i32>} : memref<40x128xf32, #tpu.memory_space<vmem>>, vector<1x16xf32>,
      %swap3A_87 = vector.shape_cast %swap3A_86 : vector<1x16xf32> to vector<16xf32>
      %swap3A_88 = vector.shape_cast %broadcast_in_dim3A_84 : vector<16xf32> to vector<1x16xf32>
      tpu.vector_store %arg9[%swap3A, %swap3A_85], %swap3A_88 {strides = array<i32>} : memref<40x128xf32, #tpu.memory_space<vmem>>, vector<1x16xf32>,
      %broadcast_in_dim3A_89 = arith.constant 0.000000e+00 : f32
      %broadcast_in_dim3A_90 = vector.broadcast %broadcast_in_dim3A_89 : f32 to vector<16xf32>
      %swap3A_91 = arith.index_cast %scan3A_83 : i32 to index
      %swap3A_92 = arith.constant 16 : index
      %swap3A_93 = tpu.vector_load %arg9[%swap3A_91, %swap3A_92] {strides = array<i32>} : memref<40x128xf32, #tpu.memory_space<vmem>>, vector<1x16xf32>,
      %swap3A_94 = vector.shape_cast %swap3A_93 : vector<1x16xf32> to vector<16xf32>
      %swap3A_95 = vector.shape_cast %broadcast_in_dim3A_90 : vector<16xf32> to vector<1x16xf32>
      tpu.vector_store %arg9[%swap3A_91, %swap3A_92], %swap3A_95 {strides = array<i32>} : memref<40x128xf32, #tpu.memory_space<vmem>>, vector<1x16xf32>,
      %broadcast_in_dim3A_96 = arith.constant 0.000000e+00 : f32
      %broadcast_in_dim3A_97 = vector.broadcast %broadcast_in_dim3A_96 : f32 to vector<16xf32>
      %swap3A_98 = arith.index_cast %scan3A_83 : i32 to index
      %swap3A_99 = arith.constant 32 : index
      %swap3A_100 = tpu.vector_load %arg9[%swap3A_98, %swap3A_99] {strides = array<i32>} : memref<40x128xf32, #tpu.memory_space<vmem>>, vector<1x16xf32>,
      %swap3A_101 = vector.shape_cast %swap3A_100 : vector<1x16xf32> to vector<16xf32>
      %swap3A_102 = vector.shape_cast %broadcast_in_dim3A_97 : vector<16xf32> to vector<1x16xf32>
      tpu.vector_store %arg9[%swap3A_98, %swap3A_99], %swap3A_102 {strides = array<i32>} : memref<40x128xf32, #tpu.memory_space<vmem>>, vector<1x16xf32>,
      %broadcast_in_dim3A_103 = arith.constant 0.000000e+00 : f32
      %broadcast_in_dim3A_104 = vector.broadcast %broadcast_in_dim3A_103 : f32 to vector<16xf32>
      %swap3A_105 = arith.index_cast %scan3A_83 : i32 to index
      %swap3A_106 = arith.constant 48 : index
      %swap3A_107 = tpu.vector_load %arg9[%swap3A_105, %swap3A_106] {strides = array<i32>} : memref<40x128xf32, #tpu.memory_space<vmem>>, vector<1x16xf32>,
      %swap3A_108 = vector.shape_cast %swap3A_107 : vector<1x16xf32> to vector<16xf32>
      %swap3A_109 = vector.shape_cast %broadcast_in_dim3A_104 : vector<16xf32> to vector<1x16xf32>
      tpu.vector_store %arg9[%swap3A_105, %swap3A_106], %swap3A_109 {strides = array<i32>} : memref<40x128xf32, #tpu.memory_space<vmem>>, vector<1x16xf32>,
      %broadcast_in_dim3A_110 = arith.constant 0.000000e+00 : f32
      %broadcast_in_dim3A_111 = vector.broadcast %broadcast_in_dim3A_110 : f32 to vector<16xf32>
      %swap3A_112 = arith.index_cast %scan3A_83 : i32 to index
      %swap3A_113 = arith.constant 64 : index
      %swap3A_114 = tpu.vector_load %arg9[%swap3A_112, %swap3A_113] {strides = array<i32>} : memref<40x128xf32, #tpu.memory_space<vmem>>, vector<1x16xf32>,
      %swap3A_115 = vector.shape_cast %swap3A_114 : vector<1x16xf32> to vector<16xf32>
      %swap3A_116 = vector.shape_cast %broadcast_in_dim3A_111 : vector<16xf32> to vector<1x16xf32>
      tpu.vector_store %arg9[%swap3A_112, %swap3A_113], %swap3A_116 {strides = array<i32>} : memref<40x128xf32, #tpu.memory_space<vmem>>, vector<1x16xf32>,
      %broadcast_in_dim3A_117 = arith.constant 0.000000e+00 : f32
      %broadcast_in_dim3A_118 = vector.broadcast %broadcast_in_dim3A_117 : f32 to vector<16xf32>
      %swap3A_119 = arith.index_cast %scan3A_83 : i32 to index
      %swap3A_120 = arith.constant 80 : index
      %swap3A_121 = tpu.vector_load %arg9[%swap3A_119, %swap3A_120] {strides = array<i32>} : memref<40x128xf32, #tpu.memory_space<vmem>>, vector<1x16xf32>,
      %swap3A_122 = vector.shape_cast %swap3A_121 : vector<1x16xf32> to vector<16xf32>
      %swap3A_123 = vector.shape_cast %broadcast_in_dim3A_118 : vector<16xf32> to vector<1x16xf32>
      tpu.vector_store %arg9[%swap3A_119, %swap3A_120], %swap3A_123 {strides = array<i32>} : memref<40x128xf32, #tpu.memory_space<vmem>>, vector<1x16xf32>,
      %broadcast_in_dim3A_124 = arith.constant 0.000000e+00 : f32
      %broadcast_in_dim3A_125 = vector.broadcast %broadcast_in_dim3A_124 : f32 to vector<16xf32>
      %swap3A_126 = arith.index_cast %scan3A_83 : i32 to index
      %swap3A_127 = arith.constant 96 : index
      %swap3A_128 = tpu.vector_load %arg9[%swap3A_126, %swap3A_127] {strides = array<i32>} : memref<40x128xf32, #tpu.memory_space<vmem>>, vector<1x16xf32>,
      %swap3A_129 = vector.shape_cast %swap3A_128 : vector<1x16xf32> to vector<16xf32>
      %swap3A_130 = vector.shape_cast %broadcast_in_dim3A_125 : vector<16xf32> to vector<1x16xf32>
      tpu.vector_store %arg9[%swap3A_126, %swap3A_127], %swap3A_130 {strides = array<i32>} : memref<40x128xf32, #tpu.memory_space<vmem>>, vector<1x16xf32>,
      %broadcast_in_dim3A_131 = arith.constant 0.000000e+00 : f32
      %broadcast_in_dim3A_132 = vector.broadcast %broadcast_in_dim3A_131 : f32 to vector<16xf32>
      %swap3A_133 = arith.index_cast %scan3A_83 : i32 to index
      %swap3A_134 = arith.constant 112 : index
      %swap3A_135 = tpu.vector_load %arg9[%swap3A_133, %swap3A_134] {strides = array<i32>} : memref<40x128xf32, #tpu.memory_space<vmem>>, vector<1x16xf32>,
      %swap3A_136 = vector.shape_cast %swap3A_135 : vector<1x16xf32> to vector<16xf32>
      %swap3A_137 = vector.shape_cast %broadcast_in_dim3A_132 : vector<16xf32> to vector<1x16xf32>
      tpu.vector_store %arg9[%swap3A_133, %swap3A_134], %swap3A_137 {strides = array<i32>} : memref<40x128xf32, #tpu.memory_space<vmem>>, vector<1x16xf32>,
    }
    %scan3A_5 = arith.constant 40 : i32
    %mul3A_6 = arith.constant 640 : i32
    %mul3A_7 = arith.muli %arg1, %mul3A_6 : i32
    %add3A_8 = arith.constant 0 : i32
    %add3A_9 = arith.addi %mul3A_7, %add3A_8 : i32
    "tpu.region"() ({
      %run_scoped3A = tpu.sem_alloc : memref<!tpu.dma_semaphore, #tpu.memory_space<semaphore_mem>>
      %dma_start3A = arith.constant 0 : i32
      %dma_start3A_83 = tpu.memref_slice %arg10[%add3A_9, %dma_start3A] : memref<10240x128xf32, #tpu.memory_space<vmem_shared>> -> memref<40x128xf32, #tpu.memory_space<vmem_shared>>
      %dma_start3A_84 = arith.constant 0 : i32
      %dma_start3A_85 = tpu.memref_slice %arg10[%add3A_9, %dma_start3A_84] : memref<10240x128xf32, #tpu.memory_space<vmem_shared>> -> memref<40x128xf32, #tpu.memory_space<vmem_shared>>
      tpu.enqueue_dma source(%arg9 : memref<40x128xf32, #tpu.memory_space<vmem>>) target(%dma_start3A_85 : memref<40x128xf32, #tpu.memory_space<vmem_shared>>) target_semaphore(%run_scoped3A : memref<!tpu.dma_semaphore, #tpu.memory_space<semaphore_mem>>)
      %dma_wait3A = arith.constant 0 : i32
      %dma_wait3A_86 = tpu.memref_slice %arg10[%add3A_9, %dma_wait3A] : memref<10240x128xf32, #tpu.memory_space<vmem_shared>> -> memref<40x128xf32, #tpu.memory_space<vmem_shared>>
      %dma_wait3A_87 = arith.constant 0 : i32
      %dma_wait3A_88 = tpu.memref_slice %arg10[%add3A_9, %dma_wait3A_87] : memref<10240x128xf32, #tpu.memory_space<vmem_shared>> -> memref<40x128xf32, #tpu.memory_space<vmem_shared>>
      tpu.wait_dma2 semaphore(%run_scoped3A : memref<!tpu.dma_semaphore, #tpu.memory_space<semaphore_mem>>) src(%arg9 : memref<40x128xf32, #tpu.memory_space<vmem>>) dst(%dma_wait3A_88 : memref<40x128xf32, #tpu.memory_space<vmem_shared>>)
      tpu.yield
    }) : () -> ()
    %mul3A_10 = arith.constant 640 : i32
    %mul3A_11 = arith.muli %arg1, %mul3A_10 : i32
    %add3A_12 = arith.constant 40 : i32
    %add3A_13 = arith.addi %mul3A_11, %add3A_12 : i32
    "tpu.region"() ({
      %run_scoped3A = tpu.sem_alloc : memref<!tpu.dma_semaphore, #tpu.memory_space<semaphore_mem>>
      %dma_start3A = arith.constant 0 : i32
      %dma_start3A_83 = tpu.memref_slice %arg10[%add3A_13, %dma_start3A] : memref<10240x128xf32, #tpu.memory_space<vmem_shared>> -> memref<40x128xf32, #tpu.memory_space<vmem_shared>>
      %dma_start3A_84 = arith.constant 0 : i32
      %dma_start3A_85 = tpu.memref_slice %arg10[%add3A_13, %dma_start3A_84] : memref<10240x128xf32, #tpu.memory_space<vmem_shared>> -> memref<40x128xf32, #tpu.memory_space<vmem_shared>>
      tpu.enqueue_dma source(%arg9 : memref<40x128xf32, #tpu.memory_space<vmem>>) target(%dma_start3A_85 : memref<40x128xf32, #tpu.memory_space<vmem_shared>>) target_semaphore(%run_scoped3A : memref<!tpu.dma_semaphore, #tpu.memory_space<semaphore_mem>>)
      %dma_wait3A = arith.constant 0 : i32
      %dma_wait3A_86 = tpu.memref_slice %arg10[%add3A_13, %dma_wait3A] : memref<10240x128xf32, #tpu.memory_space<vmem_shared>> -> memref<40x128xf32, #tpu.memory_space<vmem_shared>>
      %dma_wait3A_87 = arith.constant 0 : i32
      %dma_wait3A_88 = tpu.memref_slice %arg10[%add3A_13, %dma_wait3A_87] : memref<10240x128xf32, #tpu.memory_space<vmem_shared>> -> memref<40x128xf32, #tpu.memory_space<vmem_shared>>
      tpu.wait_dma2 semaphore(%run_scoped3A : memref<!tpu.dma_semaphore, #tpu.memory_space<semaphore_mem>>) src(%arg9 : memref<40x128xf32, #tpu.memory_space<vmem>>) dst(%dma_wait3A_88 : memref<40x128xf32, #tpu.memory_space<vmem_shared>>)
      tpu.yield
    }) : () -> ()
    %mul3A_14 = arith.constant 640 : i32
    %mul3A_15 = arith.muli %arg1, %mul3A_14 : i32
    %add3A_16 = arith.constant 80 : i32
    %add3A_17 = arith.addi %mul3A_15, %add3A_16 : i32
    "tpu.region"() ({
      %run_scoped3A = tpu.sem_alloc : memref<!tpu.dma_semaphore, #tpu.memory_space<semaphore_mem>>
      %dma_start3A = arith.constant 0 : i32
      %dma_start3A_83 = tpu.memref_slice %arg10[%add3A_17, %dma_start3A] : memref<10240x128xf32, #tpu.memory_space<vmem_shared>> -> memref<40x128xf32, #tpu.memory_space<vmem_shared>>
      %dma_start3A_84 = arith.constant 0 : i32
      %dma_start3A_85 = tpu.memref_slice %arg10[%add3A_17, %dma_start3A_84] : memref<10240x128xf32, #tpu.memory_space<vmem_shared>> -> memref<40x128xf32, #tpu.memory_space<vmem_shared>>
      tpu.enqueue_dma source(%arg9 : memref<40x128xf32, #tpu.memory_space<vmem>>) target(%dma_start3A_85 : memref<40x128xf32, #tpu.memory_space<vmem_shared>>) target_semaphore(%run_scoped3A : memref<!tpu.dma_semaphore, #tpu.memory_space<semaphore_mem>>)
      %dma_wait3A = arith.constant 0 : i32
      %dma_wait3A_86 = tpu.memref_slice %arg10[%add3A_17, %dma_wait3A] : memref<10240x128xf32, #tpu.memory_space<vmem_shared>> -> memref<40x128xf32, #tpu.memory_space<vmem_shared>>
      %dma_wait3A_87 = arith.constant 0 : i32
      %dma_wait3A_88 = tpu.memref_slice %arg10[%add3A_17, %dma_wait3A_87] : memref<10240x128xf32, #tpu.memory_space<vmem_shared>> -> memref<40x128xf32, #tpu.memory_space<vmem_shared>>
      tpu.wait_dma2 semaphore(%run_scoped3A : memref<!tpu.dma_semaphore, #tpu.memory_space<semaphore_mem>>) src(%arg9 : memref<40x128xf32, #tpu.memory_space<vmem>>) dst(%dma_wait3A_88 : memref<40x128xf32, #tpu.memory_space<vmem_shared>>)
      tpu.yield
    }) : () -> ()
    %mul3A_18 = arith.constant 640 : i32
    %mul3A_19 = arith.muli %arg1, %mul3A_18 : i32
    %add3A_20 = arith.constant 120 : i32
    %add3A_21 = arith.addi %mul3A_19, %add3A_20 : i32
    "tpu.region"() ({
      %run_scoped3A = tpu.sem_alloc : memref<!tpu.dma_semaphore, #tpu.memory_space<semaphore_mem>>
      %dma_start3A = arith.constant 0 : i32
      %dma_start3A_83 = tpu.memref_slice %arg10[%add3A_21, %dma_start3A] : memref<10240x128xf32, #tpu.memory_space<vmem_shared>> -> memref<40x128xf32, #tpu.memory_space<vmem_shared>>
      %dma_start3A_84 = arith.constant 0 : i32
      %dma_start3A_85 = tpu.memref_slice %arg10[%add3A_21, %dma_start3A_84] : memref<10240x128xf32, #tpu.memory_space<vmem_shared>> -> memref<40x128xf32, #tpu.memory_space<vmem_shared>>
      tpu.enqueue_dma source(%arg9 : memref<40x128xf32, #tpu.memory_space<vmem>>) target(%dma_start3A_85 : memref<40x128xf32, #tpu.memory_space<vmem_shared>>) target_semaphore(%run_scoped3A : memref<!tpu.dma_semaphore, #tpu.memory_space<semaphore_mem>>)
      %dma_wait3A = arith.constant 0 : i32
      %dma_wait3A_86 = tpu.memref_slice %arg10[%add3A_21, %dma_wait3A] : memref<10240x128xf32, #tpu.memory_space<vmem_shared>> -> memref<40x128xf32, #tpu.memory_space<vmem_shared>>
      %dma_wait3A_87 = arith.constant 0 : i32
      %dma_wait3A_88 = tpu.memref_slice %arg10[%add3A_21, %dma_wait3A_87] : memref<10240x128xf32, #tpu.memory_space<vmem_shared>> -> memref<40x128xf32, #tpu.memory_space<vmem_shared>>
      tpu.wait_dma2 semaphore(%run_scoped3A : memref<!tpu.dma_semaphore, #tpu.memory_space<semaphore_mem>>) src(%arg9 : memref<40x128xf32, #tpu.memory_space<vmem>>) dst(%dma_wait3A_88 : memref<40x128xf32, #tpu.memory_space<vmem_shared>>)
      tpu.yield
    }) : () -> ()
    %mul3A_22 = arith.constant 640 : i32
    %mul3A_23 = arith.muli %arg1, %mul3A_22 : i32
    %add3A_24 = arith.constant 160 : i32
    %add3A_25 = arith.addi %mul3A_23, %add3A_24 : i32
    "tpu.region"() ({
      %run_scoped3A = tpu.sem_alloc : memref<!tpu.dma_semaphore, #tpu.memory_space<semaphore_mem>>
      %dma_start3A = arith.constant 0 : i32
      %dma_start3A_83 = tpu.memref_slice %arg10[%add3A_25, %dma_start3A] : memref<10240x128xf32, #tpu.memory_space<vmem_shared>> -> memref<40x128xf32, #tpu.memory_space<vmem_shared>>
      %dma_start3A_84 = arith.constant 0 : i32
      %dma_start3A_85 = tpu.memref_slice %arg10[%add3A_25, %dma_start3A_84] : memref<10240x128xf32, #tpu.memory_space<vmem_shared>> -> memref<40x128xf32, #tpu.memory_space<vmem_shared>>
      tpu.enqueue_dma source(%arg9 : memref<40x128xf32, #tpu.memory_space<vmem>>) target(%dma_start3A_85 : memref<40x128xf32, #tpu.memory_space<vmem_shared>>) target_semaphore(%run_scoped3A : memref<!tpu.dma_semaphore, #tpu.memory_space<semaphore_mem>>)
      %dma_wait3A = arith.constant 0 : i32
      %dma_wait3A_86 = tpu.memref_slice %arg10[%add3A_25, %dma_wait3A] : memref<10240x128xf32, #tpu.memory_space<vmem_shared>> -> memref<40x128xf32, #tpu.memory_space<vmem_shared>>
      %dma_wait3A_87 = arith.constant 0 : i32
      %dma_wait3A_88 = tpu.memref_slice %arg10[%add3A_25, %dma_wait3A_87] : memref<10240x128xf32, #tpu.memory_space<vmem_shared>> -> memref<40x128xf32, #tpu.memory_space<vmem_shared>>
      tpu.wait_dma2 semaphore(%run_scoped3A : memref<!tpu.dma_semaphore, #tpu.memory_space<semaphore_mem>>) src(%arg9 : memref<40x128xf32, #tpu.memory_space<vmem>>) dst(%dma_wait3A_88 : memref<40x128xf32, #tpu.memory_space<vmem_shared>>)
      tpu.yield
    }) : () -> ()
    %mul3A_26 = arith.constant 640 : i32
    %mul3A_27 = arith.muli %arg1, %mul3A_26 : i32
    %add3A_28 = arith.constant 200 : i32
    %add3A_29 = arith.addi %mul3A_27, %add3A_28 : i32
    "tpu.region"() ({
      %run_scoped3A = tpu.sem_alloc : memref<!tpu.dma_semaphore, #tpu.memory_space<semaphore_mem>>
      %dma_start3A = arith.constant 0 : i32
      %dma_start3A_83 = tpu.memref_slice %arg10[%add3A_29, %dma_start3A] : memref<10240x128xf32, #tpu.memory_space<vmem_shared>> -> memref<40x128xf32, #tpu.memory_space<vmem_shared>>
      %dma_start3A_84 = arith.constant 0 : i32
      %dma_start3A_85 = tpu.memref_slice %arg10[%add3A_29, %dma_start3A_84] : memref<10240x128xf32, #tpu.memory_space<vmem_shared>> -> memref<40x128xf32, #tpu.memory_space<vmem_shared>>
      tpu.enqueue_dma source(%arg9 : memref<40x128xf32, #tpu.memory_space<vmem>>) target(%dma_start3A_85 : memref<40x128xf32, #tpu.memory_space<vmem_shared>>) target_semaphore(%run_scoped3A : memref<!tpu.dma_semaphore, #tpu.memory_space<semaphore_mem>>)
      %dma_wait3A = arith.constant 0 : i32
      %dma_wait3A_86 = tpu.memref_slice %arg10[%add3A_29, %dma_wait3A] : memref<10240x128xf32, #tpu.memory_space<vmem_shared>> -> memref<40x128xf32, #tpu.memory_space<vmem_shared>>
      %dma_wait3A_87 = arith.constant 0 : i32
      %dma_wait3A_88 = tpu.memref_slice %arg10[%add3A_29, %dma_wait3A_87] : memref<10240x128xf32, #tpu.memory_space<vmem_shared>> -> memref<40x128xf32, #tpu.memory_space<vmem_shared>>
      tpu.wait_dma2 semaphore(%run_scoped3A : memref<!tpu.dma_semaphore, #tpu.memory_space<semaphore_mem>>) src(%arg9 : memref<40x128xf32, #tpu.memory_space<vmem>>) dst(%dma_wait3A_88 : memref<40x128xf32, #tpu.memory_space<vmem_shared>>)
      tpu.yield
    }) : () -> ()
    %mul3A_30 = arith.constant 640 : i32
    %mul3A_31 = arith.muli %arg1, %mul3A_30 : i32
    %add3A_32 = arith.constant 240 : i32
    %add3A_33 = arith.addi %mul3A_31, %add3A_32 : i32
    "tpu.region"() ({
      %run_scoped3A = tpu.sem_alloc : memref<!tpu.dma_semaphore, #tpu.memory_space<semaphore_mem>>
      %dma_start3A = arith.constant 0 : i32
      %dma_start3A_83 = tpu.memref_slice %arg10[%add3A_33, %dma_start3A] : memref<10240x128xf32, #tpu.memory_space<vmem_shared>> -> memref<40x128xf32, #tpu.memory_space<vmem_shared>>
      %dma_start3A_84 = arith.constant 0 : i32
      %dma_start3A_85 = tpu.memref_slice %arg10[%add3A_33, %dma_start3A_84] : memref<10240x128xf32, #tpu.memory_space<vmem_shared>> -> memref<40x128xf32, #tpu.memory_space<vmem_shared>>
      tpu.enqueue_dma source(%arg9 : memref<40x128xf32, #tpu.memory_space<vmem>>) target(%dma_start3A_85 : memref<40x128xf32, #tpu.memory_space<vmem_shared>>) target_semaphore(%run_scoped3A : memref<!tpu.dma_semaphore, #tpu.memory_space<semaphore_mem>>)
      %dma_wait3A = arith.constant 0 : i32
      %dma_wait3A_86 = tpu.memref_slice %arg10[%add3A_33, %dma_wait3A] : memref<10240x128xf32, #tpu.memory_space<vmem_shared>> -> memref<40x128xf32, #tpu.memory_space<vmem_shared>>
      %dma_wait3A_87 = arith.constant 0 : i32
      %dma_wait3A_88 = tpu.memref_slice %arg10[%add3A_33, %dma_wait3A_87] : memref<10240x128xf32, #tpu.memory_space<vmem_shared>> -> memref<40x128xf32, #tpu.memory_space<vmem_shared>>
      tpu.wait_dma2 semaphore(%run_scoped3A : memref<!tpu.dma_semaphore, #tpu.memory_space<semaphore_mem>>) src(%arg9 : memref<40x128xf32, #tpu.memory_space<vmem>>) dst(%dma_wait3A_88 : memref<40x128xf32, #tpu.memory_space<vmem_shared>>)
      tpu.yield
    }) : () -> ()
    %mul3A_34 = arith.constant 640 : i32
    %mul3A_35 = arith.muli %arg1, %mul3A_34 : i32
    %add3A_36 = arith.constant 280 : i32
    %add3A_37 = arith.addi %mul3A_35, %add3A_36 : i32
    "tpu.region"() ({
      %run_scoped3A = tpu.sem_alloc : memref<!tpu.dma_semaphore, #tpu.memory_space<semaphore_mem>>
      %dma_start3A = arith.constant 0 : i32
      %dma_start3A_83 = tpu.memref_slice %arg10[%add3A_37, %dma_start3A] : memref<10240x128xf32, #tpu.memory_space<vmem_shared>> -> memref<40x128xf32, #tpu.memory_space<vmem_shared>>
      %dma_start3A_84 = arith.constant 0 : i32
      %dma_start3A_85 = tpu.memref_slice %arg10[%add3A_37, %dma_start3A_84] : memref<10240x128xf32, #tpu.memory_space<vmem_shared>> -> memref<40x128xf32, #tpu.memory_space<vmem_shared>>
      tpu.enqueue_dma source(%arg9 : memref<40x128xf32, #tpu.memory_space<vmem>>) target(%dma_start3A_85 : memref<40x128xf32, #tpu.memory_space<vmem_shared>>) target_semaphore(%run_scoped3A : memref<!tpu.dma_semaphore, #tpu.memory_space<semaphore_mem>>)
      %dma_wait3A = arith.constant 0 : i32
      %dma_wait3A_86 = tpu.memref_slice %arg10[%add3A_37, %dma_wait3A] : memref<10240x128xf32, #tpu.memory_space<vmem_shared>> -> memref<40x128xf32, #tpu.memory_space<vmem_shared>>
      %dma_wait3A_87 = arith.constant 0 : i32
      %dma_wait3A_88 = tpu.memref_slice %arg10[%add3A_37, %dma_wait3A_87] : memref<10240x128xf32, #tpu.memory_space<vmem_shared>> -> memref<40x128xf32, #tpu.memory_space<vmem_shared>>
      tpu.wait_dma2 semaphore(%run_scoped3A : memref<!tpu.dma_semaphore, #tpu.memory_space<semaphore_mem>>) src(%arg9 : memref<40x128xf32, #tpu.memory_space<vmem>>) dst(%dma_wait3A_88 : memref<40x128xf32, #tpu.memory_space<vmem_shared>>)
      tpu.yield
    }) : () -> ()
    %mul3A_38 = arith.constant 640 : i32
    %mul3A_39 = arith.muli %arg1, %mul3A_38 : i32
    %add3A_40 = arith.constant 320 : i32
    %add3A_41 = arith.addi %mul3A_39, %add3A_40 : i32
    "tpu.region"() ({
      %run_scoped3A = tpu.sem_alloc : memref<!tpu.dma_semaphore, #tpu.memory_space<semaphore_mem>>
      %dma_start3A = arith.constant 0 : i32
      %dma_start3A_83 = tpu.memref_slice %arg10[%add3A_41, %dma_start3A] : memref<10240x128xf32, #tpu.memory_space<vmem_shared>> -> memref<40x128xf32, #tpu.memory_space<vmem_shared>>
      %dma_start3A_84 = arith.constant 0 : i32
      %dma_start3A_85 = tpu.memref_slice %arg10[%add3A_41, %dma_start3A_84] : memref<10240x128xf32, #tpu.memory_space<vmem_shared>> -> memref<40x128xf32, #tpu.memory_space<vmem_shared>>
      tpu.enqueue_dma source(%arg9 : memref<40x128xf32, #tpu.memory_space<vmem>>) target(%dma_start3A_85 : memref<40x128xf32, #tpu.memory_space<vmem_shared>>) target_semaphore(%run_scoped3A : memref<!tpu.dma_semaphore, #tpu.memory_space<semaphore_mem>>)
      %dma_wait3A = arith.constant 0 : i32
      %dma_wait3A_86 = tpu.memref_slice %arg10[%add3A_41, %dma_wait3A] : memref<10240x128xf32, #tpu.memory_space<vmem_shared>> -> memref<40x128xf32, #tpu.memory_space<vmem_shared>>
      %dma_wait3A_87 = arith.constant 0 : i32
      %dma_wait3A_88 = tpu.memref_slice %arg10[%add3A_41, %dma_wait3A_87] : memref<10240x128xf32, #tpu.memory_space<vmem_shared>> -> memref<40x128xf32, #tpu.memory_space<vmem_shared>>
      tpu.wait_dma2 semaphore(%run_scoped3A : memref<!tpu.dma_semaphore, #tpu.memory_space<semaphore_mem>>) src(%arg9 : memref<40x128xf32, #tpu.memory_space<vmem>>) dst(%dma_wait3A_88 : memref<40x128xf32, #tpu.memory_space<vmem_shared>>)
      tpu.yield
    }) : () -> ()
    %mul3A_42 = arith.constant 640 : i32
    %mul3A_43 = arith.muli %arg1, %mul3A_42 : i32
    %add3A_44 = arith.constant 360 : i32
    %add3A_45 = arith.addi %mul3A_43, %add3A_44 : i32
    "tpu.region"() ({
      %run_scoped3A = tpu.sem_alloc : memref<!tpu.dma_semaphore, #tpu.memory_space<semaphore_mem>>
      %dma_start3A = arith.constant 0 : i32
      %dma_start3A_83 = tpu.memref_slice %arg10[%add3A_45, %dma_start3A] : memref<10240x128xf32, #tpu.memory_space<vmem_shared>> -> memref<40x128xf32, #tpu.memory_space<vmem_shared>>
      %dma_start3A_84 = arith.constant 0 : i32
      %dma_start3A_85 = tpu.memref_slice %arg10[%add3A_45, %dma_start3A_84] : memref<10240x128xf32, #tpu.memory_space<vmem_shared>> -> memref<40x128xf32, #tpu.memory_space<vmem_shared>>
      tpu.enqueue_dma source(%arg9 : memref<40x128xf32, #tpu.memory_space<vmem>>) target(%dma_start3A_85 : memref<40x128xf32, #tpu.memory_space<vmem_shared>>) target_semaphore(%run_scoped3A : memref<!tpu.dma_semaphore, #tpu.memory_space<semaphore_mem>>)
      %dma_wait3A = arith.constant 0 : i32
      %dma_wait3A_86 = tpu.memref_slice %arg10[%add3A_45, %dma_wait3A] : memref<10240x128xf32, #tpu.memory_space<vmem_shared>> -> memref<40x128xf32, #tpu.memory_space<vmem_shared>>
      %dma_wait3A_87 = arith.constant 0 : i32
      %dma_wait3A_88 = tpu.memref_slice %arg10[%add3A_45, %dma_wait3A_87] : memref<10240x128xf32, #tpu.memory_space<vmem_shared>> -> memref<40x128xf32, #tpu.memory_space<vmem_shared>>
      tpu.wait_dma2 semaphore(%run_scoped3A : memref<!tpu.dma_semaphore, #tpu.memory_space<semaphore_mem>>) src(%arg9 : memref<40x128xf32, #tpu.memory_space<vmem>>) dst(%dma_wait3A_88 : memref<40x128xf32, #tpu.memory_space<vmem_shared>>)
      tpu.yield
    }) : () -> ()
    %mul3A_46 = arith.constant 640 : i32
    %mul3A_47 = arith.muli %arg1, %mul3A_46 : i32
    %add3A_48 = arith.constant 400 : i32
    %add3A_49 = arith.addi %mul3A_47, %add3A_48 : i32
    "tpu.region"() ({
      %run_scoped3A = tpu.sem_alloc : memref<!tpu.dma_semaphore, #tpu.memory_space<semaphore_mem>>
      %dma_start3A = arith.constant 0 : i32
      %dma_start3A_83 = tpu.memref_slice %arg10[%add3A_49, %dma_start3A] : memref<10240x128xf32, #tpu.memory_space<vmem_shared>> -> memref<40x128xf32, #tpu.memory_space<vmem_shared>>
      %dma_start3A_84 = arith.constant 0 : i32
      %dma_start3A_85 = tpu.memref_slice %arg10[%add3A_49, %dma_start3A_84] : memref<10240x128xf32, #tpu.memory_space<vmem_shared>> -> memref<40x128xf32, #tpu.memory_space<vmem_shared>>
      tpu.enqueue_dma source(%arg9 : memref<40x128xf32, #tpu.memory_space<vmem>>) target(%dma_start3A_85 : memref<40x128xf32, #tpu.memory_space<vmem_shared>>) target_semaphore(%run_scoped3A : memref<!tpu.dma_semaphore, #tpu.memory_space<semaphore_mem>>)
      %dma_wait3A = arith.constant 0 : i32
      %dma_wait3A_86 = tpu.memref_slice %arg10[%add3A_49, %dma_wait3A] : memref<10240x128xf32, #tpu.memory_space<vmem_shared>> -> memref<40x128xf32, #tpu.memory_space<vmem_shared>>
      %dma_wait3A_87 = arith.constant 0 : i32
      %dma_wait3A_88 = tpu.memref_slice %arg10[%add3A_49, %dma_wait3A_87] : memref<10240x128xf32, #tpu.memory_space<vmem_shared>> -> memref<40x128xf32, #tpu.memory_space<vmem_shared>>
      tpu.wait_dma2 semaphore(%run_scoped3A : memref<!tpu.dma_semaphore, #tpu.memory_space<semaphore_mem>>) src(%arg9 : memref<40x128xf32, #tpu.memory_space<vmem>>) dst(%dma_wait3A_88 : memref<40x128xf32, #tpu.memory_space<vmem_shared>>)
      tpu.yield
    }) : () -> ()
    %mul3A_50 = arith.constant 640 : i32
    %mul3A_51 = arith.muli %arg1, %mul3A_50 : i32
    %add3A_52 = arith.constant 440 : i32
    %add3A_53 = arith.addi %mul3A_51, %add3A_52 : i32
    "tpu.region"() ({
      %run_scoped3A = tpu.sem_alloc : memref<!tpu.dma_semaphore, #tpu.memory_space<semaphore_mem>>
      %dma_start3A = arith.constant 0 : i32
      %dma_start3A_83 = tpu.memref_slice %arg10[%add3A_53, %dma_start3A] : memref<10240x128xf32, #tpu.memory_space<vmem_shared>> -> memref<40x128xf32, #tpu.memory_space<vmem_shared>>
      %dma_start3A_84 = arith.constant 0 : i32
      %dma_start3A_85 = tpu.memref_slice %arg10[%add3A_53, %dma_start3A_84] : memref<10240x128xf32, #tpu.memory_space<vmem_shared>> -> memref<40x128xf32, #tpu.memory_space<vmem_shared>>
      tpu.enqueue_dma source(%arg9 : memref<40x128xf32, #tpu.memory_space<vmem>>) target(%dma_start3A_85 : memref<40x128xf32, #tpu.memory_space<vmem_shared>>) target_semaphore(%run_scoped3A : memref<!tpu.dma_semaphore, #tpu.memory_space<semaphore_mem>>)
      %dma_wait3A = arith.constant 0 : i32
      %dma_wait3A_86 = tpu.memref_slice %arg10[%add3A_53, %dma_wait3A] : memref<10240x128xf32, #tpu.memory_space<vmem_shared>> -> memref<40x128xf32, #tpu.memory_space<vmem_shared>>
      %dma_wait3A_87 = arith.constant 0 : i32
      %dma_wait3A_88 = tpu.memref_slice %arg10[%add3A_53, %dma_wait3A_87] : memref<10240x128xf32, #tpu.memory_space<vmem_shared>> -> memref<40x128xf32, #tpu.memory_space<vmem_shared>>
      tpu.wait_dma2 semaphore(%run_scoped3A : memref<!tpu.dma_semaphore, #tpu.memory_space<semaphore_mem>>) src(%arg9 : memref<40x128xf32, #tpu.memory_space<vmem>>) dst(%dma_wait3A_88 : memref<40x128xf32, #tpu.memory_space<vmem_shared>>)
      tpu.yield
    }) : () -> ()
    %mul3A_54 = arith.constant 640 : i32
    %mul3A_55 = arith.muli %arg1, %mul3A_54 : i32
    %add3A_56 = arith.constant 480 : i32
    %add3A_57 = arith.addi %mul3A_55, %add3A_56 : i32
    "tpu.region"() ({
      %run_scoped3A = tpu.sem_alloc : memref<!tpu.dma_semaphore, #tpu.memory_space<semaphore_mem>>
      %dma_start3A = arith.constant 0 : i32
      %dma_start3A_83 = tpu.memref_slice %arg10[%add3A_57, %dma_start3A] : memref<10240x128xf32, #tpu.memory_space<vmem_shared>> -> memref<40x128xf32, #tpu.memory_space<vmem_shared>>
      %dma_start3A_84 = arith.constant 0 : i32
      %dma_start3A_85 = tpu.memref_slice %arg10[%add3A_57, %dma_start3A_84] : memref<10240x128xf32, #tpu.memory_space<vmem_shared>> -> memref<40x128xf32, #tpu.memory_space<vmem_shared>>
      tpu.enqueue_dma source(%arg9 : memref<40x128xf32, #tpu.memory_space<vmem>>) target(%dma_start3A_85 : memref<40x128xf32, #tpu.memory_space<vmem_shared>>) target_semaphore(%run_scoped3A : memref<!tpu.dma_semaphore, #tpu.memory_space<semaphore_mem>>)
      %dma_wait3A = arith.constant 0 : i32
      %dma_wait3A_86 = tpu.memref_slice %arg10[%add3A_57, %dma_wait3A] : memref<10240x128xf32, #tpu.memory_space<vmem_shared>> -> memref<40x128xf32, #tpu.memory_space<vmem_shared>>
      %dma_wait3A_87 = arith.constant 0 : i32
      %dma_wait3A_88 = tpu.memref_slice %arg10[%add3A_57, %dma_wait3A_87] : memref<10240x128xf32, #tpu.memory_space<vmem_shared>> -> memref<40x128xf32, #tpu.memory_space<vmem_shared>>
      tpu.wait_dma2 semaphore(%run_scoped3A : memref<!tpu.dma_semaphore, #tpu.memory_space<semaphore_mem>>) src(%arg9 : memref<40x128xf32, #tpu.memory_space<vmem>>) dst(%dma_wait3A_88 : memref<40x128xf32, #tpu.memory_space<vmem_shared>>)
      tpu.yield
    }) : () -> ()
    %mul3A_58 = arith.constant 640 : i32
    %mul3A_59 = arith.muli %arg1, %mul3A_58 : i32
    %add3A_60 = arith.constant 520 : i32
    %add3A_61 = arith.addi %mul3A_59, %add3A_60 : i32
    "tpu.region"() ({
      %run_scoped3A = tpu.sem_alloc : memref<!tpu.dma_semaphore, #tpu.memory_space<semaphore_mem>>
      %dma_start3A = arith.constant 0 : i32
      %dma_start3A_83 = tpu.memref_slice %arg10[%add3A_61, %dma_start3A] : memref<10240x128xf32, #tpu.memory_space<vmem_shared>> -> memref<40x128xf32, #tpu.memory_space<vmem_shared>>
      %dma_start3A_84 = arith.constant 0 : i32
      %dma_start3A_85 = tpu.memref_slice %arg10[%add3A_61, %dma_start3A_84] : memref<10240x128xf32, #tpu.memory_space<vmem_shared>> -> memref<40x128xf32, #tpu.memory_space<vmem_shared>>
      tpu.enqueue_dma source(%arg9 : memref<40x128xf32, #tpu.memory_space<vmem>>) target(%dma_start3A_85 : memref<40x128xf32, #tpu.memory_space<vmem_shared>>) target_semaphore(%run_scoped3A : memref<!tpu.dma_semaphore, #tpu.memory_space<semaphore_mem>>)
      %dma_wait3A = arith.constant 0 : i32
      %dma_wait3A_86 = tpu.memref_slice %arg10[%add3A_61, %dma_wait3A] : memref<10240x128xf32, #tpu.memory_space<vmem_shared>> -> memref<40x128xf32, #tpu.memory_space<vmem_shared>>
      %dma_wait3A_87 = arith.constant 0 : i32
      %dma_wait3A_88 = tpu.memref_slice %arg10[%add3A_61, %dma_wait3A_87] : memref<10240x128xf32, #tpu.memory_space<vmem_shared>> -> memref<40x128xf32, #tpu.memory_space<vmem_shared>>
      tpu.wait_dma2 semaphore(%run_scoped3A : memref<!tpu.dma_semaphore, #tpu.memory_space<semaphore_mem>>) src(%arg9 : memref<40x128xf32, #tpu.memory_space<vmem>>) dst(%dma_wait3A_88 : memref<40x128xf32, #tpu.memory_space<vmem_shared>>)
      tpu.yield
    }) : () -> ()
    %mul3A_62 = arith.constant 640 : i32
    %mul3A_63 = arith.muli %arg1, %mul3A_62 : i32
    %add3A_64 = arith.constant 560 : i32
    %add3A_65 = arith.addi %mul3A_63, %add3A_64 : i32
    "tpu.region"() ({
      %run_scoped3A = tpu.sem_alloc : memref<!tpu.dma_semaphore, #tpu.memory_space<semaphore_mem>>
      %dma_start3A = arith.constant 0 : i32
      %dma_start3A_83 = tpu.memref_slice %arg10[%add3A_65, %dma_start3A] : memref<10240x128xf32, #tpu.memory_space<vmem_shared>> -> memref<40x128xf32, #tpu.memory_space<vmem_shared>>
      %dma_start3A_84 = arith.constant 0 : i32
      %dma_start3A_85 = tpu.memref_slice %arg10[%add3A_65, %dma_start3A_84] : memref<10240x128xf32, #tpu.memory_space<vmem_shared>> -> memref<40x128xf32, #tpu.memory_space<vmem_shared>>
      tpu.enqueue_dma source(%arg9 : memref<40x128xf32, #tpu.memory_space<vmem>>) target(%dma_start3A_85 : memref<40x128xf32, #tpu.memory_space<vmem_shared>>) target_semaphore(%run_scoped3A : memref<!tpu.dma_semaphore, #tpu.memory_space<semaphore_mem>>)
      %dma_wait3A = arith.constant 0 : i32
      %dma_wait3A_86 = tpu.memref_slice %arg10[%add3A_65, %dma_wait3A] : memref<10240x128xf32, #tpu.memory_space<vmem_shared>> -> memref<40x128xf32, #tpu.memory_space<vmem_shared>>
      %dma_wait3A_87 = arith.constant 0 : i32
      %dma_wait3A_88 = tpu.memref_slice %arg10[%add3A_65, %dma_wait3A_87] : memref<10240x128xf32, #tpu.memory_space<vmem_shared>> -> memref<40x128xf32, #tpu.memory_space<vmem_shared>>
      tpu.wait_dma2 semaphore(%run_scoped3A : memref<!tpu.dma_semaphore, #tpu.memory_space<semaphore_mem>>) src(%arg9 : memref<40x128xf32, #tpu.memory_space<vmem>>) dst(%dma_wait3A_88 : memref<40x128xf32, #tpu.memory_space<vmem_shared>>)
      tpu.yield
    }) : () -> ()
    %mul3A_66 = arith.constant 640 : i32
    %mul3A_67 = arith.muli %arg1, %mul3A_66 : i32
    %add3A_68 = arith.constant 600 : i32
    %add3A_69 = arith.addi %mul3A_67, %add3A_68 : i32
    "tpu.region"() ({
      %run_scoped3A = tpu.sem_alloc : memref<!tpu.dma_semaphore, #tpu.memory_space<semaphore_mem>>
      %dma_start3A = arith.constant 0 : i32
      %dma_start3A_83 = tpu.memref_slice %arg10[%add3A_69, %dma_start3A] : memref<10240x128xf32, #tpu.memory_space<vmem_shared>> -> memref<40x128xf32, #tpu.memory_space<vmem_shared>>
      %dma_start3A_84 = arith.constant 0 : i32
      %dma_start3A_85 = tpu.memref_slice %arg10[%add3A_69, %dma_start3A_84] : memref<10240x128xf32, #tpu.memory_space<vmem_shared>> -> memref<40x128xf32, #tpu.memory_space<vmem_shared>>
      tpu.enqueue_dma source(%arg9 : memref<40x128xf32, #tpu.memory_space<vmem>>) target(%dma_start3A_85 : memref<40x128xf32, #tpu.memory_space<vmem_shared>>) target_semaphore(%run_scoped3A : memref<!tpu.dma_semaphore, #tpu.memory_space<semaphore_mem>>)
      %dma_wait3A = arith.constant 0 : i32
      %dma_wait3A_86 = tpu.memref_slice %arg10[%add3A_69, %dma_wait3A] : memref<10240x128xf32, #tpu.memory_space<vmem_shared>> -> memref<40x128xf32, #tpu.memory_space<vmem_shared>>
      %dma_wait3A_87 = arith.constant 0 : i32
      %dma_wait3A_88 = tpu.memref_slice %arg10[%add3A_69, %dma_wait3A_87] : memref<10240x128xf32, #tpu.memory_space<vmem_shared>> -> memref<40x128xf32, #tpu.memory_space<vmem_shared>>
      tpu.wait_dma2 semaphore(%run_scoped3A : memref<!tpu.dma_semaphore, #tpu.memory_space<semaphore_mem>>) src(%arg9 : memref<40x128xf32, #tpu.memory_space<vmem>>) dst(%dma_wait3A_88 : memref<40x128xf32, #tpu.memory_space<vmem_shared>>)
      tpu.yield
    }) : () -> ()
    %barrier3A = arith.constant 0 : index
    tpu.barrier barrier_id(%barrier3A)
    %mul3A_70 = arith.constant 79 : i32
    %mul3A_71 = arith.muli %add3A, %mul3A_70 : i32
    %scan3A_72 = arith.constant 0 : i32
    %scan3A_73 = arith.constant 0 : i32
    %scan3A_74 = arith.constant 79 : i32
    %scan3A_75 = arith.addi %scan3A_73, %scan3A_74 : i32
    %scan3A_76 = arith.constant 1 : i32
    scf.for %scan3A_83 = %scan3A_73 to %scan3A_75 step %scan3A_76  : i32 {
      %add3A_84 = arith.addi %mul3A_71, %scan3A_83 : i32
      "tpu.region"() ({
        %run_scoped3A = tpu.sem_alloc : memref<!tpu.dma_semaphore, #tpu.memory_space<semaphore_mem>>
        %dma_start3A_89 = arith.constant 0 : i32
        %dma_start3A_90 = tpu.memref_slice %arg3[%add3A_84, %dma_start3A_89] : memref<2528x128xi32, #tpu.memory_space<hbm>> -> memref<1x128xi32, #tpu.memory_space<hbm>>
        %dma_start3A_91 = tpu.memref_squeeze %dma_start3A_90 : memref<1x128xi32, #tpu.memory_space<hbm>> -> memref<128xi32, #tpu.memory_space<hbm>>
        %dma_start3A_92 = arith.constant 0 : i32
        %dma_start3A_93 = tpu.memref_slice %arg3[%add3A_84, %dma_start3A_92] : memref<2528x128xi32, #tpu.memory_space<hbm>> -> memref<1x128xi32, #tpu.memory_space<hbm>>
        %dma_start3A_94 = tpu.memref_squeeze %dma_start3A_93 : memref<1x128xi32, #tpu.memory_space<hbm>> -> memref<128xi32, #tpu.memory_space<hbm>>
        tpu.enqueue_dma source(%dma_start3A_94 : memref<128xi32, #tpu.memory_space<hbm>>) target(%arg6 : memref<128xi32, #tpu.memory_space<vmem>>) target_semaphore(%run_scoped3A : memref<!tpu.dma_semaphore, #tpu.memory_space<semaphore_mem>>)
        %dma_wait3A_95 = arith.constant 0 : i32
        %dma_wait3A_96 = tpu.memref_slice %arg3[%add3A_84, %dma_wait3A_95] : memref<2528x128xi32, #tpu.memory_space<hbm>> -> memref<1x128xi32, #tpu.memory_space<hbm>>
        %dma_wait3A_97 = tpu.memref_squeeze %dma_wait3A_96 : memref<1x128xi32, #tpu.memory_space<hbm>> -> memref<128xi32, #tpu.memory_space<hbm>>
        %dma_wait3A_98 = arith.constant 0 : i32
        %dma_wait3A_99 = tpu.memref_slice %arg3[%add3A_84, %dma_wait3A_98] : memref<2528x128xi32, #tpu.memory_space<hbm>> -> memref<1x128xi32, #tpu.memory_space<hbm>>
        %dma_wait3A_100 = tpu.memref_squeeze %dma_wait3A_99 : memref<1x128xi32, #tpu.memory_space<hbm>> -> memref<128xi32, #tpu.memory_space<hbm>>
        tpu.wait_dma2 semaphore(%run_scoped3A : memref<!tpu.dma_semaphore, #tpu.memory_space<semaphore_mem>>) src(%dma_wait3A_100 : memref<128xi32, #tpu.memory_space<hbm>>) dst(%arg6 : memref<128xi32, #tpu.memory_space<vmem>>)
        tpu.yield
      }) : () -> ()
      %dma_start3A = arith.constant 0 : i32
      %dma_start3A_85 = arith.constant 0 : i32
      %dma_start3A_86 = tpu.memref_slice %arg2[%dma_start3A, %dma_start3A_85] : memref<10000x128xf32, #tpu.memory_space<hbm>> -> memref<10000x128xf32, #tpu.memory_space<hbm>>
      tpu.enqueue_indirect_dma source(%dma_start3A_86 : memref<10000x128xf32, #tpu.memory_space<hbm>>) target(%arg8 : memref<128x128xf32, #tpu.memory_space<vmem>>) offsets(%arg6 : memref<128xi32, #tpu.memory_space<vmem>>) semaphore(%arg11 : memref<!tpu.dma_semaphore, #tpu.memory_space<semaphore_mem>>)
      "tpu.region"() ({
        %run_scoped3A = tpu.sem_alloc : memref<!tpu.dma_semaphore, #tpu.memory_space<semaphore_mem>>
        %dma_start3A_89 = arith.constant 0 : i32
        %dma_start3A_90 = tpu.memref_slice %arg4[%add3A_84, %dma_start3A_89] : memref<2528x128xi32, #tpu.memory_space<hbm>> -> memref<1x128xi32, #tpu.memory_space<hbm>>
        %dma_start3A_91 = tpu.memref_squeeze %dma_start3A_90 : memref<1x128xi32, #tpu.memory_space<hbm>> -> memref<128xi32, #tpu.memory_space<hbm>>
        %dma_start3A_92 = arith.constant 0 : i32
        %dma_start3A_93 = tpu.memref_slice %arg4[%add3A_84, %dma_start3A_92] : memref<2528x128xi32, #tpu.memory_space<hbm>> -> memref<1x128xi32, #tpu.memory_space<hbm>>
        %dma_start3A_94 = tpu.memref_squeeze %dma_start3A_93 : memref<1x128xi32, #tpu.memory_space<hbm>> -> memref<128xi32, #tpu.memory_space<hbm>>
        tpu.enqueue_dma source(%dma_start3A_94 : memref<128xi32, #tpu.memory_space<hbm>>) target(%arg7 : memref<128xi32, #tpu.memory_space<vmem>>) target_semaphore(%run_scoped3A : memref<!tpu.dma_semaphore, #tpu.memory_space<semaphore_mem>>)
        %dma_wait3A_95 = arith.constant 0 : i32
        %dma_wait3A_96 = tpu.memref_slice %arg4[%add3A_84, %dma_wait3A_95] : memref<2528x128xi32, #tpu.memory_space<hbm>> -> memref<1x128xi32, #tpu.memory_space<hbm>>
        %dma_wait3A_97 = tpu.memref_squeeze %dma_wait3A_96 : memref<1x128xi32, #tpu.memory_space<hbm>> -> memref<128xi32, #tpu.memory_space<hbm>>
        %dma_wait3A_98 = arith.constant 0 : i32
        %dma_wait3A_99 = tpu.memref_slice %arg4[%add3A_84, %dma_wait3A_98] : memref<2528x128xi32, #tpu.memory_space<hbm>> -> memref<1x128xi32, #tpu.memory_space<hbm>>
        %dma_wait3A_100 = tpu.memref_squeeze %dma_wait3A_99 : memref<1x128xi32, #tpu.memory_space<hbm>> -> memref<128xi32, #tpu.memory_space<hbm>>
        tpu.wait_dma2 semaphore(%run_scoped3A : memref<!tpu.dma_semaphore, #tpu.memory_space<semaphore_mem>>) src(%dma_wait3A_100 : memref<128xi32, #tpu.memory_space<hbm>>) dst(%arg7 : memref<128xi32, #tpu.memory_space<vmem>>)
        tpu.yield
      }) : () -> ()
      %dma_wait3A = arith.constant 0 : i32
      %dma_wait3A_87 = arith.constant 0 : i32
      %dma_wait3A_88 = tpu.memref_slice %arg2[%dma_wait3A, %dma_wait3A_87] : memref<10000x128xf32, #tpu.memory_space<hbm>> -> memref<10000x128xf32, #tpu.memory_space<hbm>>
      tpu.wait_indirect_dma semaphore(%arg11 : memref<!tpu.dma_semaphore, #tpu.memory_space<semaphore_mem>>) src(%dma_wait3A_88 : memref<10000x128xf32, #tpu.memory_space<hbm>>) dst(%arg8 : memref<128x128xf32, #tpu.memory_space<vmem>>)
      "tpu.region"() ({
        %run_scoped3A = tpu.sem_alloc : memref<!tpu.dma_semaphore, #tpu.memory_space<semaphore_mem>>
        %dma_start3A_89 = arith.constant 0 : i32
        %dma_start3A_90 = arith.constant 0 : i32
        %dma_start3A_91 = tpu.memref_slice %arg10[%dma_start3A_89, %dma_start3A_90] : memref<10240x128xf32, #tpu.memory_space<vmem_shared>> -> memref<10240x128xf32, #tpu.memory_space<vmem_shared>>
        tpu.enqueue_indirect_dma source(%arg8 : memref<128x128xf32, #tpu.memory_space<vmem>>) target(%dma_start3A_91 : memref<10240x128xf32, #tpu.memory_space<vmem_shared>>) offsets(%arg7 : memref<128xi32, #tpu.memory_space<vmem>>) semaphore(%run_scoped3A : memref<!tpu.dma_semaphore, #tpu.memory_space<semaphore_mem>>) {add = true}
        %dma_wait3A_92 = arith.constant 0 : i32
        %dma_wait3A_93 = arith.constant 0 : i32
        %dma_wait3A_94 = tpu.memref_slice %arg10[%dma_wait3A_92, %dma_wait3A_93] : memref<10240x128xf32, #tpu.memory_space<vmem_shared>> -> memref<10240x128xf32, #tpu.memory_space<vmem_shared>>
        tpu.wait_indirect_dma semaphore(%run_scoped3A : memref<!tpu.dma_semaphore, #tpu.memory_space<semaphore_mem>>) src(%arg8 : memref<128x128xf32, #tpu.memory_space<vmem>>) dst(%dma_wait3A_94 : memref<10240x128xf32, #tpu.memory_space<vmem_shared>>)
        tpu.yield
      }) : () -> ()
    }
    %scan3A_77 = arith.constant 79 : i32
    %barrier3A_78 = arith.constant 0 : index
    tpu.barrier barrier_id(%barrier3A_78)
    %mul3A_79 = arith.constant 640 : i32
    %mul3A_80 = arith.muli %arg1, %mul3A_79 : i32
    %mul3A_81 = arith.constant 640 : i32
    %mul3A_82 = arith.muli %arg1, %mul3A_81 : i32
    "tpu.region"() ({
      %run_scoped3A = tpu.sem_alloc : memref<!tpu.dma_semaphore, #tpu.memory_space<semaphore_mem>>
      %dma_start3A = arith.constant 0 : i32
      %dma_start3A_83 = tpu.memref_slice %arg5[%arg0, %mul3A_82, %dma_start3A] : memref<2x10240x128xf32, #tpu.memory_space<hbm>> -> memref<1x640x128xf32, #tpu.memory_space<hbm>>
      %dma_start3A_84 = tpu.memref_squeeze %dma_start3A_83 : memref<1x640x128xf32, #tpu.memory_space<hbm>> -> memref<640x128xf32, #tpu.memory_space<hbm>>
      %dma_start3A_85 = arith.constant 0 : i32
      %dma_start3A_86 = tpu.memref_slice %arg10[%mul3A_80, %dma_start3A_85] : memref<10240x128xf32, #tpu.memory_space<vmem_shared>> -> memref<640x128xf32, #tpu.memory_space<vmem_shared>>
      tpu.enqueue_dma source(%dma_start3A_86 : memref<640x128xf32, #tpu.memory_space<vmem_shared>>) target(%dma_start3A_84 : memref<640x128xf32, #tpu.memory_space<hbm>>) target_semaphore(%run_scoped3A : memref<!tpu.dma_semaphore, #tpu.memory_space<semaphore_mem>>)
      %dma_wait3A = arith.constant 0 : i32
      %dma_wait3A_87 = tpu.memref_slice %arg5[%arg0, %mul3A_82, %dma_wait3A] : memref<2x10240x128xf32, #tpu.memory_space<hbm>> -> memref<1x640x128xf32, #tpu.memory_space<hbm>>
      %dma_wait3A_88 = tpu.memref_squeeze %dma_wait3A_87 : memref<1x640x128xf32, #tpu.memory_space<hbm>> -> memref<640x128xf32, #tpu.memory_space<hbm>>
      %dma_wait3A_89 = arith.constant 0 : i32
      %dma_wait3A_90 = tpu.memref_slice %arg10[%mul3A_80, %dma_wait3A_89] : memref<10240x128xf32, #tpu.memory_space<vmem_shared>> -> memref<640x128xf32, #tpu.memory_space<vmem_shared>>
      tpu.wait_dma2 semaphore(%run_scoped3A : memref<!tpu.dma_semaphore, #tpu.memory_space<semaphore_mem>>) src(%dma_wait3A_90 : memref<640x128xf32, #tpu.memory_space<vmem_shared>>) dst(%dma_wait3A_88 : memref<640x128xf32, #tpu.memory_space<hbm>>)
      tpu.yield
    }) : () -> ()
    return
  }
}

module attributes {stable_mosaic.version = 14 : i64} {
  func.func @body(%arg0: i32, %arg1: memref<2x400x128xf32, #tpu.memory_space<vmem>>, %arg2: memref<1x128xf32, #tpu.memory_space<vmem>>, %arg3: memref<128x128xf32, #tpu.memory_space<vmem>>, %arg4: memref<400x128xf32, #tpu.memory_space<vmem>>, %arg5: memref<400x128xf32, #tpu.memory_space<vmem>>) attributes {dimension_semantics = [#tpu.dimension_semantics<arbitrary>], iteration_bounds = array<i64: 25>, scalar_prefetch = 0 : i64, scratch_operands = 0 : i64, tpu.core_type = #tpu.core_type<tc>, window_params = [{transform_indices = @transform_0, window_bounds = array<i64: 2, 400, 128>}, {pipeline_mode = #tpu.pipeline_mode<synchronous>, transform_indices = @transform_1, window_bounds = array<i64: 1, 128>}, {pipeline_mode = #tpu.pipeline_mode<synchronous>, transform_indices = @transform_2, window_bounds = array<i64: 128, 128>}, {transform_indices = @transform_3, window_bounds = array<i64: 400, 128>}, {transform_indices = @transform_4, window_bounds = array<i64: 400, 128>}]} {
    %get3A = arith.constant 0 : index
    %get3A_0 = arith.constant 0 : index
    %get3A_1 = arith.constant 0 : index
    %get3A_2 = vector.load %arg1[%get3A, %get3A_0, %get3A_1] : memref<2x400x128xf32, #tpu.memory_space<vmem>>, vector<1x400x128xf32>
    %get3A_3 = vector.shape_cast %get3A_2 : vector<1x400x128xf32> to vector<400x128xf32>
    %get3A_4 = arith.constant 1 : index
    %get3A_5 = arith.constant 0 : index
    %get3A_6 = arith.constant 0 : index
    %get3A_7 = vector.load %arg1[%get3A_4, %get3A_5, %get3A_6] : memref<2x400x128xf32, #tpu.memory_space<vmem>>, vector<1x400x128xf32>
    %get3A_8 = vector.shape_cast %get3A_7 : vector<1x400x128xf32> to vector<400x128xf32>
    %add3A = arith.addf %get3A_3, %get3A_8 : vector<400x128xf32>
    %get3A_9 = arith.constant 0 : index
    %get3A_10 = arith.constant 0 : index
    %get3A_11 = vector.load %arg2[%get3A_9, %get3A_10] : memref<1x128xf32, #tpu.memory_space<vmem>>, vector<1x128xf32>
    %add3A_12 = vector.broadcast %get3A_11 : vector<1x128xf32> to vector<400x128xf32>
    %add3A_13 = arith.addf %add3A, %add3A_12 : vector<400x128xf32>
    %max3A = arith.constant 0.000000e+00 : f32
    %max3A_14 = vector.broadcast %max3A : f32 to vector<400x128xf32>
    %max3A_15 = arith.maximumf %add3A_13, %max3A_14 : vector<400x128xf32>
    %swap3A = arith.constant 0 : index
    %swap3A_16 = arith.constant 0 : index
    %swap3A_17 = vector.load %arg4[%swap3A, %swap3A_16] : memref<400x128xf32, #tpu.memory_space<vmem>>, vector<400x128xf32>
    tpu.vector_store %arg4[%swap3A, %swap3A_16], %max3A_15 {strides = array<i32>} : memref<400x128xf32, #tpu.memory_space<vmem>>, vector<400x128xf32>,
    %get3A_18 = arith.constant 0 : index
    %get3A_19 = arith.constant 0 : index
    %get3A_20 = vector.load %arg3[%get3A_18, %get3A_19] : memref<128x128xf32, #tpu.memory_space<vmem>>, vector<128x128xf32>
    %dot_general3A = arith.constant dense<0.000000e+00> : vector<400x128xf32>
    %dot_general3A_21 = tpu.matmul %max3A_15, %get3A_20, %dot_general3A {dimension_numbers = #tpu.dot_dimension_numbers<[1], [0], [0], [1], [0, 0, 1, 1], [], []>, transpose_lhs_hint = false} : vector<400x128xf32>, vector<128x128xf32>, vector<400x128xf32> -> vector<400x128xf32>
    %swap3A_22 = arith.constant 0 : index
    %swap3A_23 = arith.constant 0 : index
    %swap3A_24 = vector.load %arg5[%swap3A_22, %swap3A_23] : memref<400x128xf32, #tpu.memory_space<vmem>>, vector<400x128xf32>
    tpu.vector_store %arg5[%swap3A_22, %swap3A_23], %dot_general3A_21 {strides = array<i32>} : memref<400x128xf32, #tpu.memory_space<vmem>>, vector<400x128xf32>,
    return
  }
  func.func @transform_0(%arg0: i32) -> (i32, i32, i32) {
    %c0_i32 = arith.constant 0 : i32
    %c0_i32_0 = arith.constant 0 : i32
    %c0_i32_1 = arith.constant 0 : i32
    return %c0_i32, %arg0, %c0_i32_0 : i32, i32, i32
  }
  func.func @transform_1(%arg0: i32) -> (i32, i32) {
    %c0_i32 = arith.constant 0 : i32
    %c0_i32_0 = arith.constant 0 : i32
    %c0_i32_1 = arith.constant 0 : i32
    return %c0_i32, %c0_i32_0 : i32, i32
  }
  func.func @transform_2(%arg0: i32) -> (i32, i32) {
    %c0_i32 = arith.constant 0 : i32
    %c0_i32_0 = arith.constant 0 : i32
    %c0_i32_1 = arith.constant 0 : i32
    return %c0_i32, %c0_i32_0 : i32, i32
  }
  func.func @transform_3(%arg0: i32) -> (i32, i32) {
    %c0_i32 = arith.constant 0 : i32
    %c0_i32_0 = arith.constant 0 : i32
    return %arg0, %c0_i32 : i32, i32
  }
  func.func @transform_4(%arg0: i32) -> (i32, i32) {
    %c0_i32 = arith.constant 0 : i32
    %c0_i32_0 = arith.constant 0 : i32
    return %arg0, %c0_i32 : i32, i32
  }
}

module attributes {stable_mosaic.version = 14 : i64} {
  func.func @body(%arg0: i32, %arg1: memref<400x128xf32, #tpu.memory_space<vmem>>, %arg2: memref<128x128xf32, #tpu.memory_space<vmem>>, %arg3: memref<400x128xf32, #tpu.memory_space<vmem>>) attributes {dimension_semantics = [#tpu.dimension_semantics<arbitrary>], iteration_bounds = array<i64: 25>, scalar_prefetch = 0 : i64, scratch_operands = 0 : i64, tpu.core_type = #tpu.core_type<tc>, window_params = [{transform_indices = @transform_0, window_bounds = array<i64: 400, 128>}, {pipeline_mode = #tpu.pipeline_mode<synchronous>, transform_indices = @transform_1, window_bounds = array<i64: 128, 128>}, {transform_indices = @transform_2, window_bounds = array<i64: 400, 128>}]} {
    %get3A = arith.constant 0 : index
    %get3A_0 = arith.constant 0 : index
    %get3A_1 = vector.load %arg1[%get3A, %get3A_0] : memref<400x128xf32, #tpu.memory_space<vmem>>, vector<400x128xf32>
    %get3A_2 = arith.constant 0 : index
    %get3A_3 = arith.constant 0 : index
    %get3A_4 = vector.load %arg2[%get3A_2, %get3A_3] : memref<128x128xf32, #tpu.memory_space<vmem>>, vector<128x128xf32>
    %dot_general3A = arith.constant dense<0.000000e+00> : vector<400x128xf32>
    %dot_general3A_5 = tpu.matmul %get3A_1, %get3A_4, %dot_general3A {dimension_numbers = #tpu.dot_dimension_numbers<[1], [0], [0], [1], [0, 0, 1, 1], [], []>, transpose_lhs_hint = false} : vector<400x128xf32>, vector<128x128xf32>, vector<400x128xf32> -> vector<400x128xf32>
    %swap3A = arith.constant 0 : index
    %swap3A_6 = arith.constant 0 : index
    %swap3A_7 = vector.load %arg3[%swap3A, %swap3A_6] : memref<400x128xf32, #tpu.memory_space<vmem>>, vector<400x128xf32>
    tpu.vector_store %arg3[%swap3A, %swap3A_6], %dot_general3A_5 {strides = array<i32>} : memref<400x128xf32, #tpu.memory_space<vmem>>, vector<400x128xf32>,
    return
  }
  func.func @transform_0(%arg0: i32) -> (i32, i32) {
    %c0_i32 = arith.constant 0 : i32
    %c0_i32_0 = arith.constant 0 : i32
    return %arg0, %c0_i32 : i32, i32
  }
  func.func @transform_1(%arg0: i32) -> (i32, i32) {
    %c0_i32 = arith.constant 0 : i32
    %c0_i32_0 = arith.constant 0 : i32
    %c0_i32_1 = arith.constant 0 : i32
    return %c0_i32, %c0_i32_0 : i32, i32
  }
  func.func @transform_2(%arg0: i32) -> (i32, i32) {
    %c0_i32 = arith.constant 0 : i32
    %c0_i32_0 = arith.constant 0 : i32
    return %arg0, %c0_i32 : i32, i32
  }
}

module attributes {stable_mosaic.version = 14 : i64} {
  func.func @body(%arg0: i32, %arg1: memref<2x400x128xf32, #tpu.memory_space<vmem>>, %arg2: memref<1x128xf32, #tpu.memory_space<vmem>>, %arg3: memref<128x128xf32, #tpu.memory_space<vmem>>, %arg4: memref<400x128xf32, #tpu.memory_space<vmem>>, %arg5: memref<400x128xf32, #tpu.memory_space<vmem>>, %arg6: memref<400x128xf32, #tpu.memory_space<vmem>>) attributes {dimension_semantics = [#tpu.dimension_semantics<arbitrary>], iteration_bounds = array<i64: 25>, scalar_prefetch = 0 : i64, scratch_operands = 0 : i64, tpu.core_type = #tpu.core_type<tc>, window_params = [{transform_indices = @transform_0, window_bounds = array<i64: 2, 400, 128>}, {pipeline_mode = #tpu.pipeline_mode<synchronous>, transform_indices = @transform_1, window_bounds = array<i64: 1, 128>}, {pipeline_mode = #tpu.pipeline_mode<synchronous>, transform_indices = @transform_2, window_bounds = array<i64: 128, 128>}, {transform_indices = @transform_3, window_bounds = array<i64: 400, 128>}, {transform_indices = @transform_4, window_bounds = array<i64: 400, 128>}, {transform_indices = @transform_5, window_bounds = array<i64: 400, 128>}]} {
    %get3A = arith.constant 0 : index
    %get3A_0 = arith.constant 0 : index
    %get3A_1 = arith.constant 0 : index
    %get3A_2 = vector.load %arg1[%get3A, %get3A_0, %get3A_1] : memref<2x400x128xf32, #tpu.memory_space<vmem>>, vector<1x400x128xf32>
    %get3A_3 = vector.shape_cast %get3A_2 : vector<1x400x128xf32> to vector<400x128xf32>
    %get3A_4 = arith.constant 1 : index
    %get3A_5 = arith.constant 0 : index
    %get3A_6 = arith.constant 0 : index
    %get3A_7 = vector.load %arg1[%get3A_4, %get3A_5, %get3A_6] : memref<2x400x128xf32, #tpu.memory_space<vmem>>, vector<1x400x128xf32>
    %get3A_8 = vector.shape_cast %get3A_7 : vector<1x400x128xf32> to vector<400x128xf32>
    %add3A = arith.addf %get3A_3, %get3A_8 : vector<400x128xf32>
    %get3A_9 = arith.constant 0 : index
    %get3A_10 = arith.constant 0 : index
    %get3A_11 = vector.load %arg2[%get3A_9, %get3A_10] : memref<1x128xf32, #tpu.memory_space<vmem>>, vector<1x128xf32>
    %add3A_12 = vector.broadcast %get3A_11 : vector<1x128xf32> to vector<400x128xf32>
    %add3A_13 = arith.addf %add3A, %add3A_12 : vector<400x128xf32>
    %max3A = arith.constant 0.000000e+00 : f32
    %max3A_14 = vector.broadcast %max3A : f32 to vector<400x128xf32>
    %max3A_15 = arith.maximumf %add3A_13, %max3A_14 : vector<400x128xf32>
    %get3A_16 = arith.constant 0 : index
    %get3A_17 = arith.constant 0 : index
    %get3A_18 = vector.load %arg4[%get3A_16, %get3A_17] : memref<400x128xf32, #tpu.memory_space<vmem>>, vector<400x128xf32>
    %add3A_19 = arith.addf %max3A_15, %get3A_18 : vector<400x128xf32>
    %swap3A = arith.constant 0 : index
    %swap3A_20 = arith.constant 0 : index
    %swap3A_21 = vector.load %arg5[%swap3A, %swap3A_20] : memref<400x128xf32, #tpu.memory_space<vmem>>, vector<400x128xf32>
    tpu.vector_store %arg5[%swap3A, %swap3A_20], %add3A_19 {strides = array<i32>} : memref<400x128xf32, #tpu.memory_space<vmem>>, vector<400x128xf32>,
    %get3A_22 = arith.constant 0 : index
    %get3A_23 = arith.constant 0 : index
    %get3A_24 = vector.load %arg3[%get3A_22, %get3A_23] : memref<128x128xf32, #tpu.memory_space<vmem>>, vector<128x128xf32>
    %dot_general3A = arith.constant dense<0.000000e+00> : vector<400x128xf32>
    %dot_general3A_25 = tpu.matmul %add3A_19, %get3A_24, %dot_general3A {dimension_numbers = #tpu.dot_dimension_numbers<[1], [0], [0], [1], [0, 0, 1, 1], [], []>, transpose_lhs_hint = false} : vector<400x128xf32>, vector<128x128xf32>, vector<400x128xf32> -> vector<400x128xf32>
    %swap3A_26 = arith.constant 0 : index
    %swap3A_27 = arith.constant 0 : index
    %swap3A_28 = vector.load %arg6[%swap3A_26, %swap3A_27] : memref<400x128xf32, #tpu.memory_space<vmem>>, vector<400x128xf32>
    tpu.vector_store %arg6[%swap3A_26, %swap3A_27], %dot_general3A_25 {strides = array<i32>} : memref<400x128xf32, #tpu.memory_space<vmem>>, vector<400x128xf32>,
    return
  }
  func.func @transform_0(%arg0: i32) -> (i32, i32, i32) {
    %c0_i32 = arith.constant 0 : i32
    %c0_i32_0 = arith.constant 0 : i32
    %c0_i32_1 = arith.constant 0 : i32
    return %c0_i32, %arg0, %c0_i32_0 : i32, i32, i32
  }
  func.func @transform_1(%arg0: i32) -> (i32, i32) {
    %c0_i32 = arith.constant 0 : i32
    %c0_i32_0 = arith.constant 0 : i32
    %c0_i32_1 = arith.constant 0 : i32
    return %c0_i32, %c0_i32_0 : i32, i32
  }
  func.func @transform_2(%arg0: i32) -> (i32, i32) {
    %c0_i32 = arith.constant 0 : i32
    %c0_i32_0 = arith.constant 0 : i32
    %c0_i32_1 = arith.constant 0 : i32
    return %c0_i32, %c0_i32_0 : i32, i32
  }
  func.func @transform_3(%arg0: i32) -> (i32, i32) {
    %c0_i32 = arith.constant 0 : i32
    %c0_i32_0 = arith.constant 0 : i32
    return %arg0, %c0_i32 : i32, i32
  }
  func.func @transform_4(%arg0: i32) -> (i32, i32) {
    %c0_i32 = arith.constant 0 : i32
    %c0_i32_0 = arith.constant 0 : i32
    return %arg0, %c0_i32 : i32, i32
  }
  func.func @transform_5(%arg0: i32) -> (i32, i32) {
    %c0_i32 = arith.constant 0 : i32
    %c0_i32_0 = arith.constant 0 : i32
    return %arg0, %c0_i32 : i32, i32
  }
}

module attributes {stable_mosaic.version = 14 : i64} {
  func.func @body(%arg0: i32, %arg1: memref<2x400x128xf32, #tpu.memory_space<vmem>>, %arg2: memref<128x64xf32, #tpu.memory_space<vmem>>, %arg3: memref<1x64xf32, #tpu.memory_space<vmem>>, %arg4: memref<400x64xf32, #tpu.memory_space<vmem>>) attributes {dimension_semantics = [#tpu.dimension_semantics<arbitrary>], iteration_bounds = array<i64: 25>, scalar_prefetch = 0 : i64, scratch_operands = 0 : i64, tpu.core_type = #tpu.core_type<tc>, window_params = [{transform_indices = @transform_0, window_bounds = array<i64: 2, 400, 128>}, {pipeline_mode = #tpu.pipeline_mode<synchronous>, transform_indices = @transform_1, window_bounds = array<i64: 128, 64>}, {pipeline_mode = #tpu.pipeline_mode<synchronous>, transform_indices = @transform_2, window_bounds = array<i64: 1, 64>}, {transform_indices = @transform_3, window_bounds = array<i64: 400, 64>}]} {
    %get3A = arith.constant 0 : index
    %get3A_0 = arith.constant 0 : index
    %get3A_1 = arith.constant 0 : index
    %get3A_2 = vector.load %arg1[%get3A, %get3A_0, %get3A_1] : memref<2x400x128xf32, #tpu.memory_space<vmem>>, vector<1x400x128xf32>
    %get3A_3 = vector.shape_cast %get3A_2 : vector<1x400x128xf32> to vector<400x128xf32>
    %get3A_4 = arith.constant 1 : index
    %get3A_5 = arith.constant 0 : index
    %get3A_6 = arith.constant 0 : index
    %get3A_7 = vector.load %arg1[%get3A_4, %get3A_5, %get3A_6] : memref<2x400x128xf32, #tpu.memory_space<vmem>>, vector<1x400x128xf32>
    %get3A_8 = vector.shape_cast %get3A_7 : vector<1x400x128xf32> to vector<400x128xf32>
    %add3A = arith.addf %get3A_3, %get3A_8 : vector<400x128xf32>
    %get3A_9 = arith.constant 0 : index
    %get3A_10 = arith.constant 0 : index
    %get3A_11 = vector.load %arg2[%get3A_9, %get3A_10] : memref<128x64xf32, #tpu.memory_space<vmem>>, vector<128x64xf32>
    %dot_general3A = arith.constant dense<0.000000e+00> : vector<400x64xf32>
    %dot_general3A_12 = tpu.matmul %add3A, %get3A_11, %dot_general3A {dimension_numbers = #tpu.dot_dimension_numbers<[1], [0], [0], [1], [0, 0, 1, 1], [], []>, transpose_lhs_hint = false} : vector<400x128xf32>, vector<128x64xf32>, vector<400x64xf32> -> vector<400x64xf32>
    %get3A_13 = arith.constant 0 : index
    %get3A_14 = arith.constant 0 : index
    %get3A_15 = vector.load %arg3[%get3A_13, %get3A_14] : memref<1x64xf32, #tpu.memory_space<vmem>>, vector<1x64xf32>
    %add3A_16 = vector.broadcast %get3A_15 : vector<1x64xf32> to vector<400x64xf32>
    %add3A_17 = arith.addf %dot_general3A_12, %add3A_16 : vector<400x64xf32>
    %reduce_max3A = arith.constant dense<0xFF800000> : vector<400xf32>
    %reduce_max3A_18 = vector.multi_reduction <maximumf>, %add3A_17, %reduce_max3A [1] : vector<400x64xf32> to vector<400xf32>
    %broadcast_in_dim3A = vector.shape_cast %reduce_max3A_18 : vector<400xf32> to vector<400x1xf32>
    %sub3A = vector.broadcast %broadcast_in_dim3A : vector<400x1xf32> to vector<400x64xf32>
    %sub3A_19 = arith.subf %add3A_17, %sub3A : vector<400x64xf32>
    %exp3A = math.exp %sub3A_19 : vector<400x64xf32>
    %reduce_sum3A = arith.constant dense<0.000000e+00> : vector<400xf32>
    %reduce_sum3A_20 = vector.multi_reduction <add>, %exp3A, %reduce_sum3A [1] : vector<400x64xf32> to vector<400xf32>
    %broadcast_in_dim3A_21 = vector.shape_cast %reduce_sum3A_20 : vector<400xf32> to vector<400x1xf32>
    %log3A = math.log %broadcast_in_dim3A_21 : vector<400x1xf32>
    %add3A_22 = arith.addf %log3A, %broadcast_in_dim3A : vector<400x1xf32>
    %sub3A_23 = vector.broadcast %add3A_22 : vector<400x1xf32> to vector<400x64xf32>
    %sub3A_24 = arith.subf %add3A_17, %sub3A_23 : vector<400x64xf32>
    %swap3A = arith.constant 0 : index
    %swap3A_25 = arith.constant 0 : index
    %swap3A_26 = vector.load %arg4[%swap3A, %swap3A_25] : memref<400x64xf32, #tpu.memory_space<vmem>>, vector<400x64xf32>
    tpu.vector_store %arg4[%swap3A, %swap3A_25], %sub3A_24 {strides = array<i32>} : memref<400x64xf32, #tpu.memory_space<vmem>>, vector<400x64xf32>,
    return
  }
  func.func @transform_0(%arg0: i32) -> (i32, i32, i32) {
    %c0_i32 = arith.constant 0 : i32
    %c0_i32_0 = arith.constant 0 : i32
    %c0_i32_1 = arith.constant 0 : i32
    return %c0_i32, %arg0, %c0_i32_0 : i32, i32, i32
  }
  func.func @transform_1(%arg0: i32) -> (i32, i32) {
    %c0_i32 = arith.constant 0 : i32
    %c0_i32_0 = arith.constant 0 : i32
    %c0_i32_1 = arith.constant 0 : i32
    return %c0_i32, %c0_i32_0 : i32, i32
  }
  func.func @transform_2(%arg0: i32) -> (i32, i32) {
    %c0_i32 = arith.constant 0 : i32
    %c0_i32_0 = arith.constant 0 : i32
    %c0_i32_1 = arith.constant 0 : i32
    return %c0_i32, %c0_i32_0 : i32, i32
  }
  func.func @transform_3(%arg0: i32) -> (i32, i32) {
    %c0_i32 = arith.constant 0 : i32
    %c0_i32_0 = arith.constant 0 : i32
    return %arg0, %c0_i32 : i32, i32
  }
}

module attributes {stable_mosaic.version = 14 : i64} {
  func.func @body(%arg0: i32, %arg1: memref<2x400x128xf32, #tpu.memory_space<vmem>>, %arg2: memref<1x128xf32, #tpu.memory_space<vmem>>, %arg3: memref<400x128xf32, #tpu.memory_space<vmem>>, %arg4: memref<400x128xf32, #tpu.memory_space<vmem>>) attributes {dimension_semantics = [#tpu.dimension_semantics<arbitrary>], iteration_bounds = array<i64: 25>, scalar_prefetch = 0 : i64, scratch_operands = 0 : i64, tpu.core_type = #tpu.core_type<tc>, window_params = [{transform_indices = @transform_0, window_bounds = array<i64: 2, 400, 128>}, {pipeline_mode = #tpu.pipeline_mode<synchronous>, transform_indices = @transform_1, window_bounds = array<i64: 1, 128>}, {transform_indices = @transform_2, window_bounds = array<i64: 400, 128>}, {transform_indices = @transform_3, window_bounds = array<i64: 400, 128>}]} {
    %get3A = arith.constant 0 : index
    %get3A_0 = arith.constant 0 : index
    %get3A_1 = arith.constant 0 : index
    %get3A_2 = vector.load %arg1[%get3A, %get3A_0, %get3A_1] : memref<2x400x128xf32, #tpu.memory_space<vmem>>, vector<1x400x128xf32>
    %get3A_3 = vector.shape_cast %get3A_2 : vector<1x400x128xf32> to vector<400x128xf32>
    %get3A_4 = arith.constant 1 : index
    %get3A_5 = arith.constant 0 : index
    %get3A_6 = arith.constant 0 : index
    %get3A_7 = vector.load %arg1[%get3A_4, %get3A_5, %get3A_6] : memref<2x400x128xf32, #tpu.memory_space<vmem>>, vector<1x400x128xf32>
    %get3A_8 = vector.shape_cast %get3A_7 : vector<1x400x128xf32> to vector<400x128xf32>
    %add3A = arith.addf %get3A_3, %get3A_8 : vector<400x128xf32>
    %get3A_9 = arith.constant 0 : index
    %get3A_10 = arith.constant 0 : index
    %get3A_11 = vector.load %arg2[%get3A_9, %get3A_10] : memref<1x128xf32, #tpu.memory_space<vmem>>, vector<1x128xf32>
    %add3A_12 = vector.broadcast %get3A_11 : vector<1x128xf32> to vector<400x128xf32>
    %add3A_13 = arith.addf %add3A, %add3A_12 : vector<400x128xf32>
    %max3A = arith.constant 0.000000e+00 : f32
    %max3A_14 = vector.broadcast %max3A : f32 to vector<400x128xf32>
    %max3A_15 = arith.maximumf %add3A_13, %max3A_14 : vector<400x128xf32>
    %get3A_16 = arith.constant 0 : index
    %get3A_17 = arith.constant 0 : index
    %get3A_18 = vector.load %arg3[%get3A_16, %get3A_17] : memref<400x128xf32, #tpu.memory_space<vmem>>, vector<400x128xf32>
    %add3A_19 = arith.addf %max3A_15, %get3A_18 : vector<400x128xf32>
    %swap3A = arith.constant 0 : index
    %swap3A_20 = arith.constant 0 : index
    %swap3A_21 = vector.load %arg4[%swap3A, %swap3A_20] : memref<400x128xf32, #tpu.memory_space<vmem>>, vector<400x128xf32>
    tpu.vector_store %arg4[%swap3A, %swap3A_20], %add3A_19 {strides = array<i32>} : memref<400x128xf32, #tpu.memory_space<vmem>>, vector<400x128xf32>,
    return
  }
  func.func @transform_0(%arg0: i32) -> (i32, i32, i32) {
    %c0_i32 = arith.constant 0 : i32
    %c0_i32_0 = arith.constant 0 : i32
    %c0_i32_1 = arith.constant 0 : i32
    return %c0_i32, %arg0, %c0_i32_0 : i32, i32, i32
  }
  func.func @transform_1(%arg0: i32) -> (i32, i32) {
    %c0_i32 = arith.constant 0 : i32
    %c0_i32_0 = arith.constant 0 : i32
    %c0_i32_1 = arith.constant 0 : i32
    return %c0_i32, %c0_i32_0 : i32, i32
  }
  func.func @transform_2(%arg0: i32) -> (i32, i32) {
    %c0_i32 = arith.constant 0 : i32
    %c0_i32_0 = arith.constant 0 : i32
    return %arg0, %c0_i32 : i32, i32
  }
  func.func @transform_3(%arg0: i32) -> (i32, i32) {
    %c0_i32 = arith.constant 0 : i32
    %c0_i32_0 = arith.constant 0 : i32
    return %arg0, %c0_i32 : i32, i32
  }
}

</mosaic_0001>

<sc_bundles>
// kernel: kernel.11.cloned.1.call-start
scs
__scs_entry_jumppad:
0x0: {  	(pc) =	sbr.rel $0x88, $3  }
0x1: {  	(tag) =	ssettag $0x0;
	lr =	simm.s32 $0x1  }
0x2: {  	[smem:$0x3F97] =	sst lr;
	_ =	strace $0xD0000000  }
0x3: {  	_ = 	snop  }
0x4: {  	_ = 	snop  }
0x5: {  	_ = 	snop  }
0x6: {  	_ = 	snop  }
0x7: {  	_ = 	snop  }
__scs_overlays_trampoline_lowered:
0x8: {  	[smem:$0x3FA6] =	sst s0  }
0x9: {  	[smem:$0x3FA7] =	sst s1  }
0xa: {  	[smem:$0x3FA8] =	sst s2  }
0xb: {  	[smem:$0x3FA9] =	sst s3  }
0xc: {  	[smem:$0x3FAA] =	sst s4  }
0xd: {  	[smem:$0x3FAB] =	sst s5  }
0xe: {  	[smem:$0x3FAC] =	sst s6  }
0xf: {  	[smem:$0x3FAD] =	sst s7  }
0x10: {  	[smem:$0x3FAE] =	sst s8  }
0x11: {  	[smem:$0x3FAF] =	sst s9;
	s0 =	simm.s32 @!p0 $0x0  }
0x12: {  	s1 =	sld [smem:$0x3F95];
	s0 =	simm.s32 @p0 $0x1  }
0x13: {  	[smem:$0x3FB0] =	sst s0;
	s0 =	simm.s32 @!p1 $0x0  }
0x14: {  	s2 =	sld [smem:$0x3F94];
	s0 =	simm.s32 @p1 $0x1  }
0x15: {  	[smem:$0x3FB1] =	sst s0;
	s0 =	simm.s32 @!p2 $0x0  }
0x16: {  	s3 =	sld [smem:$0x3FDB];
	s0 =	simm.s32 @p2 $0x1  }
0x17: {  	s4 =	simm.s32 $0x1BF5;
	[smem:$0x3FB3] =	sst s0  }
0x18: {  	s0 =	sld [smem:$0x3F96];
	_ =	swait.ge [sflag:s4], $0x0  }
0x19: {  	s7 =	sld [smem:$0x3F97]  }
0x1a: {  	s8 =	sadd.s32 $0xFFFFE003, lr  }
0x1b: {  	s9 =	sadd.s32 $0xFFFFFEF7, lr;
	s5 =	simm.s32 $0xFFFFFFFF;
	p2 =	slt.u32 s8, $0xFFFFF086  }
0x1c: {  	p1 =	slt.u32 s9, $0xF7A;
	s5 =	simm.s32 @!p2 $0x0  }
0x1d: {  	s5 =	simm.s32 @p1 $0x1;
	p0 =	seq.s32 s7, s2  }
0x1e: {  	s7 =	smul.u32 @!p0 $0xF7A, s2;
	p2 =	seq.s32 @!p0 s5, $0x0  }
0x1f: {  	s9 =	smul.u32 $0xF7A, s1;
	s8 =	simm.s32 @!p0 $0x1BF5;
	p2 =	por !p2, p0  }
0x20: {  	[sflag:s8] =	ssyncset.s32 @!p0 $0xFFFFF086;
	s6 =	sadd.s32 @!p0 s3, s7;
	s7 =	simm.s32 @!p0 $0x108  }
0x21: {  	s3 =	sadd.s32 s3, s9;
	s6 =	sadd.s32 @!p0 $0x88, s6;
	s7 =	simm.s32 @p2 $0x1082  }
0x22: {  	[simem:s7], [sflag:s8] =	dma.local @!p0 [hbm:s6], $0xF7A  }
0x23: {  	s9 =	sor.u32 $0xD0000000, s2;
	s6 =	simm.s32 $0x108;
	_ =	swait.ge @!p0 [sflag:s8], $0x0  }
0x24: {  	s3 =	sadd.s32 $0x88, s3;
	s6 =	simm.s32 @!p1 $0x1082;
	[sflag:s4] =	ssyncset.s32 $0xFFFFF086  }
0x25: {  	[simem:s6], [sflag:s4] =	dma.local [hbm:s3], $0xF7A  }
0x26: {  	[smem:$0x3F97] =	sst s1;
	(tag) =	ssettag s2;
	_ =	strace s9  }
0x27: {  	s1 =	sld [smem:$0x3FA7]  }
0x28: {  	s2 =	sld [smem:$0x3FA8]  }
0x29: {  	s4 =	sld [smem:$0x3FAA]  }
0x2a: {  	p0 =	seq.s32 s5, $0x0;
	s5 =	sld [smem:$0x3FAB]  }
0x2b: {  	s6 =	sld [smem:$0x3FAC]  }
0x2c: {  	s7 =	sld [smem:$0x3FAD]  }
0x2d: {  	s3 =	simm.s32 $0x108;
	s8 =	sld [smem:$0x3FAE]  }
0x2e: {  	s3 =	simm.s32 @!p0 $0x1082;
	s9 =	sld [smem:$0x3FAF]  }
0x2f: {  	lr =	sadd.s32 s0, s3;
	s0 =	sld [smem:$0x3FA6]  }
0x30: {  	s3 =	sld [smem:$0x3FA9]  }
0x31: {  	[smem:$0x3FB2] =	sst s10  }
0x32: {  	s10 =	sld [smem:$0x3FB0];
	_ =	sdelay $0x3  }
0x33: {  	p0 =	seq.s32 s10, $0x1;
	s10 =	sld [smem:$0x3FB2];
	_ =	sdelay $0x3  }
0x34: {  	[smem:$0x3FB2] =	sst s10  }
0x35: {  	s10 =	sld [smem:$0x3FB1];
	_ =	sdelay $0x3  }
0x36: {  	p1 =	seq.s32 s10, $0x1;
	s10 =	sld [smem:$0x3FB2];
	_ =	sdelay $0x3  }
0x37: {  	[smem:$0x3FB2] =	sst s10  }
0x38: {  	s10 =	sld [smem:$0x3FB3]  }
0x39: {  	_ = 	snop;
	(pc) =	sbr.ind lr, $3  }
0x3a: {  	_ = 	snop  }
0x3b: {  	_ = 	snop  }
0x3c: {  	p2 =	seq.s32 s10, $0x1;
	s10 =	sld [smem:$0x3FB2]  }
0x3d: {  	_ =	shalt  }
0x3e: {  	_ =	shalt  }
0x3f: {  	_ =	shalt  }
0x40: {  	_ =	shalt  }
0x41: {  	_ =	shalt  }
0x42: {  	_ =	shalt  }
0x43: {  	_ =	shalt  }
0x44: {  	_ =	shalt  }
0x45: {  	_ =	shalt  }
0x46: {  	_ =	shalt  }
0x47: {  	_ =	shalt  }
0x48: {  	_ =	shalt  }
0x49: {  	_ =	shalt  }
0x4a: {  	_ =	shalt  }
0x4b: {  	_ =	shalt  }
0x4c: {  	_ =	shalt  }
0x4d: {  	_ =	shalt  }
0x4e: {  	_ =	shalt  }
0x4f: {  	_ =	shalt  }
0x50: {  	_ =	shalt  }
0x51: {  	_ =	shalt  }
0x52: {  	_ =	shalt  }
0x53: {  	_ =	shalt  }
0x54: {  	_ =	shalt  }
0x55: {  	_ =	shalt  }
0x56: {  	_ =	shalt  }
0x57: {  	_ =	shalt  }
0x58: {  	_ =	shalt  }
0x59: {  	_ =	shalt  }
0x5a: {  	_ =	shalt  }
0x5b: {  	_ =	shalt  }
0x5c: {  	_ =	shalt  }
0x5d: {  	_ =	shalt  }
0x5e: {  	_ =	shalt  }
0x5f: {  	_ =	shalt  }
0x60: {  	_ =	shalt  }
0x61: {  	_ =	shalt  }
0x62: {  	_ =	shalt  }
0x63: {  	_ =	shalt  }
0x64: {  	_ =	shalt  }
0x65: {  	_ =	shalt  }
0x66: {  	_ =	shalt  }
0x67: {  	_ =	shalt  }
0x68: {  	_ =	shalt  }
0x69: {  	_ =	shalt  }
0x6a: {  	_ =	shalt  }
0x6b: {  	_ =	shalt  }
0x6c: {  	_ =	shalt  }
0x6d: {  	_ =	shalt  }
0x6e: {  	_ =	shalt  }
0x6f: {  	_ =	shalt  }
0x70: {  	_ =	shalt  }
0x71: {  	_ =	shalt  }
0x72: {  	_ =	shalt  }
0x73: {  	_ =	shalt  }
0x74: {  	_ =	shalt  }
0x75: {  	_ =	shalt  }
0x76: {  	_ =	shalt  }
0x77: {  	_ =	shalt  }
0x78: {  	_ =	shalt  }
0x79: {  	_ =	shalt  }
0x7a: {  	_ =	shalt  }
0x7b: {  	_ =	shalt  }
0x7c: {  	_ =	shalt  }
0x7d: {  	_ =	shalt  }
0x7e: {  	_ =	shalt  }
0x7f: {  	_ =	shalt  }
0x80: {  	_ =	shalt  }
0x81: {  	_ =	shalt  }
0x82: {  	_ =	shalt  }
0x83: {  	_ =	shalt  }
0x84: {  	_ =	shalt  }
0x85: {  	_ =	shalt  }
0x86: {  	_ =	shalt  }
0x87: {  	_ =	shalt  }
.Lfunc_end0:
.L_simem_size_0:
called_computation_lowered:
.L_overlay_start_0:
0x88: {  	s2 =	sld [smem:$0x3FD9]  }
0x89: {  	s3 =	sld [smem:$0x3FFE];
	_ =	sdelay $0x1  }
0x8a: {  	s1 =	srdreg.scid  }
0x8b: {  	s0 =	sand.u32 $0x1, s1  }
0x8c: {  	s17 =	sshll.u32 s0, $0xA;
	s2 =	sadd.s32 s3, s2  }
0x8d: {  	s2 =	sadd.s32 s2, s17  }
0x8e: {  	[smem:$0x3FBE] =	sst s2  }
0x8f: {  	_ = 	snop  }
0x90: {  	s2 =	sld [smem:$0x3FD0];
	(tm) =	ssettm $0x1  }
0x91: {  	s18 =	sld [smem:$0x3FFB];
	_ =	sdelay $0x3  }
0x92: {  	_ =	strace s18  }
0x93: {  	s3 =	sld [smem:$0x3FFC];
	_ =	sdelay $0x3  }
0x94: {  	_ =	strace s3  }
0x95: {  	s3 =	sld [smem:$0x3FFD];
	_ =	sdelay $0x3  }
0x96: {  	_ =	strace s3  }
0x97: {  	_ =	strace $0x8FFFFFFF  }
0x98: {  	s19 =	sld [smem:$0x3FDB];
	_ =	sdelay $0x1  }
0x99: {  	s4 =	simm.s32 $_scs_section_size  }
0x9a: {  	s5 =	simm.s32 $_size__tile_overlayer_lowered;
	s6 =	simm.s32 $_tile_overlayer_lowered  }
0x9b: {  	s22 =	simm.s32 $0x1BFF;
	s21 =	sshll.u32 s6, $0x1;
	s3 =	sadd.s32 s4, s19  }
0x9c: {  	s7 =	simm.s32 $0x0;
	s20 =	sshll.u32 s5, $0x1;
	s5 =	sadd.s32 s21, s3  }
0x9d: {  	[timem:s7], [sflag:s22] =	dma.local [hbm:s5], s20  }
0x9e: {  	_ =	swait.ge [sflag:s22], s20  }
0x9f: {  	s4 =	ssub.s32 $0x0, s20;
	[sflag:s22] =	ssyncset.done $0x0  }
0xa0: {  	[sflag:s22] =	ssyncadd.s32 s4;
	_ =	sdelay $0x1  }
0xa1: {  	s23 =	simm.s32 $0x1B8B  }
0xa2: {  	_ =	swait.ge [sflag:s23], $0x1  }
0xa3: {  	[sflag:s23] =	ssyncset.done $0x0  }
0xa4: {  	s25 =	simm.s32 $0x1B8E;
	s24 =	sld [smem:$0x3FFE];
	[sflag:s23] =	ssyncadd.s32 $0xFFFFFFFF  }
0xa5: {  	s26 =	simm.s32 $execute0_lowered;
	[smem:$0x3FD2] =	sst s25  }
0xa6: {  	s5 =	sshll.u32 s26, $0x1;
	_ =	strace $0x80000046;
	[dreg:$0x1] =	wrdreg $0xFFFFFFFF  }
0xa7: {  	s28 =	simm.s32 $_size_execute0_lowered;
	s3 =	sadd.s32 s3, s5;
	[dreg:$0x0] =	wrdreg $0x0  }
0xa8: {  	s5 =	sshll.u32 s28, $0x1;
	[dreg:$0x2] =	wrdreg s3  }
0xa9: {  	[dreg:$0x3] =	wrdreg s5  }
0xaa: {  	[dreg:$0x4] =	wrdreg $0xC0  }
0xab: {  	_ =	task [dreg:s7], $0x5FFFF  }
0xac: {  	[dreg:$0x1] =	wrdreg $0xFFFFFFFF  }
0xad: {  	[dreg:$0x0] =	wrdreg $0x60  }
0xae: {  	[dreg:$0x2] =	wrdreg s24  }
0xaf: {  	[dreg:$0x3] =	wrdreg s2  }
0xb0: {  	[dreg:$0x4] =	wrdreg $0x55000  }
0xb1: {  	[dreg:$0x5] =	wrdreg $0x9  }
0xb2: {  	_ =	task.clear_ibuf [dreg:s7], $0x6FFFF;
	_ =	strace $0x90000046  }
0xb3: {  	s29 =	simm.s32 $0x9;
	_ =	strace $0x80000048  }
0xb4: {  	_ =	swait.ge [sflag:s29], $0x1  }
0xb5: {  	[sflag:s29] =	ssyncadd.s32 $0xFFFFFFFF  }
0xb6: {  	_ =	strace $0x90000048  }
0xb7: {  	_ =	sfence  }
0xb8: {  	s30 =	sld [smem:$0x0];
	_ =	sdelay $0x2  }
0xb9: {  	s31 =	sshll.u32 s1, $0xD;
	s1 =	sshrl.u32 s1, $0x2  }
0xba: {  	s3 =	sand.u32 $0x4000, s31;
	s1 =	sadd.s32 s1, s30  }
0xbb: {  	s0 =	sor.u32 s3, s0;
	s1 =	sshll.u32 s1, $0x11  }
0xbc: {  	s0 =	sor.u32 s1, s0  }
0xbd: {  	s0 =	sadd.s32 $0x8F2B, s0  }
0xbe: {  	[sflag:s0] =	ssyncadd.remote.s32 $0x1  }
0xbf: {  	_ =	sfence.sel $0xFFFF  }
0xc0: {  	[dreg:$0x0] =	wrdreg $0xFFFFFFFF;
	(pc) =	sbr.abs _section_cstart, $3  }
0xc1: {  	[dreg:$0x1] =	wrdreg $0xFFFFFFFF  }
0xc2: {  	_ =	task.clear_ibuf [dreg:s7], $0x2FFFF;
	_ =	strace $0x9FFFFFFF  }
0xc3: {  	(tm) =	ssettm $0x7FFFFFFF  }
tec
execute0_lowered:
.L_overlay_start_1:
0x0: {  	(tag) =	ssettag $0x1  }
0x1: {  	s0 =	rddreg [dreg:$0x0]  }
0x2: {  	s4 =	stileid.u32;
	s20 =	rddreg [dreg:$0x1]  }
0x3: {  	s1 =	srdreg.scid;
	s2 =	rddreg [dreg:$0x2];
	s3 =	simm.s32 $0x0  }
0x4: {  	s28 =	simm.s32 $0x80;
	s29 =	simm.s32 $0x100;
	s21 =	smul.u32 $0x9E0, s4  }
0x5: {  	s30 =	simm.s32 $0x1;
	s31 =	simm.s32 $0x0;
	s6 =	smul.u32 $0x14000, s4  }
0x6: {  	s1 =	sand.u32 $0x1, s1;
	[smem:$0x7FF] =	sst s3;
	s7 =	smul.u32 $0x50000, s4  }
0x7: {  	s4 =	sadd.s32 $0xCC00, s0;
	s5 =	smul.u32 $0x140000, s1;
	_ =	strace $0x80000047  }
0x8: {  	s18 =	ssub.s32 $0x2, s1;
	s1 =	smul.u32 $0x4F0, s1;
	s22 =	sadd.s32 s21, s0  }
0x9: {  	s7 =	sshrl.u32 s7, $0x2;
	s9 =	sshrl.u32 s18, $0x1;
	s5 =	sadd.s32 s6, s5  }
0xa: {  	s23 =	ssub.s32 s18, s9;
	s26 =	sadd.s32 s1, s22;
	s8 =	sshrl.u32 s5, $0x3  }
0xb: {  	s5 =	sadd.s32 s7, s2;
	s22 =	smax.u32 s23, $0x1;
	s23 =	sadd.s32 $0x2E00, s26  }
0xc: {  	s26 =	simm.s32 $0x2;
	s0 =	sadd.s32 s8, s0;
	s19 =	sadd.s32 $0x1400, s5  }
0xd: {  	s24 =	sadd.s32 $0x2800, s5;
	s25 =	sadd.s32 $0x3C00, s5;
	s9 =	sadd.s32 $0x5000, s5  }
0xe: {  	s10 =	sadd.s32 $0x6400, s5;
	s11 =	sadd.s32 $0x7800, s5;
	s12 =	sadd.s32 $0x8C00, s5  }
0xf: {  	s13 =	sadd.s32 $0xA000, s5;
	s14 =	sadd.s32 $0xB400, s5;
	[dreg:$0x4] =	wrdreg s19  }
0x10: {  	s15 =	sadd.s32 $0xC800, s5;
	s16 =	sadd.s32 $0xDC00, s5;
	[dreg:$0x5] =	wrdreg s24  }
0x11: {  	s17 =	sadd.s32 $0xF000, s5;
	s18 =	sadd.s32 $0x10400, s5;
	[dreg:$0x6] =	wrdreg s25  }
0x12: {  	s19 =	sadd.s32 $0x11800, s5;
	s24 =	sadd.s32 s21, s20;
	s20 =	sadd.s32 $0x12C00, s5  }
0x13: {  	v0 =	vimm.f32 $0.0e+00;
	s21 =	sadd.s32 $0x33E00, s0;
	s25 =	simm.s32 $0x4100;
	s24 =	sadd.s32 s1, s24  }
.LBB2_1:
0x14: {  	s1 =	simm.s32 $0x0;
	s0 =	simm.s32 $0x200  }
.LBB2_2:
0x15: {  	p0 =	sne.s32 s0, $0x4E00;
	[tilespmem:s1+$0x4170] =	vst v0  }
0x16: {  	[tilespmem:s1+$0x4100] =	vst v0  }
0x17: {  	[tilespmem:s1+$0x4110] =	vst v0  }
.Ltmp0:
0x18: {  	[tilespmem:s1+$0x4120] =	vst v0;
	(pc) =	sbr.rel @p0 .LBB2_2-.Ltmp0, $4  }
0x19: {  	[tilespmem:s1+$0x4130] =	vst v0  }
0x1a: {  	[tilespmem:s1+$0x4140] =	vst v0  }
0x1b: {  	[tilespmem:s1+$0x4150] =	vst v0  }
0x1c: {  	[tilespmem:s1+$0x4160] =	vst v0;
	s1 =	sshra.s32 s0, $0x2;
	s0 =	sadd.s32 $0x200, s0  }
0x1d: {  	[tilespmem:s1+$0x4170] =	vst v0  }
0x1e: {  	[tilespmem:s1+$0x4100] =	vst v0  }
0x1f: {  	[tilespmem:s1+$0x4110] =	vst v0  }
0x20: {  	[tilespmem:s1+$0x4120] =	vst v0  }
0x21: {  	[tilespmem:s1+$0x4130] =	vst v0  }
0x22: {  	[tilespmem:s1+$0x4140] =	vst v0  }
0x23: {  	[tilespmem:s1+$0x4150] =	vst v0  }
0x24: {  	[tilespmem:s1+$0x4160] =	vst v0  }
0x25: {  	[spmem:s5] =	stream.linear.scatter [tilespmem:s25], [sflag:$0x2], $0x1400, $0x38;
	[tilespmem:$0x19500] =	vst v63  }
0x26: {  	_ =	swait.ge [sflag:s26], $0x1400  }
0x27: {  	[sflag:s26] =	ssyncset.done $0x0  }
0x28: {  	s0 =	rddreg [dreg:$0x4];
	[sflag:s26] =	ssyncadd.s32 $0xFFFFEC00  }
0x29: {  	[spmem:s0] =	stream.linear.scatter [tilespmem:s25], [sflag:$0x2], $0x1400, $0x38;
	[tilespmem:$0x19500] =	vst v63  }
0x2a: {  	_ =	swait.ge [sflag:s26], $0x1400  }
0x2b: {  	[sflag:s26] =	ssyncset.done $0x0  }
0x2c: {  	s1 =	rddreg [dreg:$0x5];
	[sflag:s26] =	ssyncadd.s32 $0xFFFFEC00  }
0x2d: {  	[spmem:s1] =	stream.linear.scatter [tilespmem:s25], [sflag:$0x2], $0x1400, $0x38;
	[tilespmem:$0x19500] =	vst v63  }
0x2e: {  	_ =	swait.ge [sflag:s26], $0x1400  }
0x2f: {  	[sflag:s26] =	ssyncset.done $0x0  }
0x30: {  	s6 =	rddreg [dreg:$0x6];
	[sflag:s26] =	ssyncadd.s32 $0xFFFFEC00  }
0x31: {  	[spmem:s6] =	stream.linear.scatter [tilespmem:s25], [sflag:$0x2], $0x1400, $0x38;
	[tilespmem:$0x19500] =	vst v63  }
0x32: {  	_ =	swait.ge [sflag:s26], $0x1400  }
0x33: {  	[sflag:s26] =	ssyncset.done $0x0  }
0x34: {  	[sflag:s26] =	ssyncadd.s32 $0xFFFFEC00  }
0x35: {  	[spmem:s9] =	stream.linear.scatter [tilespmem:s25], [sflag:$0x2], $0x1400, $0x38;
	[tilespmem:$0x19500] =	vst v63  }
0x36: {  	_ =	swait.ge [sflag:s26], $0x1400  }
0x37: {  	[sflag:s26] =	ssyncset.done $0x0  }
0x38: {  	[sflag:s26] =	ssyncadd.s32 $0xFFFFEC00  }
0x39: {  	[spmem:s10] =	stream.linear.scatter [tilespmem:s25], [sflag:$0x2], $0x1400, $0x38;
	[tilespmem:$0x19500] =	vst v63  }
0x3a: {  	_ =	swait.ge [sflag:s26], $0x1400  }
0x3b: {  	[sflag:s26] =	ssyncset.done $0x0  }
0x3c: {  	[sflag:s26] =	ssyncadd.s32 $0xFFFFEC00  }
0x3d: {  	[spmem:s11] =	stream.linear.scatter [tilespmem:s25], [sflag:$0x2], $0x1400, $0x38;
	[tilespmem:$0x19500] =	vst v63  }
0x3e: {  	_ =	swait.ge [sflag:s26], $0x1400  }
0x3f: {  	[sflag:s26] =	ssyncset.done $0x0  }
0x40: {  	[sflag:s26] =	ssyncadd.s32 $0xFFFFEC00  }
0x41: {  	[spmem:s12] =	stream.linear.scatter [tilespmem:s25], [sflag:$0x2], $0x1400, $0x38;
	[tilespmem:$0x19500] =	vst v63  }
0x42: {  	_ =	swait.ge [sflag:s26], $0x1400  }
0x43: {  	[sflag:s26] =	ssyncset.done $0x0  }
0x44: {  	[sflag:s26] =	ssyncadd.s32 $0xFFFFEC00  }
0x45: {  	[spmem:s13] =	stream.linear.scatter [tilespmem:s25], [sflag:$0x2], $0x1400, $0x38;
	[tilespmem:$0x19500] =	vst v63  }
0x46: {  	_ =	swait.ge [sflag:s26], $0x1400  }
0x47: {  	[sflag:s26] =	ssyncset.done $0x0  }
0x48: {  	[sflag:s26] =	ssyncadd.s32 $0xFFFFEC00  }
0x49: {  	[spmem:s14] =	stream.linear.scatter [tilespmem:s25], [sflag:$0x2], $0x1400, $0x38;
	[tilespmem:$0x19500] =	vst v63  }
0x4a: {  	_ =	swait.ge [sflag:s26], $0x1400  }
0x4b: {  	[sflag:s26] =	ssyncset.done $0x0  }
0x4c: {  	[sflag:s26] =	ssyncadd.s32 $0xFFFFEC00  }
0x4d: {  	[spmem:s15] =	stream.linear.scatter [tilespmem:s25], [sflag:$0x2], $0x1400, $0x38;
	[tilespmem:$0x19500] =	vst v63  }
0x4e: {  	_ =	swait.ge [sflag:s26], $0x1400  }
0x4f: {  	[sflag:s26] =	ssyncset.done $0x0  }
0x50: {  	[sflag:s26] =	ssyncadd.s32 $0xFFFFEC00  }
0x51: {  	[spmem:s16] =	stream.linear.scatter [tilespmem:s25], [sflag:$0x2], $0x1400, $0x38;
	[tilespmem:$0x19500] =	vst v63  }
0x52: {  	_ =	swait.ge [sflag:s26], $0x1400  }
0x53: {  	[sflag:s26] =	ssyncset.done $0x0  }
0x54: {  	[sflag:s26] =	ssyncadd.s32 $0xFFFFEC00  }
0x55: {  	[spmem:s17] =	stream.linear.scatter [tilespmem:s25], [sflag:$0x2], $0x1400, $0x38;
	[tilespmem:$0x19500] =	vst v63  }
0x56: {  	_ =	swait.ge [sflag:s26], $0x1400  }
0x57: {  	[sflag:s26] =	ssyncset.done $0x0  }
0x58: {  	[sflag:s26] =	ssyncadd.s32 $0xFFFFEC00  }
0x59: {  	[spmem:s18] =	stream.linear.scatter [tilespmem:s25], [sflag:$0x2], $0x1400, $0x38;
	[tilespmem:$0x19500] =	vst v63  }
0x5a: {  	_ =	swait.ge [sflag:s26], $0x1400  }
0x5b: {  	[sflag:s26] =	ssyncset.done $0x0  }
0x5c: {  	[sflag:s26] =	ssyncadd.s32 $0xFFFFEC00  }
0x5d: {  	[spmem:s19] =	stream.linear.scatter [tilespmem:s25], [sflag:$0x2], $0x1400, $0x38;
	[tilespmem:$0x19500] =	vst v63  }
0x5e: {  	_ =	swait.ge [sflag:s26], $0x1400  }
0x5f: {  	[sflag:s26] =	ssyncset.done $0x0  }
0x60: {  	[sflag:s26] =	ssyncadd.s32 $0xFFFFEC00  }
0x61: {  	[spmem:s20] =	stream.linear.scatter [tilespmem:s25], [sflag:$0x2], $0x1400, $0x38;
	[tilespmem:$0x19500] =	vst v63  }
0x62: {  	_ =	swait.ge [sflag:s26], $0x1400  }
0x63: {  	[sflag:s26] =	ssyncset.done $0x0  }
0x64: {  	[sflag:s26] =	ssyncadd.s32 $0xFFFFEC00  }
0x65: {  	s7 =	sadd.s32 $0x0, s23;
	[bflag:$0x0] =	sbarrier.arrive $0xFFFF  }
0x66: {  	[tilespmem:s3], [sflag:$0x2] =	stream.linear.gather [hbm4b:s7+s3], $0x80, $0x38;
	[tilespmem:$0x19500] =	vst v63  }
0x67: {  	_ =	swait.ge [sflag:s26], $0x80  }
0x68: {  	[sflag:s26] =	ssyncset.done $0x0  }
0x69: {  	[sflag:s26] =	ssyncadd.s32 $0xFFFFFF80  }
0x6a: {  	[tilespmem:s29], [sflag:$0x1] =	stream.indirect.gather [hbm4b:s4+s28], $0x80, s3, s28, $0xb8;
	[tilespmem:$0x19500] =	vst v63  }
0x6b: {  	s8 =	sadd.s32 $0x0, s24  }
0x6c: {  	[tilespmem:s28], [sflag:$0x2] =	stream.linear.gather [hbm4b:s8+s3], $0x80, $0x38;
	[tilespmem:$0x19500] =	vst v63  }
0x6d: {  	_ =	swait.ge [sflag:s26], $0x80  }
0x6e: {  	[sflag:s26] =	ssyncset.done $0x0  }
0x6f: {  	[sflag:s26] =	ssyncadd.s32 $0xFFFFFF80  }
0x70: {  	_ =	swait.ge [sflag:s30], $0x4000  }
0x71: {  	[sflag:s30] =	ssyncset.done $0x0  }
0x72: {  	[sflag:s30] =	ssyncadd.s32 $0xFFFFC000  }
0x73: {  	[spmem:s2] =	stream.indirect.scatter.add.f32 [tilespmem:s29], [sflag:$0x2], $0x80, s28, s28, $0xb8;
	[tilespmem:$0x19500] =	vst v63  }
0x74: {  	_ =	swait.ge [sflag:s26], $0x4000  }
0x75: {  	s0 =	simm.s32 $0x20;
	s1 =	simm.s32 $0x10;
	[sflag:s26] =	ssyncset.done $0x0  }
.LBB2_4:
0x76: {  	s6 =	sadd.s32 s1, s23  }
0x77: {  	[sflag:s26] =	ssyncadd.s32 $0xFFFFC000;
	s7 =	smov.u32 s0;
	s8 =	sadd.s32 $0x10, s0  }
0x78: {  	[tilespmem:s3], [sflag:$0x2] =	stream.linear.gather [hbm4b:s6+s3], $0x80, $0x38;
	[tilespmem:$0x19500] =	vst v63  }
0x79: {  	p0 =	sne.s32 s0, $0x4E0;
	_ =	swait.ge [sflag:s26], $0x80  }
0x7a: {  	[sflag:s26] =	ssyncset.done $0x0  }
0x7b: {  	[sflag:s26] =	ssyncadd.s32 $0xFFFFFF80  }
0x7c: {  	[tilespmem:s29], [sflag:$0x1] =	stream.indirect.gather [hbm4b:s4+s28], $0x80, s3, s28, $0xb8;
	[tilespmem:$0x19500] =	vst v63  }
0x7d: {  	s0 =	sadd.s32 s1, s24;
	s1 =	smov.u32 s7  }
0x7e: {  	[tilespmem:s28], [sflag:$0x2] =	stream.linear.gather [hbm4b:s0+s3], $0x80, $0x38;
	[tilespmem:$0x19500] =	vst v63  }
0x7f: {  	_ =	swait.ge [sflag:s26], $0x80  }
0x80: {  	[sflag:s26] =	ssyncset.done $0x0  }
0x81: {  	[sflag:s26] =	ssyncadd.s32 $0xFFFFFF80  }
0x82: {  	_ =	swait.ge [sflag:s30], $0x4000  }
.Ltmp1:
0x83: {  	[sflag:s30] =	ssyncset.done $0x0;
	(pc) =	sbr.rel @p0 .LBB2_4-.Ltmp1, $4  }
0x84: {  	[sflag:s30] =	ssyncadd.s32 $0xFFFFC000  }
0x85: {  	[spmem:s2] =	stream.indirect.scatter.add.f32 [tilespmem:s29], [sflag:$0x2], $0x80, s28, s28, $0xb8;
	[tilespmem:$0x19500] =	vst v63  }
0x86: {  	_ =	swait.ge [sflag:s26], $0x4000  }
0x87: {  	s0 =	smov.u32 s8;
	[sflag:s26] =	ssyncset.done $0x0  }
0x88: {  	s0 =	sadd.s32 s1, s23;
	[sflag:s26] =	ssyncadd.s32 $0xFFFFC000  }
0x89: {  	[tilespmem:s3], [sflag:$0x2] =	stream.linear.gather [hbm4b:s0+s3], $0x80, $0x38;
	[tilespmem:$0x19500] =	vst v63  }
0x8a: {  	_ =	swait.ge [sflag:s26], $0x80  }
0x8b: {  	[sflag:s26] =	ssyncset.done $0x0  }
0x8c: {  	[sflag:s26] =	ssyncadd.s32 $0xFFFFFF80  }
0x8d: {  	[tilespmem:s29], [sflag:$0x1] =	stream.indirect.gather [hbm4b:s4+s28], $0x80, s3, s28, $0xb8;
	[tilespmem:$0x19500] =	vst v63  }
0x8e: {  	s6 =	sadd.s32 s1, s24  }
0x8f: {  	[tilespmem:s28], [sflag:$0x2] =	stream.linear.gather [hbm4b:s6+s3], $0x80, $0x38;
	[tilespmem:$0x19500] =	vst v63  }
0x90: {  	_ =	swait.ge [sflag:s26], $0x80  }
0x91: {  	[sflag:s26] =	ssyncset.done $0x0  }
0x92: {  	[sflag:s26] =	ssyncadd.s32 $0xFFFFFF80  }
0x93: {  	_ =	swait.ge [sflag:s30], $0x4000  }
0x94: {  	[sflag:s30] =	ssyncset.done $0x0  }
0x95: {  	[sflag:s30] =	ssyncadd.s32 $0xFFFFC000  }
0x96: {  	[spmem:s2] =	stream.indirect.scatter.add.f32 [tilespmem:s29], [sflag:$0x2], $0x80, s28, s28, $0xb8;
	[tilespmem:$0x19500] =	vst v63  }
0x97: {  	s7 =	stileid.u32;
	_ =	swait.ge [sflag:s26], $0x4000  }
0x98: {  	s8 =	sshrl.u32 s5, $0x3;
	s31 =	sadd.s32 $0x1, s31;
	[sflag:s26] =	ssyncset.done $0x0  }
0x99: {  	s0 =	sshll.u32 s7, $0x6;
	p0 =	sne.s32 s31, s22;
	[sflag:s26] =	ssyncadd.s32 $0xFFFFC000  }
.Ltmp2:
0x9a: {  	s0 =	sor.u32 $0x1C02, s0;
	[bflag:$0x0] =	sbarrier.arrive $0xFFFF;
	(pc) =	sbr.rel @p0 .LBB2_1-.Ltmp2, $4  }
0x9b: {  	[hbm:s21], [sflag:s0] =	dma.local [spmem:s8], $0x2800  }
0x9c: {  	_ =	swait.ge [sflag:s26], $0x2800  }
0x9d: {  	[sflag:s26] =	ssyncset.done $0x0  }
0x9e: {  	[sflag:s26] =	ssyncadd.s32 $0xFFFFD800  }
0x9f: {  	_ =	sfence.sel $0x180000  }
0xa0: {  	[bflag:$0x0] =	sbarrier.arrive $0xFFFF  }
0xa1: {  	_ =	strace $0x90000047  }
0xa2: {  	s0 =	stileid.u32;
	[bflag:$0x2] =	sbarrier.arrive $0xFFFF  }
0xa3: {  	p0 =	sne.s32 s0, $0x0;
	s0 =	rddreg [dreg:$0x3]  }
0xa4: {  	s0 =	sadd.s32 @!p0 $0x100000, s0  }
0xa5: {  	[sflag:s0] =	ssyncadd.tile.s32 @!p0 $0x1;
	_ =	shalt  }
.Lfunc_end2:
_tile_overlayer_lowered:
.L_overlay_start_2:
0xa6: {  	(tag) =	ssettag $0x2  }
0xa7: {  	s0 =	rddreg [dreg:$0x0];
	s2 =	stileid.u32  }
0xa8: {  	s1 =	rddreg [dreg:$0x1];
	p0 =	sne.s32 s2, $0x0  }
0xa9: {  	s3 =	rddreg [dreg:$0x2];
	[bflag:$0x3] =	sbarrier.arrive $0xFFFF;
	s2 =	simm.s32 @!p0 $0x1C02  }
0xaa: {  	[timem:s3], [sflag:s2] =	dma.local @!p0 [hbm:s0], s1  }
0xab: {  	s0 =	simm.s32 @!p0 $0x2  }
0xac: {  	_ =	swait.ge @!p0 [sflag:s0], s1  }
0xad: {  	s1 =	ssub.s32 @!p0 $0x0, s1;
	[sflag:s0] =	ssyncset.done @!p0 $0x0  }
0xae: {  	[sflag:s0] =	ssyncadd.s32 @!p0 s1  }
0xaf: {  	[bflag:$0x3] =	sbarrier.arrive $0xFFFF  }
0xb0: {  	_ =	shalt  }

// kernel: kernel.14.cloned.1.call-start
scs
__scs_entry_jumppad:
0x0: {  	(pc) =	sbr.rel $0x88, $3  }
0x1: {  	(tag) =	ssettag $0x0;
	lr =	simm.s32 $0x1  }
0x2: {  	[smem:$0x3F97] =	sst lr;
	_ =	strace $0xD0000000  }
0x3: {  	_ = 	snop  }
0x4: {  	_ = 	snop  }
0x5: {  	_ = 	snop  }
0x6: {  	_ = 	snop  }
0x7: {  	_ = 	snop  }
__scs_overlays_trampoline_lowered:
0x8: {  	[smem:$0x3FA6] =	sst s0  }
0x9: {  	[smem:$0x3FA7] =	sst s1  }
0xa: {  	[smem:$0x3FA8] =	sst s2  }
0xb: {  	[smem:$0x3FA9] =	sst s3  }
0xc: {  	[smem:$0x3FAA] =	sst s4  }
0xd: {  	[smem:$0x3FAB] =	sst s5  }
0xe: {  	[smem:$0x3FAC] =	sst s6  }
0xf: {  	[smem:$0x3FAD] =	sst s7  }
0x10: {  	[smem:$0x3FAE] =	sst s8  }
0x11: {  	[smem:$0x3FAF] =	sst s9;
	s0 =	simm.s32 @!p0 $0x0  }
0x12: {  	s1 =	sld [smem:$0x3F95];
	s0 =	simm.s32 @p0 $0x1  }
0x13: {  	[smem:$0x3FB0] =	sst s0;
	s0 =	simm.s32 @!p1 $0x0  }
0x14: {  	s2 =	sld [smem:$0x3F94];
	s0 =	simm.s32 @p1 $0x1  }
0x15: {  	[smem:$0x3FB1] =	sst s0;
	s0 =	simm.s32 @!p2 $0x0  }
0x16: {  	s3 =	sld [smem:$0x3FDB];
	s0 =	simm.s32 @p2 $0x1  }
0x17: {  	s4 =	simm.s32 $0x1BF5;
	[smem:$0x3FB3] =	sst s0  }
0x18: {  	s0 =	sld [smem:$0x3F96];
	_ =	swait.ge [sflag:s4], $0x0  }
0x19: {  	s7 =	sld [smem:$0x3F97]  }
0x1a: {  	s8 =	sadd.s32 $0xFFFFE003, lr  }
0x1b: {  	s9 =	sadd.s32 $0xFFFFFEF7, lr;
	s5 =	simm.s32 $0xFFFFFFFF;
	p2 =	slt.u32 s8, $0xFFFFF086  }
0x1c: {  	p1 =	slt.u32 s9, $0xF7A;
	s5 =	simm.s32 @!p2 $0x0  }
0x1d: {  	s5 =	simm.s32 @p1 $0x1;
	p0 =	seq.s32 s7, s2  }
0x1e: {  	s7 =	smul.u32 @!p0 $0xF7A, s2;
	p2 =	seq.s32 @!p0 s5, $0x0  }
0x1f: {  	s9 =	smul.u32 $0xF7A, s1;
	s8 =	simm.s32 @!p0 $0x1BF5;
	p2 =	por !p2, p0  }
0x20: {  	[sflag:s8] =	ssyncset.s32 @!p0 $0xFFFFF086;
	s6 =	sadd.s32 @!p0 s3, s7;
	s7 =	simm.s32 @!p0 $0x108  }
0x21: {  	s3 =	sadd.s32 s3, s9;
	s6 =	sadd.s32 @!p0 $0x88, s6;
	s7 =	simm.s32 @p2 $0x1082  }
0x22: {  	[simem:s7], [sflag:s8] =	dma.local @!p0 [hbm:s6], $0xF7A  }
0x23: {  	s9 =	sor.u32 $0xD0000000, s2;
	s6 =	simm.s32 $0x108;
	_ =	swait.ge @!p0 [sflag:s8], $0x0  }
0x24: {  	s3 =	sadd.s32 $0x88, s3;
	s6 =	simm.s32 @!p1 $0x1082;
	[sflag:s4] =	ssyncset.s32 $0xFFFFF086  }
0x25: {  	[simem:s6], [sflag:s4] =	dma.local [hbm:s3], $0xF7A  }
0x26: {  	[smem:$0x3F97] =	sst s1;
	(tag) =	ssettag s2;
	_ =	strace s9  }
0x27: {  	s1 =	sld [smem:$0x3FA7]  }
0x28: {  	s2 =	sld [smem:$0x3FA8]  }
0x29: {  	s4 =	sld [smem:$0x3FAA]  }
0x2a: {  	p0 =	seq.s32 s5, $0x0;
	s5 =	sld [smem:$0x3FAB]  }
0x2b: {  	s6 =	sld [smem:$0x3FAC]  }
0x2c: {  	s7 =	sld [smem:$0x3FAD]  }
0x2d: {  	s3 =	simm.s32 $0x108;
	s8 =	sld [smem:$0x3FAE]  }
0x2e: {  	s3 =	simm.s32 @!p0 $0x1082;
	s9 =	sld [smem:$0x3FAF]  }
0x2f: {  	lr =	sadd.s32 s0, s3;
	s0 =	sld [smem:$0x3FA6]  }
0x30: {  	s3 =	sld [smem:$0x3FA9]  }
0x31: {  	[smem:$0x3FB2] =	sst s10  }
0x32: {  	s10 =	sld [smem:$0x3FB0];
	_ =	sdelay $0x3  }
0x33: {  	p0 =	seq.s32 s10, $0x1;
	s10 =	sld [smem:$0x3FB2];
	_ =	sdelay $0x3  }
0x34: {  	[smem:$0x3FB2] =	sst s10  }
0x35: {  	s10 =	sld [smem:$0x3FB1];
	_ =	sdelay $0x3  }
0x36: {  	p1 =	seq.s32 s10, $0x1;
	s10 =	sld [smem:$0x3FB2];
	_ =	sdelay $0x3  }
0x37: {  	[smem:$0x3FB2] =	sst s10  }
0x38: {  	s10 =	sld [smem:$0x3FB3]  }
0x39: {  	_ = 	snop;
	(pc) =	sbr.ind lr, $3  }
0x3a: {  	_ = 	snop  }
0x3b: {  	_ = 	snop  }
0x3c: {  	p2 =	seq.s32 s10, $0x1;
	s10 =	sld [smem:$0x3FB2]  }
0x3d: {  	_ =	shalt  }
0x3e: {  	_ =	shalt  }
0x3f: {  	_ =	shalt  }
0x40: {  	_ =	shalt  }
0x41: {  	_ =	shalt  }
0x42: {  	_ =	shalt  }
0x43: {  	_ =	shalt  }
0x44: {  	_ =	shalt  }
0x45: {  	_ =	shalt  }
0x46: {  	_ =	shalt  }
0x47: {  	_ =	shalt  }
0x48: {  	_ =	shalt  }
0x49: {  	_ =	shalt  }
0x4a: {  	_ =	shalt  }
0x4b: {  	_ =	shalt  }
0x4c: {  	_ =	shalt  }
0x4d: {  	_ =	shalt  }
0x4e: {  	_ =	shalt  }
0x4f: {  	_ =	shalt  }
0x50: {  	_ =	shalt  }
0x51: {  	_ =	shalt  }
0x52: {  	_ =	shalt  }
0x53: {  	_ =	shalt  }
0x54: {  	_ =	shalt  }
0x55: {  	_ =	shalt  }
0x56: {  	_ =	shalt  }
0x57: {  	_ =	shalt  }
0x58: {  	_ =	shalt  }
0x59: {  	_ =	shalt  }
0x5a: {  	_ =	shalt  }
0x5b: {  	_ =	shalt  }
0x5c: {  	_ =	shalt  }
0x5d: {  	_ =	shalt  }
0x5e: {  	_ =	shalt  }
0x5f: {  	_ =	shalt  }
0x60: {  	_ =	shalt  }
0x61: {  	_ =	shalt  }
0x62: {  	_ =	shalt  }
0x63: {  	_ =	shalt  }
0x64: {  	_ =	shalt  }
0x65: {  	_ =	shalt  }
0x66: {  	_ =	shalt  }
0x67: {  	_ =	shalt  }
0x68: {  	_ =	shalt  }
0x69: {  	_ =	shalt  }
0x6a: {  	_ =	shalt  }
0x6b: {  	_ =	shalt  }
0x6c: {  	_ =	shalt  }
0x6d: {  	_ =	shalt  }
0x6e: {  	_ =	shalt  }
0x6f: {  	_ =	shalt  }
0x70: {  	_ =	shalt  }
0x71: {  	_ =	shalt  }
0x72: {  	_ =	shalt  }
0x73: {  	_ =	shalt  }
0x74: {  	_ =	shalt  }
0x75: {  	_ =	shalt  }
0x76: {  	_ =	shalt  }
0x77: {  	_ =	shalt  }
0x78: {  	_ =	shalt  }
0x79: {  	_ =	shalt  }
0x7a: {  	_ =	shalt  }
0x7b: {  	_ =	shalt  }
0x7c: {  	_ =	shalt  }
0x7d: {  	_ =	shalt  }
0x7e: {  	_ =	shalt  }
0x7f: {  	_ =	shalt  }
0x80: {  	_ =	shalt  }
0x81: {  	_ =	shalt  }
0x82: {  	_ =	shalt  }
0x83: {  	_ =	shalt  }
0x84: {  	_ =	shalt  }
0x85: {  	_ =	shalt  }
0x86: {  	_ =	shalt  }
0x87: {  	_ =	shalt  }
.Lfunc_end0:
.L_simem_size_0:
called_computation.1_lowered:
.L_overlay_start_0:
0x88: {  	s2 =	sld [smem:$0x3FD9]  }
0x89: {  	s3 =	sld [smem:$0x3FFE];
	_ =	sdelay $0x1  }
0x8a: {  	s1 =	srdreg.scid  }
0x8b: {  	s0 =	sand.u32 $0x1, s1  }
0x8c: {  	s17 =	sshll.u32 s0, $0xA;
	s2 =	sadd.s32 s3, s2  }
0x8d: {  	s2 =	sadd.s32 s2, s17  }
0x8e: {  	[smem:$0x3FBE] =	sst s2  }
0x8f: {  	_ = 	snop  }
0x90: {  	s2 =	sld [smem:$0x3FD0];
	(tm) =	ssettm $0x1  }
0x91: {  	s18 =	sld [smem:$0x3FFB];
	_ =	sdelay $0x3  }
0x92: {  	_ =	strace s18  }
0x93: {  	s3 =	sld [smem:$0x3FFC];
	_ =	sdelay $0x3  }
0x94: {  	_ =	strace s3  }
0x95: {  	s3 =	sld [smem:$0x3FFD];
	_ =	sdelay $0x3  }
0x96: {  	_ =	strace s3  }
0x97: {  	_ =	strace $0x8FFFFFFF  }
0x98: {  	s19 =	sld [smem:$0x3FDB];
	_ =	sdelay $0x1  }
0x99: {  	s4 =	simm.s32 $_scs_section_size  }
0x9a: {  	s5 =	simm.s32 $_size__tile_overlayer_lowered;
	s6 =	simm.s32 $_tile_overlayer_lowered  }
0x9b: {  	s22 =	simm.s32 $0x1BFF;
	s21 =	sshll.u32 s6, $0x1;
	s3 =	sadd.s32 s4, s19  }
0x9c: {  	s7 =	simm.s32 $0x0;
	s20 =	sshll.u32 s5, $0x1;
	s5 =	sadd.s32 s21, s3  }
0x9d: {  	[timem:s7], [sflag:s22] =	dma.local [hbm:s5], s20  }
0x9e: {  	_ =	swait.ge [sflag:s22], s20  }
0x9f: {  	s4 =	ssub.s32 $0x0, s20;
	[sflag:s22] =	ssyncset.done $0x0  }
0xa0: {  	[sflag:s22] =	ssyncadd.s32 s4;
	_ =	sdelay $0x1  }
0xa1: {  	s23 =	simm.s32 $0x1B8B  }
0xa2: {  	_ =	swait.ge [sflag:s23], $0x1  }
0xa3: {  	[sflag:s23] =	ssyncset.done $0x0  }
0xa4: {  	s25 =	simm.s32 $0x1B8E;
	s24 =	sld [smem:$0x3FFE];
	[sflag:s23] =	ssyncadd.s32 $0xFFFFFFFF  }
0xa5: {  	s26 =	simm.s32 $execute0_lowered;
	[smem:$0x3FD2] =	sst s25  }
0xa6: {  	s5 =	sshll.u32 s26, $0x1;
	_ =	strace $0x80000049;
	[dreg:$0x1] =	wrdreg $0xFFFFFFFF  }
0xa7: {  	s28 =	simm.s32 $_size_execute0_lowered;
	s3 =	sadd.s32 s3, s5;
	[dreg:$0x0] =	wrdreg $0x0  }
0xa8: {  	s5 =	sshll.u32 s28, $0x1;
	[dreg:$0x2] =	wrdreg s3  }
0xa9: {  	[dreg:$0x3] =	wrdreg s5  }
0xaa: {  	[dreg:$0x4] =	wrdreg $0xC0  }
0xab: {  	_ =	task [dreg:s7], $0x5FFFF  }
0xac: {  	[dreg:$0x1] =	wrdreg $0xFFFFFFFF  }
0xad: {  	[dreg:$0x0] =	wrdreg $0x60  }
0xae: {  	[dreg:$0x2] =	wrdreg s24  }
0xaf: {  	[dreg:$0x3] =	wrdreg s2  }
0xb0: {  	[dreg:$0x4] =	wrdreg $0x55000  }
0xb1: {  	[dreg:$0x5] =	wrdreg $0x9  }
0xb2: {  	_ =	task.clear_ibuf [dreg:s7], $0x6FFFF;
	_ =	strace $0x90000049  }
0xb3: {  	s29 =	simm.s32 $0x9;
	_ =	strace $0x8000004B  }
0xb4: {  	_ =	swait.ge [sflag:s29], $0x1  }
0xb5: {  	[sflag:s29] =	ssyncadd.s32 $0xFFFFFFFF  }
0xb6: {  	_ =	strace $0x9000004B  }
0xb7: {  	_ =	sfence  }
0xb8: {  	s30 =	sld [smem:$0x0];
	_ =	sdelay $0x2  }
0xb9: {  	s31 =	sshll.u32 s1, $0xD;
	s1 =	sshrl.u32 s1, $0x2  }
0xba: {  	s3 =	sand.u32 $0x4000, s31;
	s1 =	sadd.s32 s1, s30  }
0xbb: {  	s0 =	sor.u32 s3, s0;
	s1 =	sshll.u32 s1, $0x11  }
0xbc: {  	s0 =	sor.u32 s1, s0  }
0xbd: {  	s0 =	sadd.s32 $0x8F2B, s0  }
0xbe: {  	[sflag:s0] =	ssyncadd.remote.s32 $0x1  }
0xbf: {  	_ =	sfence.sel $0xFFFF  }
0xc0: {  	[dreg:$0x0] =	wrdreg $0xFFFFFFFF;
	(pc) =	sbr.abs _section_cstart, $3  }
0xc1: {  	[dreg:$0x1] =	wrdreg $0xFFFFFFFF  }
0xc2: {  	_ =	task.clear_ibuf [dreg:s7], $0x2FFFF;
	_ =	strace $0x9FFFFFFF  }
0xc3: {  	(tm) =	ssettm $0x7FFFFFFF  }
tec
execute0_lowered:
.L_overlay_start_1:
0x0: {  	(tag) =	ssettag $0x1  }
0x1: {  	s0 =	rddreg [dreg:$0x0]  }
0x2: {  	s4 =	stileid.u32;
	s20 =	rddreg [dreg:$0x1]  }
0x3: {  	s1 =	srdreg.scid;
	s2 =	rddreg [dreg:$0x2];
	s3 =	simm.s32 $0x0  }
0x4: {  	s28 =	simm.s32 $0x80;
	s29 =	simm.s32 $0x100;
	s21 =	smul.u32 $0x9E0, s4  }
0x5: {  	s30 =	simm.s32 $0x1;
	s31 =	simm.s32 $0x0;
	s6 =	smul.u32 $0x14000, s4  }
0x6: {  	s1 =	sand.u32 $0x1, s1;
	[smem:$0x7FF] =	sst s3;
	s7 =	smul.u32 $0x50000, s4  }
0x7: {  	s4 =	sadd.s32 $0xCC00, s0;
	s5 =	smul.u32 $0x140000, s1;
	_ =	strace $0x8000004A  }
0x8: {  	s18 =	ssub.s32 $0x2, s1;
	s1 =	smul.u32 $0x4F0, s1;
	s22 =	sadd.s32 s21, s0  }
0x9: {  	s7 =	sshrl.u32 s7, $0x2;
	s9 =	sshrl.u32 s18, $0x1;
	s5 =	sadd.s32 s6, s5  }
0xa: {  	s23 =	ssub.s32 s18, s9;
	s26 =	sadd.s32 s1, s22;
	s8 =	sshrl.u32 s5, $0x3  }
0xb: {  	s5 =	sadd.s32 s7, s2;
	s22 =	smax.u32 s23, $0x1;
	s23 =	sadd.s32 $0x2E00, s26  }
0xc: {  	s26 =	simm.s32 $0x2;
	s0 =	sadd.s32 s8, s0;
	s19 =	sadd.s32 $0x1400, s5  }
0xd: {  	s24 =	sadd.s32 $0x2800, s5;
	s25 =	sadd.s32 $0x3C00, s5;
	s9 =	sadd.s32 $0x5000, s5  }
0xe: {  	s10 =	sadd.s32 $0x6400, s5;
	s11 =	sadd.s32 $0x7800, s5;
	s12 =	sadd.s32 $0x8C00, s5  }
0xf: {  	s13 =	sadd.s32 $0xA000, s5;
	s14 =	sadd.s32 $0xB400, s5;
	[dreg:$0x4] =	wrdreg s19  }
0x10: {  	s15 =	sadd.s32 $0xC800, s5;
	s16 =	sadd.s32 $0xDC00, s5;
	[dreg:$0x5] =	wrdreg s24  }
0x11: {  	s17 =	sadd.s32 $0xF000, s5;
	s18 =	sadd.s32 $0x10400, s5;
	[dreg:$0x6] =	wrdreg s25  }
0x12: {  	s19 =	sadd.s32 $0x11800, s5;
	s24 =	sadd.s32 s21, s20;
	s20 =	sadd.s32 $0x12C00, s5  }
0x13: {  	v0 =	vimm.f32 $0.0e+00;
	s21 =	sadd.s32 $0x33E00, s0;
	s25 =	simm.s32 $0x4100;
	s24 =	sadd.s32 s1, s24  }
.LBB2_1:
0x14: {  	s1 =	simm.s32 $0x0;
	s0 =	simm.s32 $0x200  }
.LBB2_2:
0x15: {  	p0 =	sne.s32 s0, $0x4E00;
	[tilespmem:s1+$0x4170] =	vst v0  }
0x16: {  	[tilespmem:s1+$0x4100] =	vst v0  }
0x17: {  	[tilespmem:s1+$0x4110] =	vst v0  }
.Ltmp0:
0x18: {  	[tilespmem:s1+$0x4120] =	vst v0;
	(pc) =	sbr.rel @p0 .LBB2_2-.Ltmp0, $4  }
0x19: {  	[tilespmem:s1+$0x4130] =	vst v0  }
0x1a: {  	[tilespmem:s1+$0x4140] =	vst v0  }
0x1b: {  	[tilespmem:s1+$0x4150] =	vst v0  }
0x1c: {  	[tilespmem:s1+$0x4160] =	vst v0;
	s1 =	sshra.s32 s0, $0x2;
	s0 =	sadd.s32 $0x200, s0  }
0x1d: {  	[tilespmem:s1+$0x4170] =	vst v0  }
0x1e: {  	[tilespmem:s1+$0x4100] =	vst v0  }
0x1f: {  	[tilespmem:s1+$0x4110] =	vst v0  }
0x20: {  	[tilespmem:s1+$0x4120] =	vst v0  }
0x21: {  	[tilespmem:s1+$0x4130] =	vst v0  }
0x22: {  	[tilespmem:s1+$0x4140] =	vst v0  }
0x23: {  	[tilespmem:s1+$0x4150] =	vst v0  }
0x24: {  	[tilespmem:s1+$0x4160] =	vst v0  }
0x25: {  	[spmem:s5] =	stream.linear.scatter [tilespmem:s25], [sflag:$0x2], $0x1400, $0x38;
	[tilespmem:$0x19500] =	vst v63  }
0x26: {  	_ =	swait.ge [sflag:s26], $0x1400  }
0x27: {  	[sflag:s26] =	ssyncset.done $0x0  }
0x28: {  	s0 =	rddreg [dreg:$0x4];
	[sflag:s26] =	ssyncadd.s32 $0xFFFFEC00  }
0x29: {  	[spmem:s0] =	stream.linear.scatter [tilespmem:s25], [sflag:$0x2], $0x1400, $0x38;
	[tilespmem:$0x19500] =	vst v63  }
0x2a: {  	_ =	swait.ge [sflag:s26], $0x1400  }
0x2b: {  	[sflag:s26] =	ssyncset.done $0x0  }
0x2c: {  	s1 =	rddreg [dreg:$0x5];
	[sflag:s26] =	ssyncadd.s32 $0xFFFFEC00  }
0x2d: {  	[spmem:s1] =	stream.linear.scatter [tilespmem:s25], [sflag:$0x2], $0x1400, $0x38;
	[tilespmem:$0x19500] =	vst v63  }
0x2e: {  	_ =	swait.ge [sflag:s26], $0x1400  }
0x2f: {  	[sflag:s26] =	ssyncset.done $0x0  }
0x30: {  	s6 =	rddreg [dreg:$0x6];
	[sflag:s26] =	ssyncadd.s32 $0xFFFFEC00  }
0x31: {  	[spmem:s6] =	stream.linear.scatter [tilespmem:s25], [sflag:$0x2], $0x1400, $0x38;
	[tilespmem:$0x19500] =	vst v63  }
0x32: {  	_ =	swait.ge [sflag:s26], $0x1400  }
0x33: {  	[sflag:s26] =	ssyncset.done $0x0  }
0x34: {  	[sflag:s26] =	ssyncadd.s32 $0xFFFFEC00  }
0x35: {  	[spmem:s9] =	stream.linear.scatter [tilespmem:s25], [sflag:$0x2], $0x1400, $0x38;
	[tilespmem:$0x19500] =	vst v63  }
0x36: {  	_ =	swait.ge [sflag:s26], $0x1400  }
0x37: {  	[sflag:s26] =	ssyncset.done $0x0  }
0x38: {  	[sflag:s26] =	ssyncadd.s32 $0xFFFFEC00  }
0x39: {  	[spmem:s10] =	stream.linear.scatter [tilespmem:s25], [sflag:$0x2], $0x1400, $0x38;
	[tilespmem:$0x19500] =	vst v63  }
0x3a: {  	_ =	swait.ge [sflag:s26], $0x1400  }
0x3b: {  	[sflag:s26] =	ssyncset.done $0x0  }
0x3c: {  	[sflag:s26] =	ssyncadd.s32 $0xFFFFEC00  }
0x3d: {  	[spmem:s11] =	stream.linear.scatter [tilespmem:s25], [sflag:$0x2], $0x1400, $0x38;
	[tilespmem:$0x19500] =	vst v63  }
0x3e: {  	_ =	swait.ge [sflag:s26], $0x1400  }
0x3f: {  	[sflag:s26] =	ssyncset.done $0x0  }
0x40: {  	[sflag:s26] =	ssyncadd.s32 $0xFFFFEC00  }
0x41: {  	[spmem:s12] =	stream.linear.scatter [tilespmem:s25], [sflag:$0x2], $0x1400, $0x38;
	[tilespmem:$0x19500] =	vst v63  }
0x42: {  	_ =	swait.ge [sflag:s26], $0x1400  }
0x43: {  	[sflag:s26] =	ssyncset.done $0x0  }
0x44: {  	[sflag:s26] =	ssyncadd.s32 $0xFFFFEC00  }
0x45: {  	[spmem:s13] =	stream.linear.scatter [tilespmem:s25], [sflag:$0x2], $0x1400, $0x38;
	[tilespmem:$0x19500] =	vst v63  }
0x46: {  	_ =	swait.ge [sflag:s26], $0x1400  }
0x47: {  	[sflag:s26] =	ssyncset.done $0x0  }
0x48: {  	[sflag:s26] =	ssyncadd.s32 $0xFFFFEC00  }
0x49: {  	[spmem:s14] =	stream.linear.scatter [tilespmem:s25], [sflag:$0x2], $0x1400, $0x38;
	[tilespmem:$0x19500] =	vst v63  }
0x4a: {  	_ =	swait.ge [sflag:s26], $0x1400  }
0x4b: {  	[sflag:s26] =	ssyncset.done $0x0  }
0x4c: {  	[sflag:s26] =	ssyncadd.s32 $0xFFFFEC00  }
0x4d: {  	[spmem:s15] =	stream.linear.scatter [tilespmem:s25], [sflag:$0x2], $0x1400, $0x38;
	[tilespmem:$0x19500] =	vst v63  }
0x4e: {  	_ =	swait.ge [sflag:s26], $0x1400  }
0x4f: {  	[sflag:s26] =	ssyncset.done $0x0  }
0x50: {  	[sflag:s26] =	ssyncadd.s32 $0xFFFFEC00  }
0x51: {  	[spmem:s16] =	stream.linear.scatter [tilespmem:s25], [sflag:$0x2], $0x1400, $0x38;
	[tilespmem:$0x19500] =	vst v63  }
0x52: {  	_ =	swait.ge [sflag:s26], $0x1400  }
0x53: {  	[sflag:s26] =	ssyncset.done $0x0  }
0x54: {  	[sflag:s26] =	ssyncadd.s32 $0xFFFFEC00  }
0x55: {  	[spmem:s17] =	stream.linear.scatter [tilespmem:s25], [sflag:$0x2], $0x1400, $0x38;
	[tilespmem:$0x19500] =	vst v63  }
0x56: {  	_ =	swait.ge [sflag:s26], $0x1400  }
0x57: {  	[sflag:s26] =	ssyncset.done $0x0  }
0x58: {  	[sflag:s26] =	ssyncadd.s32 $0xFFFFEC00  }
0x59: {  	[spmem:s18] =	stream.linear.scatter [tilespmem:s25], [sflag:$0x2], $0x1400, $0x38;
	[tilespmem:$0x19500] =	vst v63  }
0x5a: {  	_ =	swait.ge [sflag:s26], $0x1400  }
0x5b: {  	[sflag:s26] =	ssyncset.done $0x0  }
0x5c: {  	[sflag:s26] =	ssyncadd.s32 $0xFFFFEC00  }
0x5d: {  	[spmem:s19] =	stream.linear.scatter [tilespmem:s25], [sflag:$0x2], $0x1400, $0x38;
	[tilespmem:$0x19500] =	vst v63  }
0x5e: {  	_ =	swait.ge [sflag:s26], $0x1400  }
0x5f: {  	[sflag:s26] =	ssyncset.done $0x0  }
0x60: {  	[sflag:s26] =	ssyncadd.s32 $0xFFFFEC00  }
0x61: {  	[spmem:s20] =	stream.linear.scatter [tilespmem:s25], [sflag:$0x2], $0x1400, $0x38;
	[tilespmem:$0x19500] =	vst v63  }
0x62: {  	_ =	swait.ge [sflag:s26], $0x1400  }
0x63: {  	[sflag:s26] =	ssyncset.done $0x0  }
0x64: {  	[sflag:s26] =	ssyncadd.s32 $0xFFFFEC00  }
0x65: {  	s7 =	sadd.s32 $0x0, s23;
	[bflag:$0x0] =	sbarrier.arrive $0xFFFF  }
0x66: {  	[tilespmem:s3], [sflag:$0x2] =	stream.linear.gather [hbm4b:s7+s3], $0x80, $0x38;
	[tilespmem:$0x19500] =	vst v63  }
0x67: {  	_ =	swait.ge [sflag:s26], $0x80  }
0x68: {  	[sflag:s26] =	ssyncset.done $0x0  }
0x69: {  	[sflag:s26] =	ssyncadd.s32 $0xFFFFFF80  }
0x6a: {  	[tilespmem:s29], [sflag:$0x1] =	stream.indirect.gather [hbm4b:s4+s28], $0x80, s3, s28, $0xb8;
	[tilespmem:$0x19500] =	vst v63  }
0x6b: {  	s8 =	sadd.s32 $0x0, s24  }
0x6c: {  	[tilespmem:s28], [sflag:$0x2] =	stream.linear.gather [hbm4b:s8+s3], $0x80, $0x38;
	[tilespmem:$0x19500] =	vst v63  }
0x6d: {  	_ =	swait.ge [sflag:s26], $0x80  }
0x6e: {  	[sflag:s26] =	ssyncset.done $0x0  }
0x6f: {  	[sflag:s26] =	ssyncadd.s32 $0xFFFFFF80  }
0x70: {  	_ =	swait.ge [sflag:s30], $0x4000  }
0x71: {  	[sflag:s30] =	ssyncset.done $0x0  }
0x72: {  	[sflag:s30] =	ssyncadd.s32 $0xFFFFC000  }
0x73: {  	[spmem:s2] =	stream.indirect.scatter.add.f32 [tilespmem:s29], [sflag:$0x2], $0x80, s28, s28, $0xb8;
	[tilespmem:$0x19500] =	vst v63  }
0x74: {  	_ =	swait.ge [sflag:s26], $0x4000  }
0x75: {  	s0 =	simm.s32 $0x20;
	s1 =	simm.s32 $0x10;
	[sflag:s26] =	ssyncset.done $0x0  }
.LBB2_4:
0x76: {  	s6 =	sadd.s32 s1, s23  }
0x77: {  	[sflag:s26] =	ssyncadd.s32 $0xFFFFC000;
	s7 =	smov.u32 s0;
	s8 =	sadd.s32 $0x10, s0  }
0x78: {  	[tilespmem:s3], [sflag:$0x2] =	stream.linear.gather [hbm4b:s6+s3], $0x80, $0x38;
	[tilespmem:$0x19500] =	vst v63  }
0x79: {  	p0 =	sne.s32 s0, $0x4E0;
	_ =	swait.ge [sflag:s26], $0x80  }
0x7a: {  	[sflag:s26] =	ssyncset.done $0x0  }
0x7b: {  	[sflag:s26] =	ssyncadd.s32 $0xFFFFFF80  }
0x7c: {  	[tilespmem:s29], [sflag:$0x1] =	stream.indirect.gather [hbm4b:s4+s28], $0x80, s3, s28, $0xb8;
	[tilespmem:$0x19500] =	vst v63  }
0x7d: {  	s0 =	sadd.s32 s1, s24;
	s1 =	smov.u32 s7  }
0x7e: {  	[tilespmem:s28], [sflag:$0x2] =	stream.linear.gather [hbm4b:s0+s3], $0x80, $0x38;
	[tilespmem:$0x19500] =	vst v63  }
0x7f: {  	_ =	swait.ge [sflag:s26], $0x80  }
0x80: {  	[sflag:s26] =	ssyncset.done $0x0  }
0x81: {  	[sflag:s26] =	ssyncadd.s32 $0xFFFFFF80  }
0x82: {  	_ =	swait.ge [sflag:s30], $0x4000  }
.Ltmp1:
0x83: {  	[sflag:s30] =	ssyncset.done $0x0;
	(pc) =	sbr.rel @p0 .LBB2_4-.Ltmp1, $4  }
0x84: {  	[sflag:s30] =	ssyncadd.s32 $0xFFFFC000  }
0x85: {  	[spmem:s2] =	stream.indirect.scatter.add.f32 [tilespmem:s29], [sflag:$0x2], $0x80, s28, s28, $0xb8;
	[tilespmem:$0x19500] =	vst v63  }
0x86: {  	_ =	swait.ge [sflag:s26], $0x4000  }
0x87: {  	s0 =	smov.u32 s8;
	[sflag:s26] =	ssyncset.done $0x0  }
0x88: {  	s0 =	sadd.s32 s1, s23;
	[sflag:s26] =	ssyncadd.s32 $0xFFFFC000  }
0x89: {  	[tilespmem:s3], [sflag:$0x2] =	stream.linear.gather [hbm4b:s0+s3], $0x80, $0x38;
	[tilespmem:$0x19500] =	vst v63  }
0x8a: {  	_ =	swait.ge [sflag:s26], $0x80  }
0x8b: {  	[sflag:s26] =	ssyncset.done $0x0  }
0x8c: {  	[sflag:s26] =	ssyncadd.s32 $0xFFFFFF80  }
0x8d: {  	[tilespmem:s29], [sflag:$0x1] =	stream.indirect.gather [hbm4b:s4+s28], $0x80, s3, s28, $0xb8;
	[tilespmem:$0x19500] =	vst v63  }
0x8e: {  	s6 =	sadd.s32 s1, s24  }
0x8f: {  	[tilespmem:s28], [sflag:$0x2] =	stream.linear.gather [hbm4b:s6+s3], $0x80, $0x38;
	[tilespmem:$0x19500] =	vst v63  }
0x90: {  	_ =	swait.ge [sflag:s26], $0x80  }
0x91: {  	[sflag:s26] =	ssyncset.done $0x0  }
0x92: {  	[sflag:s26] =	ssyncadd.s32 $0xFFFFFF80  }
0x93: {  	_ =	swait.ge [sflag:s30], $0x4000  }
0x94: {  	[sflag:s30] =	ssyncset.done $0x0  }
0x95: {  	[sflag:s30] =	ssyncadd.s32 $0xFFFFC000  }
0x96: {  	[spmem:s2] =	stream.indirect.scatter.add.f32 [tilespmem:s29], [sflag:$0x2], $0x80, s28, s28, $0xb8;
	[tilespmem:$0x19500] =	vst v63  }
0x97: {  	s7 =	stileid.u32;
	_ =	swait.ge [sflag:s26], $0x4000  }
0x98: {  	s8 =	sshrl.u32 s5, $0x3;
	s31 =	sadd.s32 $0x1, s31;
	[sflag:s26] =	ssyncset.done $0x0  }
0x99: {  	s0 =	sshll.u32 s7, $0x6;
	p0 =	sne.s32 s31, s22;
	[sflag:s26] =	ssyncadd.s32 $0xFFFFC000  }
.Ltmp2:
0x9a: {  	s0 =	sor.u32 $0x1C02, s0;
	[bflag:$0x0] =	sbarrier.arrive $0xFFFF;
	(pc) =	sbr.rel @p0 .LBB2_1-.Ltmp2, $4  }
0x9b: {  	[hbm:s21], [sflag:s0] =	dma.local [spmem:s8], $0x2800  }
0x9c: {  	_ =	swait.ge [sflag:s26], $0x2800  }
0x9d: {  	[sflag:s26] =	ssyncset.done $0x0  }
0x9e: {  	[sflag:s26] =	ssyncadd.s32 $0xFFFFD800  }
0x9f: {  	_ =	sfence.sel $0x180000  }
0xa0: {  	[bflag:$0x0] =	sbarrier.arrive $0xFFFF  }
0xa1: {  	_ =	strace $0x9000004A  }
0xa2: {  	s0 =	stileid.u32;
	[bflag:$0x2] =	sbarrier.arrive $0xFFFF  }
0xa3: {  	p0 =	sne.s32 s0, $0x0;
	s0 =	rddreg [dreg:$0x3]  }
0xa4: {  	s0 =	sadd.s32 @!p0 $0x100000, s0  }
0xa5: {  	[sflag:s0] =	ssyncadd.tile.s32 @!p0 $0x1;
	_ =	shalt  }
.Lfunc_end2:
_tile_overlayer_lowered:
.L_overlay_start_2:
0xa6: {  	(tag) =	ssettag $0x2  }
0xa7: {  	s0 =	rddreg [dreg:$0x0];
	s2 =	stileid.u32  }
0xa8: {  	s1 =	rddreg [dreg:$0x1];
	p0 =	sne.s32 s2, $0x0  }
0xa9: {  	s3 =	rddreg [dreg:$0x2];
	[bflag:$0x3] =	sbarrier.arrive $0xFFFF;
	s2 =	simm.s32 @!p0 $0x1C02  }
0xaa: {  	[timem:s3], [sflag:s2] =	dma.local @!p0 [hbm:s0], s1  }
0xab: {  	s0 =	simm.s32 @!p0 $0x2  }
0xac: {  	_ =	swait.ge @!p0 [sflag:s0], s1  }
0xad: {  	s1 =	ssub.s32 @!p0 $0x0, s1;
	[sflag:s0] =	ssyncset.done @!p0 $0x0  }
0xae: {  	[sflag:s0] =	ssyncadd.s32 @!p0 s1  }
0xaf: {  	[bflag:$0x3] =	sbarrier.arrive $0xFFFF  }
0xb0: {  	_ =	shalt  }

// kernel: kernel.17.cloned.1.call-start
scs
__scs_entry_jumppad:
0x0: {  	(pc) =	sbr.rel $0x88, $3  }
0x1: {  	(tag) =	ssettag $0x0;
	lr =	simm.s32 $0x1  }
0x2: {  	[smem:$0x3F97] =	sst lr;
	_ =	strace $0xD0000000  }
0x3: {  	_ = 	snop  }
0x4: {  	_ = 	snop  }
0x5: {  	_ = 	snop  }
0x6: {  	_ = 	snop  }
0x7: {  	_ = 	snop  }
__scs_overlays_trampoline_lowered:
0x8: {  	[smem:$0x3FA6] =	sst s0  }
0x9: {  	[smem:$0x3FA7] =	sst s1  }
0xa: {  	[smem:$0x3FA8] =	sst s2  }
0xb: {  	[smem:$0x3FA9] =	sst s3  }
0xc: {  	[smem:$0x3FAA] =	sst s4  }
0xd: {  	[smem:$0x3FAB] =	sst s5  }
0xe: {  	[smem:$0x3FAC] =	sst s6  }
0xf: {  	[smem:$0x3FAD] =	sst s7  }
0x10: {  	[smem:$0x3FAE] =	sst s8  }
0x11: {  	[smem:$0x3FAF] =	sst s9;
	s0 =	simm.s32 @!p0 $0x0  }
0x12: {  	s1 =	sld [smem:$0x3F95];
	s0 =	simm.s32 @p0 $0x1  }
0x13: {  	[smem:$0x3FB0] =	sst s0;
	s0 =	simm.s32 @!p1 $0x0  }
0x14: {  	s2 =	sld [smem:$0x3F94];
	s0 =	simm.s32 @p1 $0x1  }
0x15: {  	[smem:$0x3FB1] =	sst s0;
	s0 =	simm.s32 @!p2 $0x0  }
0x16: {  	s3 =	sld [smem:$0x3FDB];
	s0 =	simm.s32 @p2 $0x1  }
0x17: {  	s4 =	simm.s32 $0x1BF5;
	[smem:$0x3FB3] =	sst s0  }
0x18: {  	s0 =	sld [smem:$0x3F96];
	_ =	swait.ge [sflag:s4], $0x0  }
0x19: {  	s7 =	sld [smem:$0x3F97]  }
0x1a: {  	s8 =	sadd.s32 $0xFFFFE003, lr  }
0x1b: {  	s9 =	sadd.s32 $0xFFFFFEF7, lr;
	s5 =	simm.s32 $0xFFFFFFFF;
	p2 =	slt.u32 s8, $0xFFFFF086  }
0x1c: {  	p1 =	slt.u32 s9, $0xF7A;
	s5 =	simm.s32 @!p2 $0x0  }
0x1d: {  	s5 =	simm.s32 @p1 $0x1;
	p0 =	seq.s32 s7, s2  }
0x1e: {  	s7 =	smul.u32 @!p0 $0xF7A, s2;
	p2 =	seq.s32 @!p0 s5, $0x0  }
0x1f: {  	s9 =	smul.u32 $0xF7A, s1;
	s8 =	simm.s32 @!p0 $0x1BF5;
	p2 =	por !p2, p0  }
0x20: {  	[sflag:s8] =	ssyncset.s32 @!p0 $0xFFFFF086;
	s6 =	sadd.s32 @!p0 s3, s7;
	s7 =	simm.s32 @!p0 $0x108  }
0x21: {  	s3 =	sadd.s32 s3, s9;
	s6 =	sadd.s32 @!p0 $0x88, s6;
	s7 =	simm.s32 @p2 $0x1082  }
0x22: {  	[simem:s7], [sflag:s8] =	dma.local @!p0 [hbm:s6], $0xF7A  }
0x23: {  	s9 =	sor.u32 $0xD0000000, s2;
	s6 =	simm.s32 $0x108;
	_ =	swait.ge @!p0 [sflag:s8], $0x0  }
0x24: {  	s3 =	sadd.s32 $0x88, s3;
	s6 =	simm.s32 @!p1 $0x1082;
	[sflag:s4] =	ssyncset.s32 $0xFFFFF086  }
0x25: {  	[simem:s6], [sflag:s4] =	dma.local [hbm:s3], $0xF7A  }
0x26: {  	[smem:$0x3F97] =	sst s1;
	(tag) =	ssettag s2;
	_ =	strace s9  }
0x27: {  	s1 =	sld [smem:$0x3FA7]  }
0x28: {  	s2 =	sld [smem:$0x3FA8]  }
0x29: {  	s4 =	sld [smem:$0x3FAA]  }
0x2a: {  	p0 =	seq.s32 s5, $0x0;
	s5 =	sld [smem:$0x3FAB]  }
0x2b: {  	s6 =	sld [smem:$0x3FAC]  }
0x2c: {  	s7 =	sld [smem:$0x3FAD]  }
0x2d: {  	s3 =	simm.s32 $0x108;
	s8 =	sld [smem:$0x3FAE]  }
0x2e: {  	s3 =	simm.s32 @!p0 $0x1082;
	s9 =	sld [smem:$0x3FAF]  }
0x2f: {  	lr =	sadd.s32 s0, s3;
	s0 =	sld [smem:$0x3FA6]  }
0x30: {  	s3 =	sld [smem:$0x3FA9]  }
0x31: {  	[smem:$0x3FB2] =	sst s10  }
0x32: {  	s10 =	sld [smem:$0x3FB0];
	_ =	sdelay $0x3  }
0x33: {  	p0 =	seq.s32 s10, $0x1;
	s10 =	sld [smem:$0x3FB2];
	_ =	sdelay $0x3  }
0x34: {  	[smem:$0x3FB2] =	sst s10  }
0x35: {  	s10 =	sld [smem:$0x3FB1];
	_ =	sdelay $0x3  }
0x36: {  	p1 =	seq.s32 s10, $0x1;
	s10 =	sld [smem:$0x3FB2];
	_ =	sdelay $0x3  }
0x37: {  	[smem:$0x3FB2] =	sst s10  }
0x38: {  	s10 =	sld [smem:$0x3FB3]  }
0x39: {  	_ = 	snop;
	(pc) =	sbr.ind lr, $3  }
0x3a: {  	_ = 	snop  }
0x3b: {  	_ = 	snop  }
0x3c: {  	p2 =	seq.s32 s10, $0x1;
	s10 =	sld [smem:$0x3FB2]  }
0x3d: {  	_ =	shalt  }
0x3e: {  	_ =	shalt  }
0x3f: {  	_ =	shalt  }
0x40: {  	_ =	shalt  }
0x41: {  	_ =	shalt  }
0x42: {  	_ =	shalt  }
0x43: {  	_ =	shalt  }
0x44: {  	_ =	shalt  }
0x45: {  	_ =	shalt  }
0x46: {  	_ =	shalt  }
0x47: {  	_ =	shalt  }
0x48: {  	_ =	shalt  }
0x49: {  	_ =	shalt  }
0x4a: {  	_ =	shalt  }
0x4b: {  	_ =	shalt  }
0x4c: {  	_ =	shalt  }
0x4d: {  	_ =	shalt  }
0x4e: {  	_ =	shalt  }
0x4f: {  	_ =	shalt  }
0x50: {  	_ =	shalt  }
0x51: {  	_ =	shalt  }
0x52: {  	_ =	shalt  }
0x53: {  	_ =	shalt  }
0x54: {  	_ =	shalt  }
0x55: {  	_ =	shalt  }
0x56: {  	_ =	shalt  }
0x57: {  	_ =	shalt  }
0x58: {  	_ =	shalt  }
0x59: {  	_ =	shalt  }
0x5a: {  	_ =	shalt  }
0x5b: {  	_ =	shalt  }
0x5c: {  	_ =	shalt  }
0x5d: {  	_ =	shalt  }
0x5e: {  	_ =	shalt  }
0x5f: {  	_ =	shalt  }
0x60: {  	_ =	shalt  }
0x61: {  	_ =	shalt  }
0x62: {  	_ =	shalt  }
0x63: {  	_ =	shalt  }
0x64: {  	_ =	shalt  }
0x65: {  	_ =	shalt  }
0x66: {  	_ =	shalt  }
0x67: {  	_ =	shalt  }
0x68: {  	_ =	shalt  }
0x69: {  	_ =	shalt  }
0x6a: {  	_ =	shalt  }
0x6b: {  	_ =	shalt  }
0x6c: {  	_ =	shalt  }
0x6d: {  	_ =	shalt  }
0x6e: {  	_ =	shalt  }
0x6f: {  	_ =	shalt  }
0x70: {  	_ =	shalt  }
0x71: {  	_ =	shalt  }
0x72: {  	_ =	shalt  }
0x73: {  	_ =	shalt  }
0x74: {  	_ =	shalt  }
0x75: {  	_ =	shalt  }
0x76: {  	_ =	shalt  }
0x77: {  	_ =	shalt  }
0x78: {  	_ =	shalt  }
0x79: {  	_ =	shalt  }
0x7a: {  	_ =	shalt  }
0x7b: {  	_ =	shalt  }
0x7c: {  	_ =	shalt  }
0x7d: {  	_ =	shalt  }
0x7e: {  	_ =	shalt  }
0x7f: {  	_ =	shalt  }
0x80: {  	_ =	shalt  }
0x81: {  	_ =	shalt  }
0x82: {  	_ =	shalt  }
0x83: {  	_ =	shalt  }
0x84: {  	_ =	shalt  }
0x85: {  	_ =	shalt  }
0x86: {  	_ =	shalt  }
0x87: {  	_ =	shalt  }
.Lfunc_end0:
.L_simem_size_0:
called_computation.2_lowered:
.L_overlay_start_0:
0x88: {  	s2 =	sld [smem:$0x3FD9]  }
0x89: {  	s3 =	sld [smem:$0x3FFE];
	_ =	sdelay $0x1  }
0x8a: {  	s1 =	srdreg.scid  }
0x8b: {  	s0 =	sand.u32 $0x1, s1  }
0x8c: {  	s17 =	sshll.u32 s0, $0xA;
	s2 =	sadd.s32 s3, s2  }
0x8d: {  	s2 =	sadd.s32 s2, s17  }
0x8e: {  	[smem:$0x3FBE] =	sst s2  }
0x8f: {  	_ = 	snop  }
0x90: {  	s2 =	sld [smem:$0x3FD0];
	(tm) =	ssettm $0x1  }
0x91: {  	s18 =	sld [smem:$0x3FFB];
	_ =	sdelay $0x3  }
0x92: {  	_ =	strace s18  }
0x93: {  	s3 =	sld [smem:$0x3FFC];
	_ =	sdelay $0x3  }
0x94: {  	_ =	strace s3  }
0x95: {  	s3 =	sld [smem:$0x3FFD];
	_ =	sdelay $0x3  }
0x96: {  	_ =	strace s3  }
0x97: {  	_ =	strace $0x8FFFFFFF  }
0x98: {  	s19 =	sld [smem:$0x3FDB];
	_ =	sdelay $0x1  }
0x99: {  	s4 =	simm.s32 $_scs_section_size  }
0x9a: {  	s5 =	simm.s32 $_size__tile_overlayer_lowered;
	s6 =	simm.s32 $_tile_overlayer_lowered  }
0x9b: {  	s22 =	simm.s32 $0x1BFF;
	s21 =	sshll.u32 s6, $0x1;
	s3 =	sadd.s32 s4, s19  }
0x9c: {  	s7 =	simm.s32 $0x0;
	s20 =	sshll.u32 s5, $0x1;
	s5 =	sadd.s32 s21, s3  }
0x9d: {  	[timem:s7], [sflag:s22] =	dma.local [hbm:s5], s20  }
0x9e: {  	_ =	swait.ge [sflag:s22], s20  }
0x9f: {  	s4 =	ssub.s32 $0x0, s20;
	[sflag:s22] =	ssyncset.done $0x0  }
0xa0: {  	[sflag:s22] =	ssyncadd.s32 s4;
	_ =	sdelay $0x1  }
0xa1: {  	s23 =	simm.s32 $0x1B8B  }
0xa2: {  	_ =	swait.ge [sflag:s23], $0x1  }
0xa3: {  	[sflag:s23] =	ssyncset.done $0x0  }
0xa4: {  	s25 =	simm.s32 $0x1B8E;
	s24 =	sld [smem:$0x3FFE];
	[sflag:s23] =	ssyncadd.s32 $0xFFFFFFFF  }
0xa5: {  	s26 =	simm.s32 $execute0_lowered;
	[smem:$0x3FD2] =	sst s25  }
0xa6: {  	s5 =	sshll.u32 s26, $0x1;
	_ =	strace $0x8000004C;
	[dreg:$0x1] =	wrdreg $0xFFFFFFFF  }
0xa7: {  	s28 =	simm.s32 $_size_execute0_lowered;
	s3 =	sadd.s32 s3, s5;
	[dreg:$0x0] =	wrdreg $0x0  }
0xa8: {  	s5 =	sshll.u32 s28, $0x1;
	[dreg:$0x2] =	wrdreg s3  }
0xa9: {  	[dreg:$0x3] =	wrdreg s5  }
0xaa: {  	[dreg:$0x4] =	wrdreg $0xC0  }
0xab: {  	_ =	task [dreg:s7], $0x5FFFF  }
0xac: {  	[dreg:$0x1] =	wrdreg $0xFFFFFFFF  }
0xad: {  	[dreg:$0x0] =	wrdreg $0x60  }
0xae: {  	[dreg:$0x2] =	wrdreg s24  }
0xaf: {  	[dreg:$0x3] =	wrdreg s2  }
0xb0: {  	[dreg:$0x4] =	wrdreg $0x55000  }
0xb1: {  	[dreg:$0x5] =	wrdreg $0x9  }
0xb2: {  	_ =	task.clear_ibuf [dreg:s7], $0x6FFFF;
	_ =	strace $0x9000004C  }
0xb3: {  	s29 =	simm.s32 $0x9;
	_ =	strace $0x8000004E  }
0xb4: {  	_ =	swait.ge [sflag:s29], $0x1  }
0xb5: {  	[sflag:s29] =	ssyncadd.s32 $0xFFFFFFFF  }
0xb6: {  	_ =	strace $0x9000004E  }
0xb7: {  	_ =	sfence  }
0xb8: {  	s30 =	sld [smem:$0x0];
	_ =	sdelay $0x2  }
0xb9: {  	s31 =	sshll.u32 s1, $0xD;
	s1 =	sshrl.u32 s1, $0x2  }
0xba: {  	s3 =	sand.u32 $0x4000, s31;
	s1 =	sadd.s32 s1, s30  }
0xbb: {  	s0 =	sor.u32 s3, s0;
	s1 =	sshll.u32 s1, $0x11  }
0xbc: {  	s0 =	sor.u32 s1, s0  }
0xbd: {  	s0 =	sadd.s32 $0x8F2B, s0  }
0xbe: {  	[sflag:s0] =	ssyncadd.remote.s32 $0x1  }
0xbf: {  	_ =	sfence.sel $0xFFFF  }
0xc0: {  	[dreg:$0x0] =	wrdreg $0xFFFFFFFF;
	(pc) =	sbr.abs _section_cstart, $3  }
0xc1: {  	[dreg:$0x1] =	wrdreg $0xFFFFFFFF  }
0xc2: {  	_ =	task.clear_ibuf [dreg:s7], $0x2FFFF;
	_ =	strace $0x9FFFFFFF  }
0xc3: {  	(tm) =	ssettm $0x7FFFFFFF  }
tec
execute0_lowered:
.L_overlay_start_1:
0x0: {  	(tag) =	ssettag $0x1  }
0x1: {  	s0 =	rddreg [dreg:$0x0]  }
0x2: {  	s4 =	stileid.u32;
	s20 =	rddreg [dreg:$0x1]  }
0x3: {  	s1 =	srdreg.scid;
	s2 =	rddreg [dreg:$0x2];
	s3 =	simm.s32 $0x0  }
0x4: {  	s28 =	simm.s32 $0x80;
	s29 =	simm.s32 $0x100;
	s21 =	smul.u32 $0x9E0, s4  }
0x5: {  	s30 =	simm.s32 $0x1;
	s31 =	simm.s32 $0x0;
	s6 =	smul.u32 $0x14000, s4  }
0x6: {  	s1 =	sand.u32 $0x1, s1;
	[smem:$0x7FF] =	sst s3;
	s7 =	smul.u32 $0x50000, s4  }
0x7: {  	s4 =	sadd.s32 $0xCC00, s0;
	s5 =	smul.u32 $0x140000, s1;
	_ =	strace $0x8000004D  }
0x8: {  	s18 =	ssub.s32 $0x2, s1;
	s1 =	smul.u32 $0x4F0, s1;
	s22 =	sadd.s32 s21, s0  }
0x9: {  	s7 =	sshrl.u32 s7, $0x2;
	s9 =	sshrl.u32 s18, $0x1;
	s5 =	sadd.s32 s6, s5  }
0xa: {  	s23 =	ssub.s32 s18, s9;
	s26 =	sadd.s32 s1, s22;
	s8 =	sshrl.u32 s5, $0x3  }
0xb: {  	s5 =	sadd.s32 s7, s2;
	s22 =	smax.u32 s23, $0x1;
	s23 =	sadd.s32 $0x2E00, s26  }
0xc: {  	s26 =	simm.s32 $0x2;
	s0 =	sadd.s32 s8, s0;
	s19 =	sadd.s32 $0x1400, s5  }
0xd: {  	s24 =	sadd.s32 $0x2800, s5;
	s25 =	sadd.s32 $0x3C00, s5;
	s9 =	sadd.s32 $0x5000, s5  }
0xe: {  	s10 =	sadd.s32 $0x6400, s5;
	s11 =	sadd.s32 $0x7800, s5;
	s12 =	sadd.s32 $0x8C00, s5  }
0xf: {  	s13 =	sadd.s32 $0xA000, s5;
	s14 =	sadd.s32 $0xB400, s5;
	[dreg:$0x4] =	wrdreg s19  }
0x10: {  	s15 =	sadd.s32 $0xC800, s5;
	s16 =	sadd.s32 $0xDC00, s5;
	[dreg:$0x5] =	wrdreg s24  }
0x11: {  	s17 =	sadd.s32 $0xF000, s5;
	s18 =	sadd.s32 $0x10400, s5;
	[dreg:$0x6] =	wrdreg s25  }
0x12: {  	s19 =	sadd.s32 $0x11800, s5;
	s24 =	sadd.s32 s21, s20;
	s20 =	sadd.s32 $0x12C00, s5  }
0x13: {  	v0 =	vimm.f32 $0.0e+00;
	s21 =	sadd.s32 $0x33E00, s0;
	s25 =	simm.s32 $0x4100;
	s24 =	sadd.s32 s1, s24  }
.LBB2_1:
0x14: {  	s1 =	simm.s32 $0x0;
	s0 =	simm.s32 $0x200  }
.LBB2_2:
0x15: {  	p0 =	sne.s32 s0, $0x4E00;
	[tilespmem:s1+$0x4170] =	vst v0  }
0x16: {  	[tilespmem:s1+$0x4100] =	vst v0  }
0x17: {  	[tilespmem:s1+$0x4110] =	vst v0  }
.Ltmp0:
0x18: {  	[tilespmem:s1+$0x4120] =	vst v0;
	(pc) =	sbr.rel @p0 .LBB2_2-.Ltmp0, $4  }
0x19: {  	[tilespmem:s1+$0x4130] =	vst v0  }
0x1a: {  	[tilespmem:s1+$0x4140] =	vst v0  }
0x1b: {  	[tilespmem:s1+$0x4150] =	vst v0  }
0x1c: {  	[tilespmem:s1+$0x4160] =	vst v0;
	s1 =	sshra.s32 s0, $0x2;
	s0 =	sadd.s32 $0x200, s0  }
0x1d: {  	[tilespmem:s1+$0x4170] =	vst v0  }
0x1e: {  	[tilespmem:s1+$0x4100] =	vst v0  }
0x1f: {  	[tilespmem:s1+$0x4110] =	vst v0  }
0x20: {  	[tilespmem:s1+$0x4120] =	vst v0  }
0x21: {  	[tilespmem:s1+$0x4130] =	vst v0  }
0x22: {  	[tilespmem:s1+$0x4140] =	vst v0  }
0x23: {  	[tilespmem:s1+$0x4150] =	vst v0  }
0x24: {  	[tilespmem:s1+$0x4160] =	vst v0  }
0x25: {  	[spmem:s5] =	stream.linear.scatter [tilespmem:s25], [sflag:$0x2], $0x1400, $0x38;
	[tilespmem:$0x19500] =	vst v63  }
0x26: {  	_ =	swait.ge [sflag:s26], $0x1400  }
0x27: {  	[sflag:s26] =	ssyncset.done $0x0  }
0x28: {  	s0 =	rddreg [dreg:$0x4];
	[sflag:s26] =	ssyncadd.s32 $0xFFFFEC00  }
0x29: {  	[spmem:s0] =	stream.linear.scatter [tilespmem:s25], [sflag:$0x2], $0x1400, $0x38;
	[tilespmem:$0x19500] =	vst v63  }
0x2a: {  	_ =	swait.ge [sflag:s26], $0x1400  }
0x2b: {  	[sflag:s26] =	ssyncset.done $0x0  }
0x2c: {  	s1 =	rddreg [dreg:$0x5];
	[sflag:s26] =	ssyncadd.s32 $0xFFFFEC00  }
0x2d: {  	[spmem:s1] =	stream.linear.scatter [tilespmem:s25], [sflag:$0x2], $0x1400, $0x38;
	[tilespmem:$0x19500] =	vst v63  }
0x2e: {  	_ =	swait.ge [sflag:s26], $0x1400  }
0x2f: {  	[sflag:s26] =	ssyncset.done $0x0  }
0x30: {  	s6 =	rddreg [dreg:$0x6];
	[sflag:s26] =	ssyncadd.s32 $0xFFFFEC00  }
0x31: {  	[spmem:s6] =	stream.linear.scatter [tilespmem:s25], [sflag:$0x2], $0x1400, $0x38;
	[tilespmem:$0x19500] =	vst v63  }
0x32: {  	_ =	swait.ge [sflag:s26], $0x1400  }
0x33: {  	[sflag:s26] =	ssyncset.done $0x0  }
0x34: {  	[sflag:s26] =	ssyncadd.s32 $0xFFFFEC00  }
0x35: {  	[spmem:s9] =	stream.linear.scatter [tilespmem:s25], [sflag:$0x2], $0x1400, $0x38;
	[tilespmem:$0x19500] =	vst v63  }
0x36: {  	_ =	swait.ge [sflag:s26], $0x1400  }
0x37: {  	[sflag:s26] =	ssyncset.done $0x0  }
0x38: {  	[sflag:s26] =	ssyncadd.s32 $0xFFFFEC00  }
0x39: {  	[spmem:s10] =	stream.linear.scatter [tilespmem:s25], [sflag:$0x2], $0x1400, $0x38;
	[tilespmem:$0x19500] =	vst v63  }
0x3a: {  	_ =	swait.ge [sflag:s26], $0x1400  }
0x3b: {  	[sflag:s26] =	ssyncset.done $0x0  }
0x3c: {  	[sflag:s26] =	ssyncadd.s32 $0xFFFFEC00  }
0x3d: {  	[spmem:s11] =	stream.linear.scatter [tilespmem:s25], [sflag:$0x2], $0x1400, $0x38;
	[tilespmem:$0x19500] =	vst v63  }
0x3e: {  	_ =	swait.ge [sflag:s26], $0x1400  }
0x3f: {  	[sflag:s26] =	ssyncset.done $0x0  }
0x40: {  	[sflag:s26] =	ssyncadd.s32 $0xFFFFEC00  }
0x41: {  	[spmem:s12] =	stream.linear.scatter [tilespmem:s25], [sflag:$0x2], $0x1400, $0x38;
	[tilespmem:$0x19500] =	vst v63  }
0x42: {  	_ =	swait.ge [sflag:s26], $0x1400  }
0x43: {  	[sflag:s26] =	ssyncset.done $0x0  }
0x44: {  	[sflag:s26] =	ssyncadd.s32 $0xFFFFEC00  }
0x45: {  	[spmem:s13] =	stream.linear.scatter [tilespmem:s25], [sflag:$0x2], $0x1400, $0x38;
	[tilespmem:$0x19500] =	vst v63  }
0x46: {  	_ =	swait.ge [sflag:s26], $0x1400  }
0x47: {  	[sflag:s26] =	ssyncset.done $0x0  }
0x48: {  	[sflag:s26] =	ssyncadd.s32 $0xFFFFEC00  }
0x49: {  	[spmem:s14] =	stream.linear.scatter [tilespmem:s25], [sflag:$0x2], $0x1400, $0x38;
	[tilespmem:$0x19500] =	vst v63  }
0x4a: {  	_ =	swait.ge [sflag:s26], $0x1400  }
0x4b: {  	[sflag:s26] =	ssyncset.done $0x0  }
0x4c: {  	[sflag:s26] =	ssyncadd.s32 $0xFFFFEC00  }
0x4d: {  	[spmem:s15] =	stream.linear.scatter [tilespmem:s25], [sflag:$0x2], $0x1400, $0x38;
	[tilespmem:$0x19500] =	vst v63  }
0x4e: {  	_ =	swait.ge [sflag:s26], $0x1400  }
0x4f: {  	[sflag:s26] =	ssyncset.done $0x0  }
0x50: {  	[sflag:s26] =	ssyncadd.s32 $0xFFFFEC00  }
0x51: {  	[spmem:s16] =	stream.linear.scatter [tilespmem:s25], [sflag:$0x2], $0x1400, $0x38;
	[tilespmem:$0x19500] =	vst v63  }
0x52: {  	_ =	swait.ge [sflag:s26], $0x1400  }
0x53: {  	[sflag:s26] =	ssyncset.done $0x0  }
0x54: {  	[sflag:s26] =	ssyncadd.s32 $0xFFFFEC00  }
0x55: {  	[spmem:s17] =	stream.linear.scatter [tilespmem:s25], [sflag:$0x2], $0x1400, $0x38;
	[tilespmem:$0x19500] =	vst v63  }
0x56: {  	_ =	swait.ge [sflag:s26], $0x1400  }
0x57: {  	[sflag:s26] =	ssyncset.done $0x0  }
0x58: {  	[sflag:s26] =	ssyncadd.s32 $0xFFFFEC00  }
0x59: {  	[spmem:s18] =	stream.linear.scatter [tilespmem:s25], [sflag:$0x2], $0x1400, $0x38;
	[tilespmem:$0x19500] =	vst v63  }
0x5a: {  	_ =	swait.ge [sflag:s26], $0x1400  }
0x5b: {  	[sflag:s26] =	ssyncset.done $0x0  }
0x5c: {  	[sflag:s26] =	ssyncadd.s32 $0xFFFFEC00  }
0x5d: {  	[spmem:s19] =	stream.linear.scatter [tilespmem:s25], [sflag:$0x2], $0x1400, $0x38;
	[tilespmem:$0x19500] =	vst v63  }
0x5e: {  	_ =	swait.ge [sflag:s26], $0x1400  }
0x5f: {  	[sflag:s26] =	ssyncset.done $0x0  }
0x60: {  	[sflag:s26] =	ssyncadd.s32 $0xFFFFEC00  }
0x61: {  	[spmem:s20] =	stream.linear.scatter [tilespmem:s25], [sflag:$0x2], $0x1400, $0x38;
	[tilespmem:$0x19500] =	vst v63  }
0x62: {  	_ =	swait.ge [sflag:s26], $0x1400  }
0x63: {  	[sflag:s26] =	ssyncset.done $0x0  }
0x64: {  	[sflag:s26] =	ssyncadd.s32 $0xFFFFEC00  }
0x65: {  	s7 =	sadd.s32 $0x0, s23;
	[bflag:$0x0] =	sbarrier.arrive $0xFFFF  }
0x66: {  	[tilespmem:s3], [sflag:$0x2] =	stream.linear.gather [hbm4b:s7+s3], $0x80, $0x38;
	[tilespmem:$0x19500] =	vst v63  }
0x67: {  	_ =	swait.ge [sflag:s26], $0x80  }
0x68: {  	[sflag:s26] =	ssyncset.done $0x0  }
0x69: {  	[sflag:s26] =	ssyncadd.s32 $0xFFFFFF80  }
0x6a: {  	[tilespmem:s29], [sflag:$0x1] =	stream.indirect.gather [hbm4b:s4+s28], $0x80, s3, s28, $0xb8;
	[tilespmem:$0x19500] =	vst v63  }
0x6b: {  	s8 =	sadd.s32 $0x0, s24  }
0x6c: {  	[tilespmem:s28], [sflag:$0x2] =	stream.linear.gather [hbm4b:s8+s3], $0x80, $0x38;
	[tilespmem:$0x19500] =	vst v63  }
0x6d: {  	_ =	swait.ge [sflag:s26], $0x80  }
0x6e: {  	[sflag:s26] =	ssyncset.done $0x0  }
0x6f: {  	[sflag:s26] =	ssyncadd.s32 $0xFFFFFF80  }
0x70: {  	_ =	swait.ge [sflag:s30], $0x4000  }
0x71: {  	[sflag:s30] =	ssyncset.done $0x0  }
0x72: {  	[sflag:s30] =	ssyncadd.s32 $0xFFFFC000  }
0x73: {  	[spmem:s2] =	stream.indirect.scatter.add.f32 [tilespmem:s29], [sflag:$0x2], $0x80, s28, s28, $0xb8;
	[tilespmem:$0x19500] =	vst v63  }
0x74: {  	_ =	swait.ge [sflag:s26], $0x4000  }
0x75: {  	s0 =	simm.s32 $0x20;
	s1 =	simm.s32 $0x10;
	[sflag:s26] =	ssyncset.done $0x0  }
.LBB2_4:
0x76: {  	s6 =	sadd.s32 s1, s23  }
0x77: {  	[sflag:s26] =	ssyncadd.s32 $0xFFFFC000;
	s7 =	smov.u32 s0;
	s8 =	sadd.s32 $0x10, s0  }
0x78: {  	[tilespmem:s3], [sflag:$0x2] =	stream.linear.gather [hbm4b:s6+s3], $0x80, $0x38;
	[tilespmem:$0x19500] =	vst v63  }
0x79: {  	p0 =	sne.s32 s0, $0x4E0;
	_ =	swait.ge [sflag:s26], $0x80  }
0x7a: {  	[sflag:s26] =	ssyncset.done $0x0  }
0x7b: {  	[sflag:s26] =	ssyncadd.s32 $0xFFFFFF80  }
0x7c: {  	[tilespmem:s29], [sflag:$0x1] =	stream.indirect.gather [hbm4b:s4+s28], $0x80, s3, s28, $0xb8;
	[tilespmem:$0x19500] =	vst v63  }
0x7d: {  	s0 =	sadd.s32 s1, s24;
	s1 =	smov.u32 s7  }
0x7e: {  	[tilespmem:s28], [sflag:$0x2] =	stream.linear.gather [hbm4b:s0+s3], $0x80, $0x38;
	[tilespmem:$0x19500] =	vst v63  }
0x7f: {  	_ =	swait.ge [sflag:s26], $0x80  }
0x80: {  	[sflag:s26] =	ssyncset.done $0x0  }
0x81: {  	[sflag:s26] =	ssyncadd.s32 $0xFFFFFF80  }
0x82: {  	_ =	swait.ge [sflag:s30], $0x4000  }
.Ltmp1:
0x83: {  	[sflag:s30] =	ssyncset.done $0x0;
	(pc) =	sbr.rel @p0 .LBB2_4-.Ltmp1, $4  }
0x84: {  	[sflag:s30] =	ssyncadd.s32 $0xFFFFC000  }
0x85: {  	[spmem:s2] =	stream.indirect.scatter.add.f32 [tilespmem:s29], [sflag:$0x2], $0x80, s28, s28, $0xb8;
	[tilespmem:$0x19500] =	vst v63  }
0x86: {  	_ =	swait.ge [sflag:s26], $0x4000  }
0x87: {  	s0 =	smov.u32 s8;
	[sflag:s26] =	ssyncset.done $0x0  }
0x88: {  	s0 =	sadd.s32 s1, s23;
	[sflag:s26] =	ssyncadd.s32 $0xFFFFC000  }
0x89: {  	[tilespmem:s3], [sflag:$0x2] =	stream.linear.gather [hbm4b:s0+s3], $0x80, $0x38;
	[tilespmem:$0x19500] =	vst v63  }
0x8a: {  	_ =	swait.ge [sflag:s26], $0x80  }
0x8b: {  	[sflag:s26] =	ssyncset.done $0x0  }
0x8c: {  	[sflag:s26] =	ssyncadd.s32 $0xFFFFFF80  }
0x8d: {  	[tilespmem:s29], [sflag:$0x1] =	stream.indirect.gather [hbm4b:s4+s28], $0x80, s3, s28, $0xb8;
	[tilespmem:$0x19500] =	vst v63  }
0x8e: {  	s6 =	sadd.s32 s1, s24  }
0x8f: {  	[tilespmem:s28], [sflag:$0x2] =	stream.linear.gather [hbm4b:s6+s3], $0x80, $0x38;
	[tilespmem:$0x19500] =	vst v63  }
0x90: {  	_ =	swait.ge [sflag:s26], $0x80  }
0x91: {  	[sflag:s26] =	ssyncset.done $0x0  }
0x92: {  	[sflag:s26] =	ssyncadd.s32 $0xFFFFFF80  }
0x93: {  	_ =	swait.ge [sflag:s30], $0x4000  }
0x94: {  	[sflag:s30] =	ssyncset.done $0x0  }
0x95: {  	[sflag:s30] =	ssyncadd.s32 $0xFFFFC000  }
0x96: {  	[spmem:s2] =	stream.indirect.scatter.add.f32 [tilespmem:s29], [sflag:$0x2], $0x80, s28, s28, $0xb8;
	[tilespmem:$0x19500] =	vst v63  }
0x97: {  	s7 =	stileid.u32;
	_ =	swait.ge [sflag:s26], $0x4000  }
0x98: {  	s8 =	sshrl.u32 s5, $0x3;
	s31 =	sadd.s32 $0x1, s31;
	[sflag:s26] =	ssyncset.done $0x0  }
0x99: {  	s0 =	sshll.u32 s7, $0x6;
	p0 =	sne.s32 s31, s22;
	[sflag:s26] =	ssyncadd.s32 $0xFFFFC000  }
.Ltmp2:
0x9a: {  	s0 =	sor.u32 $0x1C02, s0;
	[bflag:$0x0] =	sbarrier.arrive $0xFFFF;
	(pc) =	sbr.rel @p0 .LBB2_1-.Ltmp2, $4  }
0x9b: {  	[hbm:s21], [sflag:s0] =	dma.local [spmem:s8], $0x2800  }
0x9c: {  	_ =	swait.ge [sflag:s26], $0x2800  }
0x9d: {  	[sflag:s26] =	ssyncset.done $0x0  }
0x9e: {  	[sflag:s26] =	ssyncadd.s32 $0xFFFFD800  }
0x9f: {  	_ =	sfence.sel $0x180000  }
0xa0: {  	[bflag:$0x0] =	sbarrier.arrive $0xFFFF  }
0xa1: {  	_ =	strace $0x9000004D  }
0xa2: {  	s0 =	stileid.u32;
	[bflag:$0x2] =	sbarrier.arrive $0xFFFF  }
0xa3: {  	p0 =	sne.s32 s0, $0x0;
	s0 =	rddreg [dreg:$0x3]  }
0xa4: {  	s0 =	sadd.s32 @!p0 $0x100000, s0  }
0xa5: {  	[sflag:s0] =	ssyncadd.tile.s32 @!p0 $0x1;
	_ =	shalt  }
.Lfunc_end2:
_tile_overlayer_lowered:
.L_overlay_start_2:
0xa6: {  	(tag) =	ssettag $0x2  }
0xa7: {  	s0 =	rddreg [dreg:$0x0];
	s2 =	stileid.u32  }
0xa8: {  	s1 =	rddreg [dreg:$0x1];
	p0 =	sne.s32 s2, $0x0  }
0xa9: {  	s3 =	rddreg [dreg:$0x2];
	[bflag:$0x3] =	sbarrier.arrive $0xFFFF;
	s2 =	simm.s32 @!p0 $0x1C02  }
0xaa: {  	[timem:s3], [sflag:s2] =	dma.local @!p0 [hbm:s0], s1  }
0xab: {  	s0 =	simm.s32 @!p0 $0x2  }
0xac: {  	_ =	swait.ge @!p0 [sflag:s0], s1  }
0xad: {  	s1 =	ssub.s32 @!p0 $0x0, s1;
	[sflag:s0] =	ssyncset.done @!p0 $0x0  }
0xae: {  	[sflag:s0] =	ssyncadd.s32 @!p0 s1  }
0xaf: {  	[bflag:$0x3] =	sbarrier.arrive $0xFFFF  }
0xb0: {  	_ =	shalt  }

// kernel: kernel.20.cloned.1.call-start
scs
__scs_entry_jumppad:
0x0: {  	(pc) =	sbr.rel $0x88, $3  }
0x1: {  	(tag) =	ssettag $0x0;
	lr =	simm.s32 $0x1  }
0x2: {  	[smem:$0x3F97] =	sst lr;
	_ =	strace $0xD0000000  }
0x3: {  	_ = 	snop  }
0x4: {  	_ = 	snop  }
0x5: {  	_ = 	snop  }
0x6: {  	_ = 	snop  }
0x7: {  	_ = 	snop  }
__scs_overlays_trampoline_lowered:
0x8: {  	[smem:$0x3FA6] =	sst s0  }
0x9: {  	[smem:$0x3FA7] =	sst s1  }
0xa: {  	[smem:$0x3FA8] =	sst s2  }
0xb: {  	[smem:$0x3FA9] =	sst s3  }
0xc: {  	[smem:$0x3FAA] =	sst s4  }
0xd: {  	[smem:$0x3FAB] =	sst s5  }
0xe: {  	[smem:$0x3FAC] =	sst s6  }
0xf: {  	[smem:$0x3FAD] =	sst s7  }
0x10: {  	[smem:$0x3FAE] =	sst s8  }
0x11: {  	[smem:$0x3FAF] =	sst s9;
	s0 =	simm.s32 @!p0 $0x0  }
0x12: {  	s1 =	sld [smem:$0x3F95];
	s0 =	simm.s32 @p0 $0x1  }
0x13: {  	[smem:$0x3FB0] =	sst s0;
	s0 =	simm.s32 @!p1 $0x0  }
0x14: {  	s2 =	sld [smem:$0x3F94];
	s0 =	simm.s32 @p1 $0x1  }
0x15: {  	[smem:$0x3FB1] =	sst s0;
	s0 =	simm.s32 @!p2 $0x0  }
0x16: {  	s3 =	sld [smem:$0x3FDB];
	s0 =	simm.s32 @p2 $0x1  }
0x17: {  	s4 =	simm.s32 $0x1BF5;
	[smem:$0x3FB3] =	sst s0  }
0x18: {  	s0 =	sld [smem:$0x3F96];
	_ =	swait.ge [sflag:s4], $0x0  }
0x19: {  	s7 =	sld [smem:$0x3F97]  }
0x1a: {  	s8 =	sadd.s32 $0xFFFFE003, lr  }
0x1b: {  	s9 =	sadd.s32 $0xFFFFFEF7, lr;
	s5 =	simm.s32 $0xFFFFFFFF;
	p2 =	slt.u32 s8, $0xFFFFF086  }
0x1c: {  	p1 =	slt.u32 s9, $0xF7A;
	s5 =	simm.s32 @!p2 $0x0  }
0x1d: {  	s5 =	simm.s32 @p1 $0x1;
	p0 =	seq.s32 s7, s2  }
0x1e: {  	s7 =	smul.u32 @!p0 $0xF7A, s2;
	p2 =	seq.s32 @!p0 s5, $0x0  }
0x1f: {  	s9 =	smul.u32 $0xF7A, s1;
	s8 =	simm.s32 @!p0 $0x1BF5;
	p2 =	por !p2, p0  }
0x20: {  	[sflag:s8] =	ssyncset.s32 @!p0 $0xFFFFF086;
	s6 =	sadd.s32 @!p0 s3, s7;
	s7 =	simm.s32 @!p0 $0x108  }
0x21: {  	s3 =	sadd.s32 s3, s9;
	s6 =	sadd.s32 @!p0 $0x88, s6;
	s7 =	simm.s32 @p2 $0x1082  }
0x22: {  	[simem:s7], [sflag:s8] =	dma.local @!p0 [hbm:s6], $0xF7A  }
0x23: {  	s9 =	sor.u32 $0xD0000000, s2;
	s6 =	simm.s32 $0x108;
	_ =	swait.ge @!p0 [sflag:s8], $0x0  }
0x24: {  	s3 =	sadd.s32 $0x88, s3;
	s6 =	simm.s32 @!p1 $0x1082;
	[sflag:s4] =	ssyncset.s32 $0xFFFFF086  }
0x25: {  	[simem:s6], [sflag:s4] =	dma.local [hbm:s3], $0xF7A  }
0x26: {  	[smem:$0x3F97] =	sst s1;
	(tag) =	ssettag s2;
	_ =	strace s9  }
0x27: {  	s1 =	sld [smem:$0x3FA7]  }
0x28: {  	s2 =	sld [smem:$0x3FA8]  }
0x29: {  	s4 =	sld [smem:$0x3FAA]  }
0x2a: {  	p0 =	seq.s32 s5, $0x0;
	s5 =	sld [smem:$0x3FAB]  }
0x2b: {  	s6 =	sld [smem:$0x3FAC]  }
0x2c: {  	s7 =	sld [smem:$0x3FAD]  }
0x2d: {  	s3 =	simm.s32 $0x108;
	s8 =	sld [smem:$0x3FAE]  }
0x2e: {  	s3 =	simm.s32 @!p0 $0x1082;
	s9 =	sld [smem:$0x3FAF]  }
0x2f: {  	lr =	sadd.s32 s0, s3;
	s0 =	sld [smem:$0x3FA6]  }
0x30: {  	s3 =	sld [smem:$0x3FA9]  }
0x31: {  	[smem:$0x3FB2] =	sst s10  }
0x32: {  	s10 =	sld [smem:$0x3FB0];
	_ =	sdelay $0x3  }
0x33: {  	p0 =	seq.s32 s10, $0x1;
	s10 =	sld [smem:$0x3FB2];
	_ =	sdelay $0x3  }
0x34: {  	[smem:$0x3FB2] =	sst s10  }
0x35: {  	s10 =	sld [smem:$0x3FB1];
	_ =	sdelay $0x3  }
0x36: {  	p1 =	seq.s32 s10, $0x1;
	s10 =	sld [smem:$0x3FB2];
	_ =	sdelay $0x3  }
0x37: {  	[smem:$0x3FB2] =	sst s10  }
0x38: {  	s10 =	sld [smem:$0x3FB3]  }
0x39: {  	_ = 	snop;
	(pc) =	sbr.ind lr, $3  }
0x3a: {  	_ = 	snop  }
0x3b: {  	_ = 	snop  }
0x3c: {  	p2 =	seq.s32 s10, $0x1;
	s10 =	sld [smem:$0x3FB2]  }
0x3d: {  	_ =	shalt  }
0x3e: {  	_ =	shalt  }
0x3f: {  	_ =	shalt  }
0x40: {  	_ =	shalt  }
0x41: {  	_ =	shalt  }
0x42: {  	_ =	shalt  }
0x43: {  	_ =	shalt  }
0x44: {  	_ =	shalt  }
0x45: {  	_ =	shalt  }
0x46: {  	_ =	shalt  }
0x47: {  	_ =	shalt  }
0x48: {  	_ =	shalt  }
0x49: {  	_ =	shalt  }
0x4a: {  	_ =	shalt  }
0x4b: {  	_ =	shalt  }
0x4c: {  	_ =	shalt  }
0x4d: {  	_ =	shalt  }
0x4e: {  	_ =	shalt  }
0x4f: {  	_ =	shalt  }
0x50: {  	_ =	shalt  }
0x51: {  	_ =	shalt  }
0x52: {  	_ =	shalt  }
0x53: {  	_ =	shalt  }
0x54: {  	_ =	shalt  }
0x55: {  	_ =	shalt  }
0x56: {  	_ =	shalt  }
0x57: {  	_ =	shalt  }
0x58: {  	_ =	shalt  }
0x59: {  	_ =	shalt  }
0x5a: {  	_ =	shalt  }
0x5b: {  	_ =	shalt  }
0x5c: {  	_ =	shalt  }
0x5d: {  	_ =	shalt  }
0x5e: {  	_ =	shalt  }
0x5f: {  	_ =	shalt  }
0x60: {  	_ =	shalt  }
0x61: {  	_ =	shalt  }
0x62: {  	_ =	shalt  }
0x63: {  	_ =	shalt  }
0x64: {  	_ =	shalt  }
0x65: {  	_ =	shalt  }
0x66: {  	_ =	shalt  }
0x67: {  	_ =	shalt  }
0x68: {  	_ =	shalt  }
0x69: {  	_ =	shalt  }
0x6a: {  	_ =	shalt  }
0x6b: {  	_ =	shalt  }
0x6c: {  	_ =	shalt  }
0x6d: {  	_ =	shalt  }
0x6e: {  	_ =	shalt  }
0x6f: {  	_ =	shalt  }
0x70: {  	_ =	shalt  }
0x71: {  	_ =	shalt  }
0x72: {  	_ =	shalt  }
0x73: {  	_ =	shalt  }
0x74: {  	_ =	shalt  }
0x75: {  	_ =	shalt  }
0x76: {  	_ =	shalt  }
0x77: {  	_ =	shalt  }
0x78: {  	_ =	shalt  }
0x79: {  	_ =	shalt  }
0x7a: {  	_ =	shalt  }
0x7b: {  	_ =	shalt  }
0x7c: {  	_ =	shalt  }
0x7d: {  	_ =	shalt  }
0x7e: {  	_ =	shalt  }
0x7f: {  	_ =	shalt  }
0x80: {  	_ =	shalt  }
0x81: {  	_ =	shalt  }
0x82: {  	_ =	shalt  }
0x83: {  	_ =	shalt  }
0x84: {  	_ =	shalt  }
0x85: {  	_ =	shalt  }
0x86: {  	_ =	shalt  }
0x87: {  	_ =	shalt  }
.Lfunc_end0:
.L_simem_size_0:
called_computation.3_lowered:
.L_overlay_start_0:
0x88: {  	s2 =	sld [smem:$0x3FD9]  }
0x89: {  	s3 =	sld [smem:$0x3FFE];
	_ =	sdelay $0x1  }
0x8a: {  	s1 =	srdreg.scid  }
0x8b: {  	s0 =	sand.u32 $0x1, s1  }
0x8c: {  	s17 =	sshll.u32 s0, $0xA;
	s2 =	sadd.s32 s3, s2  }
0x8d: {  	s2 =	sadd.s32 s2, s17  }
0x8e: {  	[smem:$0x3FBE] =	sst s2  }
0x8f: {  	_ = 	snop  }
0x90: {  	s2 =	sld [smem:$0x3FD0];
	(tm) =	ssettm $0x1  }
0x91: {  	s18 =	sld [smem:$0x3FFB];
	_ =	sdelay $0x3  }
0x92: {  	_ =	strace s18  }
0x93: {  	s3 =	sld [smem:$0x3FFC];
	_ =	sdelay $0x3  }
0x94: {  	_ =	strace s3  }
0x95: {  	s3 =	sld [smem:$0x3FFD];
	_ =	sdelay $0x3  }
0x96: {  	_ =	strace s3  }
0x97: {  	_ =	strace $0x8FFFFFFF  }
0x98: {  	s19 =	sld [smem:$0x3FDB];
	_ =	sdelay $0x1  }
0x99: {  	s4 =	simm.s32 $_scs_section_size  }
0x9a: {  	s5 =	simm.s32 $_size__tile_overlayer_lowered;
	s6 =	simm.s32 $_tile_overlayer_lowered  }
0x9b: {  	s22 =	simm.s32 $0x1BFF;
	s21 =	sshll.u32 s6, $0x1;
	s3 =	sadd.s32 s4, s19  }
0x9c: {  	s7 =	simm.s32 $0x0;
	s20 =	sshll.u32 s5, $0x1;
	s5 =	sadd.s32 s21, s3  }
0x9d: {  	[timem:s7], [sflag:s22] =	dma.local [hbm:s5], s20  }
0x9e: {  	_ =	swait.ge [sflag:s22], s20  }
0x9f: {  	s4 =	ssub.s32 $0x0, s20;
	[sflag:s22] =	ssyncset.done $0x0  }
0xa0: {  	[sflag:s22] =	ssyncadd.s32 s4;
	_ =	sdelay $0x1  }
0xa1: {  	s23 =	simm.s32 $0x1B8B  }
0xa2: {  	_ =	swait.ge [sflag:s23], $0x1  }
0xa3: {  	[sflag:s23] =	ssyncset.done $0x0  }
0xa4: {  	s25 =	simm.s32 $0x1B8E;
	s24 =	sld [smem:$0x3FFE];
	[sflag:s23] =	ssyncadd.s32 $0xFFFFFFFF  }
0xa5: {  	s26 =	simm.s32 $execute0_lowered;
	[smem:$0x3FD2] =	sst s25  }
0xa6: {  	s5 =	sshll.u32 s26, $0x1;
	_ =	strace $0x8000004F;
	[dreg:$0x1] =	wrdreg $0xFFFFFFFF  }
0xa7: {  	s28 =	simm.s32 $_size_execute0_lowered;
	s3 =	sadd.s32 s3, s5;
	[dreg:$0x0] =	wrdreg $0x0  }
0xa8: {  	s5 =	sshll.u32 s28, $0x1;
	[dreg:$0x2] =	wrdreg s3  }
0xa9: {  	[dreg:$0x3] =	wrdreg s5  }
0xaa: {  	[dreg:$0x4] =	wrdreg $0xC0  }
0xab: {  	_ =	task [dreg:s7], $0x5FFFF  }
0xac: {  	[dreg:$0x1] =	wrdreg $0xFFFFFFFF  }
0xad: {  	[dreg:$0x0] =	wrdreg $0x60  }
0xae: {  	[dreg:$0x2] =	wrdreg s24  }
0xaf: {  	[dreg:$0x3] =	wrdreg s2  }
0xb0: {  	[dreg:$0x4] =	wrdreg $0x55000  }
0xb1: {  	[dreg:$0x5] =	wrdreg $0x9  }
0xb2: {  	_ =	task.clear_ibuf [dreg:s7], $0x6FFFF;
	_ =	strace $0x9000004F  }
0xb3: {  	s29 =	simm.s32 $0x9;
	_ =	strace $0x80000051  }
0xb4: {  	_ =	swait.ge [sflag:s29], $0x1  }
0xb5: {  	[sflag:s29] =	ssyncadd.s32 $0xFFFFFFFF  }
0xb6: {  	_ =	strace $0x90000051  }
0xb7: {  	_ =	sfence  }
0xb8: {  	s30 =	sld [smem:$0x0];
	_ =	sdelay $0x2  }
0xb9: {  	s31 =	sshll.u32 s1, $0xD;
	s1 =	sshrl.u32 s1, $0x2  }
0xba: {  	s3 =	sand.u32 $0x4000, s31;
	s1 =	sadd.s32 s1, s30  }
0xbb: {  	s0 =	sor.u32 s3, s0;
	s1 =	sshll.u32 s1, $0x11  }
0xbc: {  	s0 =	sor.u32 s1, s0  }
0xbd: {  	s0 =	sadd.s32 $0x8F2B, s0  }
0xbe: {  	[sflag:s0] =	ssyncadd.remote.s32 $0x1  }
0xbf: {  	_ =	sfence.sel $0xFFFF  }
0xc0: {  	[dreg:$0x0] =	wrdreg $0xFFFFFFFF;
	(pc) =	sbr.abs _section_cstart, $3  }
0xc1: {  	[dreg:$0x1] =	wrdreg $0xFFFFFFFF  }
0xc2: {  	_ =	task.clear_ibuf [dreg:s7], $0x2FFFF;
	_ =	strace $0x9FFFFFFF  }
0xc3: {  	(tm) =	ssettm $0x7FFFFFFF  }
tec
execute0_lowered:
.L_overlay_start_1:
0x0: {  	(tag) =	ssettag $0x1  }
0x1: {  	s0 =	rddreg [dreg:$0x0]  }
0x2: {  	s4 =	stileid.u32;
	s20 =	rddreg [dreg:$0x1]  }
0x3: {  	s1 =	srdreg.scid;
	s2 =	rddreg [dreg:$0x2];
	s3 =	simm.s32 $0x0  }
0x4: {  	s28 =	simm.s32 $0x80;
	s29 =	simm.s32 $0x100;
	s21 =	smul.u32 $0x9E0, s4  }
0x5: {  	s30 =	simm.s32 $0x1;
	s31 =	simm.s32 $0x0;
	s6 =	smul.u32 $0x14000, s4  }
0x6: {  	s1 =	sand.u32 $0x1, s1;
	[smem:$0x7FF] =	sst s3;
	s7 =	smul.u32 $0x50000, s4  }
0x7: {  	s4 =	sadd.s32 $0xCC00, s0;
	s5 =	smul.u32 $0x140000, s1;
	_ =	strace $0x80000050  }
0x8: {  	s18 =	ssub.s32 $0x2, s1;
	s1 =	smul.u32 $0x4F0, s1;
	s22 =	sadd.s32 s21, s0  }
0x9: {  	s7 =	sshrl.u32 s7, $0x2;
	s9 =	sshrl.u32 s18, $0x1;
	s5 =	sadd.s32 s6, s5  }
0xa: {  	s23 =	ssub.s32 s18, s9;
	s26 =	sadd.s32 s1, s22;
	s8 =	sshrl.u32 s5, $0x3  }
0xb: {  	s5 =	sadd.s32 s7, s2;
	s22 =	smax.u32 s23, $0x1;
	s23 =	sadd.s32 $0x2E00, s26  }
0xc: {  	s26 =	simm.s32 $0x2;
	s0 =	sadd.s32 s8, s0;
	s19 =	sadd.s32 $0x1400, s5  }
0xd: {  	s24 =	sadd.s32 $0x2800, s5;
	s25 =	sadd.s32 $0x3C00, s5;
	s9 =	sadd.s32 $0x5000, s5  }
0xe: {  	s10 =	sadd.s32 $0x6400, s5;
	s11 =	sadd.s32 $0x7800, s5;
	s12 =	sadd.s32 $0x8C00, s5  }
0xf: {  	s13 =	sadd.s32 $0xA000, s5;
	s14 =	sadd.s32 $0xB400, s5;
	[dreg:$0x4] =	wrdreg s19  }
0x10: {  	s15 =	sadd.s32 $0xC800, s5;
	s16 =	sadd.s32 $0xDC00, s5;
	[dreg:$0x5] =	wrdreg s24  }
0x11: {  	s17 =	sadd.s32 $0xF000, s5;
	s18 =	sadd.s32 $0x10400, s5;
	[dreg:$0x6] =	wrdreg s25  }
0x12: {  	s19 =	sadd.s32 $0x11800, s5;
	s24 =	sadd.s32 s21, s20;
	s20 =	sadd.s32 $0x12C00, s5  }
0x13: {  	v0 =	vimm.f32 $0.0e+00;
	s21 =	sadd.s32 $0x33E00, s0;
	s25 =	simm.s32 $0x4100;
	s24 =	sadd.s32 s1, s24  }
.LBB2_1:
0x14: {  	s1 =	simm.s32 $0x0;
	s0 =	simm.s32 $0x200  }
.LBB2_2:
0x15: {  	p0 =	sne.s32 s0, $0x4E00;
	[tilespmem:s1+$0x4170] =	vst v0  }
0x16: {  	[tilespmem:s1+$0x4100] =	vst v0  }
0x17: {  	[tilespmem:s1+$0x4110] =	vst v0  }
.Ltmp0:
0x18: {  	[tilespmem:s1+$0x4120] =	vst v0;
	(pc) =	sbr.rel @p0 .LBB2_2-.Ltmp0, $4  }
0x19: {  	[tilespmem:s1+$0x4130] =	vst v0  }
0x1a: {  	[tilespmem:s1+$0x4140] =	vst v0  }
0x1b: {  	[tilespmem:s1+$0x4150] =	vst v0  }
0x1c: {  	[tilespmem:s1+$0x4160] =	vst v0;
	s1 =	sshra.s32 s0, $0x2;
	s0 =	sadd.s32 $0x200, s0  }
0x1d: {  	[tilespmem:s1+$0x4170] =	vst v0  }
0x1e: {  	[tilespmem:s1+$0x4100] =	vst v0  }
0x1f: {  	[tilespmem:s1+$0x4110] =	vst v0  }
0x20: {  	[tilespmem:s1+$0x4120] =	vst v0  }
0x21: {  	[tilespmem:s1+$0x4130] =	vst v0  }
0x22: {  	[tilespmem:s1+$0x4140] =	vst v0  }
0x23: {  	[tilespmem:s1+$0x4150] =	vst v0  }
0x24: {  	[tilespmem:s1+$0x4160] =	vst v0  }
0x25: {  	[spmem:s5] =	stream.linear.scatter [tilespmem:s25], [sflag:$0x2], $0x1400, $0x38;
	[tilespmem:$0x19500] =	vst v63  }
0x26: {  	_ =	swait.ge [sflag:s26], $0x1400  }
0x27: {  	[sflag:s26] =	ssyncset.done $0x0  }
0x28: {  	s0 =	rddreg [dreg:$0x4];
	[sflag:s26] =	ssyncadd.s32 $0xFFFFEC00  }
0x29: {  	[spmem:s0] =	stream.linear.scatter [tilespmem:s25], [sflag:$0x2], $0x1400, $0x38;
	[tilespmem:$0x19500] =	vst v63  }
0x2a: {  	_ =	swait.ge [sflag:s26], $0x1400  }
0x2b: {  	[sflag:s26] =	ssyncset.done $0x0  }
0x2c: {  	s1 =	rddreg [dreg:$0x5];
	[sflag:s26] =	ssyncadd.s32 $0xFFFFEC00  }
0x2d: {  	[spmem:s1] =	stream.linear.scatter [tilespmem:s25], [sflag:$0x2], $0x1400, $0x38;
	[tilespmem:$0x19500] =	vst v63  }
0x2e: {  	_ =	swait.ge [sflag:s26], $0x1400  }
0x2f: {  	[sflag:s26] =	ssyncset.done $0x0  }
0x30: {  	s6 =	rddreg [dreg:$0x6];
	[sflag:s26] =	ssyncadd.s32 $0xFFFFEC00  }
0x31: {  	[spmem:s6] =	stream.linear.scatter [tilespmem:s25], [sflag:$0x2], $0x1400, $0x38;
	[tilespmem:$0x19500] =	vst v63  }
0x32: {  	_ =	swait.ge [sflag:s26], $0x1400  }
0x33: {  	[sflag:s26] =	ssyncset.done $0x0  }
0x34: {  	[sflag:s26] =	ssyncadd.s32 $0xFFFFEC00  }
0x35: {  	[spmem:s9] =	stream.linear.scatter [tilespmem:s25], [sflag:$0x2], $0x1400, $0x38;
	[tilespmem:$0x19500] =	vst v63  }
0x36: {  	_ =	swait.ge [sflag:s26], $0x1400  }
0x37: {  	[sflag:s26] =	ssyncset.done $0x0  }
0x38: {  	[sflag:s26] =	ssyncadd.s32 $0xFFFFEC00  }
0x39: {  	[spmem:s10] =	stream.linear.scatter [tilespmem:s25], [sflag:$0x2], $0x1400, $0x38;
	[tilespmem:$0x19500] =	vst v63  }
0x3a: {  	_ =	swait.ge [sflag:s26], $0x1400  }
0x3b: {  	[sflag:s26] =	ssyncset.done $0x0  }
0x3c: {  	[sflag:s26] =	ssyncadd.s32 $0xFFFFEC00  }
0x3d: {  	[spmem:s11] =	stream.linear.scatter [tilespmem:s25], [sflag:$0x2], $0x1400, $0x38;
	[tilespmem:$0x19500] =	vst v63  }
0x3e: {  	_ =	swait.ge [sflag:s26], $0x1400  }
0x3f: {  	[sflag:s26] =	ssyncset.done $0x0  }
0x40: {  	[sflag:s26] =	ssyncadd.s32 $0xFFFFEC00  }
0x41: {  	[spmem:s12] =	stream.linear.scatter [tilespmem:s25], [sflag:$0x2], $0x1400, $0x38;
	[tilespmem:$0x19500] =	vst v63  }
0x42: {  	_ =	swait.ge [sflag:s26], $0x1400  }
0x43: {  	[sflag:s26] =	ssyncset.done $0x0  }
0x44: {  	[sflag:s26] =	ssyncadd.s32 $0xFFFFEC00  }
0x45: {  	[spmem:s13] =	stream.linear.scatter [tilespmem:s25], [sflag:$0x2], $0x1400, $0x38;
	[tilespmem:$0x19500] =	vst v63  }
0x46: {  	_ =	swait.ge [sflag:s26], $0x1400  }
0x47: {  	[sflag:s26] =	ssyncset.done $0x0  }
0x48: {  	[sflag:s26] =	ssyncadd.s32 $0xFFFFEC00  }
0x49: {  	[spmem:s14] =	stream.linear.scatter [tilespmem:s25], [sflag:$0x2], $0x1400, $0x38;
	[tilespmem:$0x19500] =	vst v63  }
0x4a: {  	_ =	swait.ge [sflag:s26], $0x1400  }
0x4b: {  	[sflag:s26] =	ssyncset.done $0x0  }
0x4c: {  	[sflag:s26] =	ssyncadd.s32 $0xFFFFEC00  }
0x4d: {  	[spmem:s15] =	stream.linear.scatter [tilespmem:s25], [sflag:$0x2], $0x1400, $0x38;
	[tilespmem:$0x19500] =	vst v63  }
0x4e: {  	_ =	swait.ge [sflag:s26], $0x1400  }
0x4f: {  	[sflag:s26] =	ssyncset.done $0x0  }
0x50: {  	[sflag:s26] =	ssyncadd.s32 $0xFFFFEC00  }
0x51: {  	[spmem:s16] =	stream.linear.scatter [tilespmem:s25], [sflag:$0x2], $0x1400, $0x38;
	[tilespmem:$0x19500] =	vst v63  }
0x52: {  	_ =	swait.ge [sflag:s26], $0x1400  }
0x53: {  	[sflag:s26] =	ssyncset.done $0x0  }
0x54: {  	[sflag:s26] =	ssyncadd.s32 $0xFFFFEC00  }
0x55: {  	[spmem:s17] =	stream.linear.scatter [tilespmem:s25], [sflag:$0x2], $0x1400, $0x38;
	[tilespmem:$0x19500] =	vst v63  }
0x56: {  	_ =	swait.ge [sflag:s26], $0x1400  }
0x57: {  	[sflag:s26] =	ssyncset.done $0x0  }
0x58: {  	[sflag:s26] =	ssyncadd.s32 $0xFFFFEC00  }
0x59: {  	[spmem:s18] =	stream.linear.scatter [tilespmem:s25], [sflag:$0x2], $0x1400, $0x38;
	[tilespmem:$0x19500] =	vst v63  }
0x5a: {  	_ =	swait.ge [sflag:s26], $0x1400  }
0x5b: {  	[sflag:s26] =	ssyncset.done $0x0  }
0x5c: {  	[sflag:s26] =	ssyncadd.s32 $0xFFFFEC00  }
0x5d: {  	[spmem:s19] =	stream.linear.scatter [tilespmem:s25], [sflag:$0x2], $0x1400, $0x38;
	[tilespmem:$0x19500] =	vst v63  }
0x5e: {  	_ =	swait.ge [sflag:s26], $0x1400  }
0x5f: {  	[sflag:s26] =	ssyncset.done $0x0  }
0x60: {  	[sflag:s26] =	ssyncadd.s32 $0xFFFFEC00  }
0x61: {  	[spmem:s20] =	stream.linear.scatter [tilespmem:s25], [sflag:$0x2], $0x1400, $0x38;
	[tilespmem:$0x19500] =	vst v63  }
0x62: {  	_ =	swait.ge [sflag:s26], $0x1400  }
0x63: {  	[sflag:s26] =	ssyncset.done $0x0  }
0x64: {  	[sflag:s26] =	ssyncadd.s32 $0xFFFFEC00  }
0x65: {  	s7 =	sadd.s32 $0x0, s23;
	[bflag:$0x0] =	sbarrier.arrive $0xFFFF  }
0x66: {  	[tilespmem:s3], [sflag:$0x2] =	stream.linear.gather [hbm4b:s7+s3], $0x80, $0x38;
	[tilespmem:$0x19500] =	vst v63  }
0x67: {  	_ =	swait.ge [sflag:s26], $0x80  }
0x68: {  	[sflag:s26] =	ssyncset.done $0x0  }
0x69: {  	[sflag:s26] =	ssyncadd.s32 $0xFFFFFF80  }
0x6a: {  	[tilespmem:s29], [sflag:$0x1] =	stream.indirect.gather [hbm4b:s4+s28], $0x80, s3, s28, $0xb8;
	[tilespmem:$0x19500] =	vst v63  }
0x6b: {  	s8 =	sadd.s32 $0x0, s24  }
0x6c: {  	[tilespmem:s28], [sflag:$0x2] =	stream.linear.gather [hbm4b:s8+s3], $0x80, $0x38;
	[tilespmem:$0x19500] =	vst v63  }
0x6d: {  	_ =	swait.ge [sflag:s26], $0x80  }
0x6e: {  	[sflag:s26] =	ssyncset.done $0x0  }
0x6f: {  	[sflag:s26] =	ssyncadd.s32 $0xFFFFFF80  }
0x70: {  	_ =	swait.ge [sflag:s30], $0x4000  }
0x71: {  	[sflag:s30] =	ssyncset.done $0x0  }
0x72: {  	[sflag:s30] =	ssyncadd.s32 $0xFFFFC000  }
0x73: {  	[spmem:s2] =	stream.indirect.scatter.add.f32 [tilespmem:s29], [sflag:$0x2], $0x80, s28, s28, $0xb8;
	[tilespmem:$0x19500] =	vst v63  }
0x74: {  	_ =	swait.ge [sflag:s26], $0x4000  }
0x75: {  	s0 =	simm.s32 $0x20;
	s1 =	simm.s32 $0x10;
	[sflag:s26] =	ssyncset.done $0x0  }
.LBB2_4:
0x76: {  	s6 =	sadd.s32 s1, s23  }
0x77: {  	[sflag:s26] =	ssyncadd.s32 $0xFFFFC000;
	s7 =	smov.u32 s0;
	s8 =	sadd.s32 $0x10, s0  }
0x78: {  	[tilespmem:s3], [sflag:$0x2] =	stream.linear.gather [hbm4b:s6+s3], $0x80, $0x38;
	[tilespmem:$0x19500] =	vst v63  }
0x79: {  	p0 =	sne.s32 s0, $0x4E0;
	_ =	swait.ge [sflag:s26], $0x80  }
0x7a: {  	[sflag:s26] =	ssyncset.done $0x0  }
0x7b: {  	[sflag:s26] =	ssyncadd.s32 $0xFFFFFF80  }
0x7c: {  	[tilespmem:s29], [sflag:$0x1] =	stream.indirect.gather [hbm4b:s4+s28], $0x80, s3, s28, $0xb8;
	[tilespmem:$0x19500] =	vst v63  }
0x7d: {  	s0 =	sadd.s32 s1, s24;
	s1 =	smov.u32 s7  }
0x7e: {  	[tilespmem:s28], [sflag:$0x2] =	stream.linear.gather [hbm4b:s0+s3], $0x80, $0x38;
	[tilespmem:$0x19500] =	vst v63  }
0x7f: {  	_ =	swait.ge [sflag:s26], $0x80  }
0x80: {  	[sflag:s26] =	ssyncset.done $0x0  }
0x81: {  	[sflag:s26] =	ssyncadd.s32 $0xFFFFFF80  }
0x82: {  	_ =	swait.ge [sflag:s30], $0x4000  }
.Ltmp1:
0x83: {  	[sflag:s30] =	ssyncset.done $0x0;
	(pc) =	sbr.rel @p0 .LBB2_4-.Ltmp1, $4  }
0x84: {  	[sflag:s30] =	ssyncadd.s32 $0xFFFFC000  }
0x85: {  	[spmem:s2] =	stream.indirect.scatter.add.f32 [tilespmem:s29], [sflag:$0x2], $0x80, s28, s28, $0xb8;
	[tilespmem:$0x19500] =	vst v63  }
0x86: {  	_ =	swait.ge [sflag:s26], $0x4000  }
0x87: {  	s0 =	smov.u32 s8;
	[sflag:s26] =	ssyncset.done $0x0  }
0x88: {  	s0 =	sadd.s32 s1, s23;
	[sflag:s26] =	ssyncadd.s32 $0xFFFFC000  }
0x89: {  	[tilespmem:s3], [sflag:$0x2] =	stream.linear.gather [hbm4b:s0+s3], $0x80, $0x38;
	[tilespmem:$0x19500] =	vst v63  }
0x8a: {  	_ =	swait.ge [sflag:s26], $0x80  }
0x8b: {  	[sflag:s26] =	ssyncset.done $0x0  }
0x8c: {  	[sflag:s26] =	ssyncadd.s32 $0xFFFFFF80  }
0x8d: {  	[tilespmem:s29], [sflag:$0x1] =	stream.indirect.gather [hbm4b:s4+s28], $0x80, s3, s28, $0xb8;
	[tilespmem:$0x19500] =	vst v63  }
0x8e: {  	s6 =	sadd.s32 s1, s24  }
0x8f: {  	[tilespmem:s28], [sflag:$0x2] =	stream.linear.gather [hbm4b:s6+s3], $0x80, $0x38;
	[tilespmem:$0x19500] =	vst v63  }
0x90: {  	_ =	swait.ge [sflag:s26], $0x80  }
0x91: {  	[sflag:s26] =	ssyncset.done $0x0  }
0x92: {  	[sflag:s26] =	ssyncadd.s32 $0xFFFFFF80  }
0x93: {  	_ =	swait.ge [sflag:s30], $0x4000  }
0x94: {  	[sflag:s30] =	ssyncset.done $0x0  }
0x95: {  	[sflag:s30] =	ssyncadd.s32 $0xFFFFC000  }
0x96: {  	[spmem:s2] =	stream.indirect.scatter.add.f32 [tilespmem:s29], [sflag:$0x2], $0x80, s28, s28, $0xb8;
	[tilespmem:$0x19500] =	vst v63  }
0x97: {  	s7 =	stileid.u32;
	_ =	swait.ge [sflag:s26], $0x4000  }
0x98: {  	s8 =	sshrl.u32 s5, $0x3;
	s31 =	sadd.s32 $0x1, s31;
	[sflag:s26] =	ssyncset.done $0x0  }
0x99: {  	s0 =	sshll.u32 s7, $0x6;
	p0 =	sne.s32 s31, s22;
	[sflag:s26] =	ssyncadd.s32 $0xFFFFC000  }
.Ltmp2:
0x9a: {  	s0 =	sor.u32 $0x1C02, s0;
	[bflag:$0x0] =	sbarrier.arrive $0xFFFF;
	(pc) =	sbr.rel @p0 .LBB2_1-.Ltmp2, $4  }
0x9b: {  	[hbm:s21], [sflag:s0] =	dma.local [spmem:s8], $0x2800  }
0x9c: {  	_ =	swait.ge [sflag:s26], $0x2800  }
0x9d: {  	[sflag:s26] =	ssyncset.done $0x0  }
0x9e: {  	[sflag:s26] =	ssyncadd.s32 $0xFFFFD800  }
0x9f: {  	_ =	sfence.sel $0x180000  }
0xa0: {  	[bflag:$0x0] =	sbarrier.arrive $0xFFFF  }
0xa1: {  	_ =	strace $0x90000050  }
0xa2: {  	s0 =	stileid.u32;
	[bflag:$0x2] =	sbarrier.arrive $0xFFFF  }
0xa3: {  	p0 =	sne.s32 s0, $0x0;
	s0 =	rddreg [dreg:$0x3]  }
0xa4: {  	s0 =	sadd.s32 @!p0 $0x100000, s0  }
0xa5: {  	[sflag:s0] =	ssyncadd.tile.s32 @!p0 $0x1;
	_ =	shalt  }
.Lfunc_end2:
_tile_overlayer_lowered:
.L_overlay_start_2:
0xa6: {  	(tag) =	ssettag $0x2  }
0xa7: {  	s0 =	rddreg [dreg:$0x0];
	s2 =	stileid.u32  }
0xa8: {  	s1 =	rddreg [dreg:$0x1];
	p0 =	sne.s32 s2, $0x0  }
0xa9: {  	s3 =	rddreg [dreg:$0x2];
	[bflag:$0x3] =	sbarrier.arrive $0xFFFF;
	s2 =	simm.s32 @!p0 $0x1C02  }
0xaa: {  	[timem:s3], [sflag:s2] =	dma.local @!p0 [hbm:s0], s1  }
0xab: {  	s0 =	simm.s32 @!p0 $0x2  }
0xac: {  	_ =	swait.ge @!p0 [sflag:s0], s1  }
0xad: {  	s1 =	ssub.s32 @!p0 $0x0, s1;
	[sflag:s0] =	ssyncset.done @!p0 $0x0  }
0xae: {  	[sflag:s0] =	ssyncadd.s32 @!p0 s1  }
0xaf: {  	[bflag:$0x3] =	sbarrier.arrive $0xFFFF  }
0xb0: {  	_ =	shalt  }

</sc_bundles>
